<compile_context>
chip_gen: v7x
topology: tpu7x:2x2x1
jax: 0.10.2.dev20260603
libtpu: 0.0.44.dev20260713+nightly
codegen_flags: <defaults>
</compile_context>

<pallas_src>
import functools

import jax
import jax.numpy as jnp
from jax import lax
from jax.experimental import pallas as pl
from jax.experimental.pallas import tpu as pltpu
from jax.experimental.pallas import tpu_sc as plsc

NUM_FIELDS = 100000
D = 64
N = 409600

NC = 2
NS = 16
NW = NC * NS
B_PER_W = N // NW
C = 160
NCHUNKS = B_PER_W // C
NPAIRS = NCHUNKS // 2
GL = (128, 32)


def _emb_body(ids_hbm, vals_hbm, tab_hbm, out_hbm,
              idx_all, vals_all, tb0, tb1, ob0, ob1,
              s_in0, s_in1, s_out0, s_out1):
    wid = lax.axis_index("s") * NC + lax.axis_index("c")
    base = wid * B_PER_W

    pltpu.sync_copy(ids_hbm.at[pl.ds(base, B_PER_W)], idx_all)
    pltpu.sync_copy(vals_hbm.at[pl.ds(base, B_PER_W)], vals_all)

    tb_b = (tb0, tb1)
    ob_b = (ob0, ob1)
    s_in = (s_in0, s_in1)
    s_out = (s_out0, s_out1)

    def gather_descs(c, slot):
        descs = []
        j = 0
        for glen in GL:
            off = pl.multiple_of(c * C + j, 8)
            idx_ref = idx_all.at[pl.ds(off, glen)]
            dst = pl.ds(j, glen)
            descs.append(pltpu.make_async_copy(
                tab_hbm.at[idx_ref], tb_b[slot].at[dst], s_in[slot]))
            j += glen
        return descs

    def store_desc(c, slot):
        off = pl.multiple_of(base + c * C, 8)
        return pltpu.make_async_copy(
            ob_b[slot], out_hbm.at[pl.ds(off, C)], s_out[slot])

    def compute(c, slot):
        tb_r, ob_r = tb_b[slot], ob_b[slot]
        coff = c * C

        def group(g, _):
            vvec = vals_all[pl.ds(coff + g * 16, 16)]
            for rr in range(16):
                v = vvec[rr]
                r = g * 16 + rr
                for dblk in range(D // 16):
                    fe_sl = pl.ds(dblk * 16, 16)
                    vs_sl = pl.ds(D + dblk * 16, 16)
                    ob_r[r, fe_sl] = tb_r[r, fe_sl] + v * tb_r[r, vs_sl]
            return 0

        lax.fori_loop(0, C // 16, group, 0)

    for dsc in gather_descs(0, 0):
        dsc.start()

    def pair(i, _):
        for b in (0, 1):
            c = 2 * i + b

            @pl.when(c + 1 < NCHUNKS)
            def _prefetch():
                for dsc in gather_descs(c + 1, 1 - b):
                    dsc.start()

            for dsc in gather_descs(c, b):
                dsc.wait()

            @pl.when(i >= 1)
            def _drain_store():
                store_desc(c - 2, b).wait()

            compute(c, b)
            store_desc(c, b).start()
        return 0

    lax.fori_loop(0, NPAIRS, pair, 0)
    store_desc(NCHUNKS - 2, 0).wait()
    store_desc(NCHUNKS - 1, 1).wait()


@jax.jit
def _emb_lookup(field_ids, values, table):
    mesh = plsc.VectorSubcoreMesh(
        core_axis_name="c", subcore_axis_name="s",
        num_cores=NC, num_subcores=NS)
    f = functools.partial(
        pl.kernel,
        out_type=jax.ShapeDtypeStruct((N, D), jnp.float32),
        mesh=mesh,
        scratch_types=[
            pltpu.VMEM((B_PER_W,), jnp.int32),
            pltpu.VMEM((B_PER_W,), jnp.float32),
            pltpu.VMEM((C, 2 * D), jnp.float32),
            pltpu.VMEM((C, 2 * D), jnp.float32),
            pltpu.VMEM((C, D), jnp.float32),
            pltpu.VMEM((C, D), jnp.float32),
            pltpu.SemaphoreType.DMA,
            pltpu.SemaphoreType.DMA,
            pltpu.SemaphoreType.DMA,
            pltpu.SemaphoreType.DMA,
        ],
    )(_emb_body)
    return f(field_ids, values, table)


def kernel(field_ids, values, field_embedding, value_scale):
    table = lax.optimization_barrier(
        jnp.concatenate([field_embedding, value_scale], axis=1))
    out = _emb_lookup(field_ids.astype(jnp.int32), values, table)
    return lax.optimization_barrier(out)

# --- scband reference (transcript-rebuilt; emitter-appended) ---
"""Pipeline reference for scband-default-branch-embedding-49615462203591 (READ-ONLY COPY).

The authoritative reference and input builder live on the scoring server;
editing this copy changes nothing except your own understanding.
"""

import jax, jax.numpy as jnp
import numpy as np

NUM_FIELDS = 100000
D_MODEL = 64
N = 409600

def setup_inputs(seed: int = 0) -> dict:
    key = jax.random.key(seed)
    k1, k2, k3, k4 = jax.random.split(key, 4)
    field_ids = jax.random.randint(k1, (N,), 0, NUM_FIELDS, dtype=jnp.int64 if jax.config.read('jax_enable_x64') else jnp.int32)
    values = jax.random.normal(k2, (N,), dtype=jnp.float32)
    field_embedding = jax.random.normal(k3, (NUM_FIELDS, D_MODEL), dtype=jnp.float32) * 0.02
    value_scale = jax.random.normal(k4, (NUM_FIELDS, D_MODEL), dtype=jnp.float32) * 0.02
    return {"field_ids": field_ids, "values": values, "field_embedding": field_embedding, "value_scale": value_scale}

def reference(field_ids, values, field_embedding, value_scale):
    fe = jnp.take(field_embedding, field_ids, axis=0)
    vs = jnp.take(value_scale, field_ids, axis=0)
    return fe + values[:, None] * vs

if __name__ == "__main__":
    import jax
    _d = setup_inputs()
    print(jax.jit(kernel)(*tuple(_d.values())))

</pallas_src>

<mosaic_0001>
#map = affine_map<(d0, d1) -> (0)>
#map1 = affine_map<(d0, d1) -> (0, 0)>
module attributes {stable_mosaic.version = 14 : i64} {
  func.func @_emb_body(%arg0: i32, %arg1: i32, %arg2: memref<409600xi32, #tpu.memory_space<hbm>>, %arg3: memref<409600xf32, #tpu.memory_space<hbm>>, %arg4: memref<100000x128xf32, #tpu.memory_space<hbm>>, %arg5: memref<409600x64xf32, #tpu.memory_space<hbm>>, %arg6: memref<12800xi32, #tpu.memory_space<vmem>>, %arg7: memref<12800xf32, #tpu.memory_space<vmem>>, %arg8: memref<160x128xf32, #tpu.memory_space<vmem>>, %arg9: memref<160x128xf32, #tpu.memory_space<vmem>>, %arg10: memref<160x64xf32, #tpu.memory_space<vmem>>, %arg11: memref<160x64xf32, #tpu.memory_space<vmem>>, %arg12: memref<!tpu.dma_semaphore, #tpu.memory_space<semaphore_mem>>, %arg13: memref<!tpu.dma_semaphore, #tpu.memory_space<semaphore_mem>>, %arg14: memref<!tpu.dma_semaphore, #tpu.memory_space<semaphore_mem>>, %arg15: memref<!tpu.dma_semaphore, #tpu.memory_space<semaphore_mem>>) attributes {dimension_semantics = [#tpu.dimension_semantics<core_parallel>, #tpu.dimension_semantics<subcore_parallel>], iteration_bounds = array<i64: 2, 16>, scalar_prefetch = 0 : i64, scratch_operands = 10 : i64, tpu.core_type = #tpu.core_type<sc_vector_subcore>, window_params = [{transform_indices = #map}, {transform_indices = #map}, {transform_indices = #map1}, {transform_indices = #map1}]} {
    %mul3A = arith.constant 2 : i32
    %mul3A_0 = arith.muli %arg1, %mul3A : i32
    %add3A = arith.addi %mul3A_0, %arg0 : i32
    %mul3A_1 = arith.constant 12800 : i32
    %mul3A_2 = arith.muli %add3A, %mul3A_1 : i32
    "tpu.region"() ({
      %run_scoped3A = tpu.sem_alloc : memref<!tpu.dma_semaphore, #tpu.memory_space<semaphore_mem>>
      %dma_start3A_38 = tpu.memref_slice %arg2[%mul3A_2] : memref<409600xi32, #tpu.memory_space<hbm>> -> memref<12800xi32, #tpu.memory_space<hbm>>
      %dma_start3A_39 = tpu.memref_slice %arg2[%mul3A_2] : memref<409600xi32, #tpu.memory_space<hbm>> -> memref<12800xi32, #tpu.memory_space<hbm>>
      tpu.enqueue_dma source(%dma_start3A_39 : memref<12800xi32, #tpu.memory_space<hbm>>) target(%arg6 : memref<12800xi32, #tpu.memory_space<vmem>>) target_semaphore(%run_scoped3A : memref<!tpu.dma_semaphore, #tpu.memory_space<semaphore_mem>>)
      %dma_wait3A_40 = tpu.memref_slice %arg2[%mul3A_2] : memref<409600xi32, #tpu.memory_space<hbm>> -> memref<12800xi32, #tpu.memory_space<hbm>>
      %dma_wait3A_41 = tpu.memref_slice %arg2[%mul3A_2] : memref<409600xi32, #tpu.memory_space<hbm>> -> memref<12800xi32, #tpu.memory_space<hbm>>
      tpu.wait_dma2 semaphore(%run_scoped3A : memref<!tpu.dma_semaphore, #tpu.memory_space<semaphore_mem>>) src(%dma_wait3A_41 : memref<12800xi32, #tpu.memory_space<hbm>>) dst(%arg6 : memref<12800xi32, #tpu.memory_space<vmem>>)
      tpu.yield
    }) : () -> ()
    "tpu.region"() ({
      %run_scoped3A = tpu.sem_alloc : memref<!tpu.dma_semaphore, #tpu.memory_space<semaphore_mem>>
      %dma_start3A_38 = tpu.memref_slice %arg3[%mul3A_2] : memref<409600xf32, #tpu.memory_space<hbm>> -> memref<12800xf32, #tpu.memory_space<hbm>>
      %dma_start3A_39 = tpu.memref_slice %arg3[%mul3A_2] : memref<409600xf32, #tpu.memory_space<hbm>> -> memref<12800xf32, #tpu.memory_space<hbm>>
      tpu.enqueue_dma source(%dma_start3A_39 : memref<12800xf32, #tpu.memory_space<hbm>>) target(%arg7 : memref<12800xf32, #tpu.memory_space<vmem>>) target_semaphore(%run_scoped3A : memref<!tpu.dma_semaphore, #tpu.memory_space<semaphore_mem>>)
      %dma_wait3A_40 = tpu.memref_slice %arg3[%mul3A_2] : memref<409600xf32, #tpu.memory_space<hbm>> -> memref<12800xf32, #tpu.memory_space<hbm>>
      %dma_wait3A_41 = tpu.memref_slice %arg3[%mul3A_2] : memref<409600xf32, #tpu.memory_space<hbm>> -> memref<12800xf32, #tpu.memory_space<hbm>>
      tpu.wait_dma2 semaphore(%run_scoped3A : memref<!tpu.dma_semaphore, #tpu.memory_space<semaphore_mem>>) src(%dma_wait3A_41 : memref<12800xf32, #tpu.memory_space<hbm>>) dst(%arg7 : memref<12800xf32, #tpu.memory_space<vmem>>)
      tpu.yield
    }) : () -> ()
    %multiple_of3A = arith.constant 0 : i32
    %multiple_of3A_3 = tpu.assume_multiple %multiple_of3A, 8 : i32
    %multiple_of3A_4 = arith.constant 128 : i32
    %multiple_of3A_5 = tpu.assume_multiple %multiple_of3A_4, 8 : i32
    %dma_start3A = arith.constant 0 : i32
    %dma_start3A_6 = arith.constant 0 : i32
    %dma_start3A_7 = tpu.memref_slice %arg8[%dma_start3A, %dma_start3A_6] : memref<160x128xf32, #tpu.memory_space<vmem>> -> memref<128x128xf32, #tpu.memory_space<vmem>>
    %dma_start3A_8 = tpu.memref_slice %arg6[%multiple_of3A_3] : memref<12800xi32, #tpu.memory_space<vmem>> -> memref<128xi32, #tpu.memory_space<vmem>>
    %dma_start3A_9 = arith.constant 0 : i32
    %dma_start3A_10 = arith.constant 0 : i32
    %dma_start3A_11 = tpu.memref_slice %arg4[%dma_start3A_9, %dma_start3A_10] : memref<100000x128xf32, #tpu.memory_space<hbm>> -> memref<100000x128xf32, #tpu.memory_space<hbm>>
    tpu.enqueue_indirect_dma source(%dma_start3A_11 : memref<100000x128xf32, #tpu.memory_space<hbm>>) target(%dma_start3A_7 : memref<128x128xf32, #tpu.memory_space<vmem>>) offsets(%dma_start3A_8 : memref<128xi32, #tpu.memory_space<vmem>>) semaphore(%arg12 : memref<!tpu.dma_semaphore, #tpu.memory_space<semaphore_mem>>)
    %dma_start3A_12 = arith.constant 128 : i32
    %dma_start3A_13 = arith.constant 0 : i32
    %dma_start3A_14 = tpu.memref_slice %arg8[%dma_start3A_12, %dma_start3A_13] : memref<160x128xf32, #tpu.memory_space<vmem>> -> memref<32x128xf32, #tpu.memory_space<vmem>>
    %dma_start3A_15 = tpu.memref_slice %arg6[%multiple_of3A_5] : memref<12800xi32, #tpu.memory_space<vmem>> -> memref<32xi32, #tpu.memory_space<vmem>>
    %dma_start3A_16 = arith.constant 0 : i32
    %dma_start3A_17 = arith.constant 0 : i32
    %dma_start3A_18 = tpu.memref_slice %arg4[%dma_start3A_16, %dma_start3A_17] : memref<100000x128xf32, #tpu.memory_space<hbm>> -> memref<100000x128xf32, #tpu.memory_space<hbm>>
    tpu.enqueue_indirect_dma source(%dma_start3A_18 : memref<100000x128xf32, #tpu.memory_space<hbm>>) target(%dma_start3A_14 : memref<32x128xf32, #tpu.memory_space<vmem>>) offsets(%dma_start3A_15 : memref<32xi32, #tpu.memory_space<vmem>>) semaphore(%arg12 : memref<!tpu.dma_semaphore, #tpu.memory_space<semaphore_mem>>)
    %scan3A = arith.constant 0 : i32
    %scan3A_19 = arith.constant 0 : i32
    %scan3A_20 = arith.constant 40 : i32
    %scan3A_21 = arith.addi %scan3A_19, %scan3A_20 : i32
    %scan3A_22 = arith.constant 1 : i32
    %scan3A_23 = scf.for %scan3A_38 = %scan3A_19 to %scan3A_21 step %scan3A_22 iter_args(%scan3A_39 = %scan3A) -> (i32)  : i32 {
      %mul3A_40 = arith.constant 2 : i32
      %mul3A_41 = arith.muli %mul3A_40, %scan3A_38 : i32
      %add3A_42 = arith.constant 0 : i32
      %add3A_43 = arith.addi %mul3A_41, %add3A_42 : i32
      %add3A_44 = arith.constant 1 : i32
      %add3A_45 = arith.addi %add3A_43, %add3A_44 : i32
      %lt3A = arith.constant 80 : i32
      %lt3A_46 = arith.cmpi slt, %add3A_45, %lt3A : i32
      %convert_element_type3A = arith.extui %lt3A_46 : i1 to i32
      %cond3A = arith.constant 0 : i32
      %cond3A_47 = arith.cmpi ne, %convert_element_type3A, %cond3A : i32
      scf.if %cond3A_47 {
        %add3A_151 = arith.constant 1 : i32
        %add3A_152 = arith.addi %add3A_43, %add3A_151 : i32
        %mul3A_153 = arith.constant 160 : i32
        %mul3A_154 = arith.muli %add3A_152, %mul3A_153 : i32
        %add3A_155 = arith.constant 0 : i32
        %add3A_156 = arith.addi %mul3A_154, %add3A_155 : i32
        %multiple_of3A_157 = tpu.assume_multiple %add3A_156, 8 : i32
        %mul3A_158 = arith.constant 160 : i32
        %mul3A_159 = arith.muli %add3A_152, %mul3A_158 : i32
        %add3A_160 = arith.constant 128 : i32
        %add3A_161 = arith.addi %mul3A_159, %add3A_160 : i32
        %multiple_of3A_162 = tpu.assume_multiple %add3A_161, 8 : i32
        %dma_start3A_163 = arith.constant 0 : i32
        %dma_start3A_164 = arith.constant 0 : i32
        %dma_start3A_165 = tpu.memref_slice %arg9[%dma_start3A_163, %dma_start3A_164] : memref<160x128xf32, #tpu.memory_space<vmem>> -> memref<128x128xf32, #tpu.memory_space<vmem>>
        %dma_start3A_166 = tpu.memref_slice %arg6[%multiple_of3A_157] : memref<12800xi32, #tpu.memory_space<vmem>> -> memref<128xi32, #tpu.memory_space<vmem>>
        %dma_start3A_167 = arith.constant 0 : i32
        %dma_start3A_168 = arith.constant 0 : i32
        %dma_start3A_169 = tpu.memref_slice %arg4[%dma_start3A_167, %dma_start3A_168] : memref<100000x128xf32, #tpu.memory_space<hbm>> -> memref<100000x128xf32, #tpu.memory_space<hbm>>
        tpu.enqueue_indirect_dma source(%dma_start3A_169 : memref<100000x128xf32, #tpu.memory_space<hbm>>) target(%dma_start3A_165 : memref<128x128xf32, #tpu.memory_space<vmem>>) offsets(%dma_start3A_166 : memref<128xi32, #tpu.memory_space<vmem>>) semaphore(%arg13 : memref<!tpu.dma_semaphore, #tpu.memory_space<semaphore_mem>>)
        %dma_start3A_170 = arith.constant 128 : i32
        %dma_start3A_171 = arith.constant 0 : i32
        %dma_start3A_172 = tpu.memref_slice %arg9[%dma_start3A_170, %dma_start3A_171] : memref<160x128xf32, #tpu.memory_space<vmem>> -> memref<32x128xf32, #tpu.memory_space<vmem>>
        %dma_start3A_173 = tpu.memref_slice %arg6[%multiple_of3A_162] : memref<12800xi32, #tpu.memory_space<vmem>> -> memref<32xi32, #tpu.memory_space<vmem>>
        %dma_start3A_174 = arith.constant 0 : i32
        %dma_start3A_175 = arith.constant 0 : i32
        %dma_start3A_176 = tpu.memref_slice %arg4[%dma_start3A_174, %dma_start3A_175] : memref<100000x128xf32, #tpu.memory_space<hbm>> -> memref<100000x128xf32, #tpu.memory_space<hbm>>
        tpu.enqueue_indirect_dma source(%dma_start3A_176 : memref<100000x128xf32, #tpu.memory_space<hbm>>) target(%dma_start3A_172 : memref<32x128xf32, #tpu.memory_space<vmem>>) offsets(%dma_start3A_173 : memref<32xi32, #tpu.memory_space<vmem>>) semaphore(%arg13 : memref<!tpu.dma_semaphore, #tpu.memory_space<semaphore_mem>>)
      } else {
      }
      %mul3A_48 = arith.constant 160 : i32
      %mul3A_49 = arith.muli %add3A_43, %mul3A_48 : i32
      %add3A_50 = arith.constant 0 : i32
      %add3A_51 = arith.addi %mul3A_49, %add3A_50 : i32
      %multiple_of3A_52 = tpu.assume_multiple %add3A_51, 8 : i32
      %mul3A_53 = arith.constant 160 : i32
      %mul3A_54 = arith.muli %add3A_43, %mul3A_53 : i32
      %add3A_55 = arith.constant 128 : i32
      %add3A_56 = arith.addi %mul3A_54, %add3A_55 : i32
      %multiple_of3A_57 = tpu.assume_multiple %add3A_56, 8 : i32
      %dma_wait3A_58 = arith.constant 0 : i32
      %dma_wait3A_59 = arith.constant 0 : i32
      %dma_wait3A_60 = tpu.memref_slice %arg8[%dma_wait3A_58, %dma_wait3A_59] : memref<160x128xf32, #tpu.memory_space<vmem>> -> memref<128x128xf32, #tpu.memory_space<vmem>>
      %dma_wait3A_61 = tpu.memref_slice %arg6[%multiple_of3A_52] : memref<12800xi32, #tpu.memory_space<vmem>> -> memref<128xi32, #tpu.memory_space<vmem>>
      %dma_wait3A_62 = arith.constant 0 : i32
      %dma_wait3A_63 = arith.constant 0 : i32
      %dma_wait3A_64 = tpu.memref_slice %arg4[%dma_wait3A_62, %dma_wait3A_63] : memref<100000x128xf32, #tpu.memory_space<hbm>> -> memref<100000x128xf32, #tpu.memory_space<hbm>>
      tpu.wait_indirect_dma semaphore(%arg12 : memref<!tpu.dma_semaphore, #tpu.memory_space<semaphore_mem>>) src(%dma_wait3A_64 : memref<100000x128xf32, #tpu.memory_space<hbm>>) dst(%dma_wait3A_60 : memref<128x128xf32, #tpu.memory_space<vmem>>)
      %dma_wait3A_65 = arith.constant 128 : i32
      %dma_wait3A_66 = arith.constant 0 : i32
      %dma_wait3A_67 = tpu.memref_slice %arg8[%dma_wait3A_65, %dma_wait3A_66] : memref<160x128xf32, #tpu.memory_space<vmem>> -> memref<32x128xf32, #tpu.memory_space<vmem>>
      %dma_wait3A_68 = tpu.memref_slice %arg6[%multiple_of3A_57] : memref<12800xi32, #tpu.memory_space<vmem>> -> memref<32xi32, #tpu.memory_space<vmem>>
      %dma_wait3A_69 = arith.constant 0 : i32
      %dma_wait3A_70 = arith.constant 0 : i32
      %dma_wait3A_71 = tpu.memref_slice %arg4[%dma_wait3A_69, %dma_wait3A_70] : memref<100000x128xf32, #tpu.memory_space<hbm>> -> memref<100000x128xf32, #tpu.memory_space<hbm>>
      tpu.wait_indirect_dma semaphore(%arg12 : memref<!tpu.dma_semaphore, #tpu.memory_space<semaphore_mem>>) src(%dma_wait3A_71 : memref<100000x128xf32, #tpu.memory_space<hbm>>) dst(%dma_wait3A_67 : memref<32x128xf32, #tpu.memory_space<vmem>>)
      %ge3A = arith.constant 1 : i32
      %ge3A_72 = arith.cmpi sge, %scan3A_38, %ge3A : i32
      %convert_element_type3A_73 = arith.extui %ge3A_72 : i1 to i32
      %cond3A_74 = arith.constant 0 : i32
      %cond3A_75 = arith.cmpi ne, %convert_element_type3A_73, %cond3A_74 : i32
      scf.if %cond3A_75 {
        %sub3A = arith.constant 2 : i32
        %sub3A_151 = arith.subi %add3A_43, %sub3A : i32
        %mul3A_152 = arith.constant 160 : i32
        %mul3A_153 = arith.muli %sub3A_151, %mul3A_152 : i32
        %add3A_154 = arith.addi %mul3A_2, %mul3A_153 : i32
        %multiple_of3A_155 = tpu.assume_multiple %add3A_154, 8 : i32
        %dma_wait3A_156 = arith.constant 0 : i32
        %dma_wait3A_157 = tpu.memref_slice %arg5[%multiple_of3A_155, %dma_wait3A_156] : memref<409600x64xf32, #tpu.memory_space<hbm>> -> memref<160x64xf32, #tpu.memory_space<hbm>>
        %dma_wait3A_158 = arith.constant 0 : i32
        %dma_wait3A_159 = tpu.memref_slice %arg5[%multiple_of3A_155, %dma_wait3A_158] : memref<409600x64xf32, #tpu.memory_space<hbm>> -> memref<160x64xf32, #tpu.memory_space<hbm>>
        tpu.wait_dma2 semaphore(%arg14 : memref<!tpu.dma_semaphore, #tpu.memory_space<semaphore_mem>>) src(%arg10 : memref<160x64xf32, #tpu.memory_space<vmem>>) dst(%dma_wait3A_159 : memref<160x64xf32, #tpu.memory_space<hbm>>)
      } else {
      }
      %mul3A_76 = arith.constant 160 : i32
      %mul3A_77 = arith.muli %add3A_43, %mul3A_76 : i32
      %scan3A_78 = arith.constant 0 : i32
      %scan3A_79 = arith.constant 0 : i32
      %scan3A_80 = arith.constant 10 : i32
      %scan3A_81 = arith.addi %scan3A_79, %scan3A_80 : i32
      %scan3A_82 = arith.constant 1 : i32
      %scan3A_83 = scf.for %scan3A_151 = %scan3A_79 to %scan3A_81 step %scan3A_82 iter_args(%scan3A_152 = %scan3A_78) -> (i32)  : i32 {
        %mul3A_153 = arith.constant 16 : i32
        %mul3A_154 = arith.muli %scan3A_151, %mul3A_153 : i32
        %add3A_155 = arith.addi %mul3A_77, %mul3A_154 : i32
        %get3A = arith.index_cast %add3A_155 : i32 to index
        %get3A_156 = tpu.vector_load %arg7[%get3A] {strides = array<i32>} : memref<12800xf32, #tpu.memory_space<vmem>>, vector<16xf32>,
        %get3A_157 = vector.shape_cast %get3A_156 : vector<16xf32> to vector<16xf32>
        %slice3A = vector.extract_strided_slice %get3A_157 {offsets = [0], sizes = [1], strides = [1]} : vector<16xf32> to vector<1xf32>
        %squeeze3A = vector.extract %slice3A[0] : f32 from vector<1xf32>
        %mul3A_158 = arith.constant 16 : i32
        %mul3A_159 = arith.muli %scan3A_151, %mul3A_158 : i32
        %add3A_160 = arith.constant 0 : i32
        %add3A_161 = arith.addi %mul3A_159, %add3A_160 : i32
        %get3A_162 = arith.index_cast %add3A_161 : i32 to index
        %get3A_163 = arith.constant 0 : index
        %get3A_164 = tpu.vector_load %arg8[%get3A_162, %get3A_163] {strides = array<i32>} : memref<160x128xf32, #tpu.memory_space<vmem>>, vector<1x16xf32>,
        %get3A_165 = vector.shape_cast %get3A_164 : vector<1x16xf32> to vector<16xf32>
        %get3A_166 = arith.index_cast %add3A_161 : i32 to index
        %get3A_167 = arith.constant 64 : index
        %get3A_168 = tpu.vector_load %arg8[%get3A_166, %get3A_167] {strides = array<i32>} : memref<160x128xf32, #tpu.memory_space<vmem>>, vector<1x16xf32>,
        %get3A_169 = vector.shape_cast %get3A_168 : vector<1x16xf32> to vector<16xf32>
        %mul3A_170 = vector.broadcast %squeeze3A : f32 to vector<16xf32>
        %mul3A_171 = arith.mulf %mul3A_170, %get3A_169 : vector<16xf32>
        %add3A_172 = arith.addf %get3A_165, %mul3A_171 : vector<16xf32>
        %swap3A = arith.index_cast %add3A_161 : i32 to index
        %swap3A_173 = arith.constant 0 : index
        %swap3A_174 = tpu.vector_load %arg10[%swap3A, %swap3A_173] {strides = array<i32>} : memref<160x64xf32, #tpu.memory_space<vmem>>, vector<1x16xf32>,
        %swap3A_175 = vector.shape_cast %swap3A_174 : vector<1x16xf32> to vector<16xf32>
        %swap3A_176 = vector.shape_cast %add3A_172 : vector<16xf32> to vector<1x16xf32>
        tpu.vector_store %arg10[%swap3A, %swap3A_173], %swap3A_176 {strides = array<i32>} : memref<160x64xf32, #tpu.memory_space<vmem>>, vector<1x16xf32>,
        %get3A_177 = arith.index_cast %add3A_161 : i32 to index
        %get3A_178 = arith.constant 16 : index
        %get3A_179 = tpu.vector_load %arg8[%get3A_177, %get3A_178] {strides = array<i32>} : memref<160x128xf32, #tpu.memory_space<vmem>>, vector<1x16xf32>,
        %get3A_180 = vector.shape_cast %get3A_179 : vector<1x16xf32> to vector<16xf32>
        %get3A_181 = arith.index_cast %add3A_161 : i32 to index
        %get3A_182 = arith.constant 80 : index
        %get3A_183 = tpu.vector_load %arg8[%get3A_181, %get3A_182] {strides = array<i32>} : memref<160x128xf32, #tpu.memory_space<vmem>>, vector<1x16xf32>,
        %get3A_184 = vector.shape_cast %get3A_183 : vector<1x16xf32> to vector<16xf32>
        %mul3A_185 = vector.broadcast %squeeze3A : f32 to vector<16xf32>
        %mul3A_186 = arith.mulf %mul3A_185, %get3A_184 : vector<16xf32>
        %add3A_187 = arith.addf %get3A_180, %mul3A_186 : vector<16xf32>
        %swap3A_188 = arith.index_cast %add3A_161 : i32 to index
        %swap3A_189 = arith.constant 16 : index
        %swap3A_190 = tpu.vector_load %arg10[%swap3A_188, %swap3A_189] {strides = array<i32>} : memref<160x64xf32, #tpu.memory_space<vmem>>, vector<1x16xf32>,
        %swap3A_191 = vector.shape_cast %swap3A_190 : vector<1x16xf32> to vector<16xf32>
        %swap3A_192 = vector.shape_cast %add3A_187 : vector<16xf32> to vector<1x16xf32>
        tpu.vector_store %arg10[%swap3A_188, %swap3A_189], %swap3A_192 {strides = array<i32>} : memref<160x64xf32, #tpu.memory_space<vmem>>, vector<1x16xf32>,
        %get3A_193 = arith.index_cast %add3A_161 : i32 to index
        %get3A_194 = arith.constant 32 : index
        %get3A_195 = tpu.vector_load %arg8[%get3A_193, %get3A_194] {strides = array<i32>} : memref<160x128xf32, #tpu.memory_space<vmem>>, vector<1x16xf32>,
        %get3A_196 = vector.shape_cast %get3A_195 : vector<1x16xf32> to vector<16xf32>
        %get3A_197 = arith.index_cast %add3A_161 : i32 to index
        %get3A_198 = arith.constant 96 : index
        %get3A_199 = tpu.vector_load %arg8[%get3A_197, %get3A_198] {strides = array<i32>} : memref<160x128xf32, #tpu.memory_space<vmem>>, vector<1x16xf32>,
        %get3A_200 = vector.shape_cast %get3A_199 : vector<1x16xf32> to vector<16xf32>
        %mul3A_201 = vector.broadcast %squeeze3A : f32 to vector<16xf32>
        %mul3A_202 = arith.mulf %mul3A_201, %get3A_200 : vector<16xf32>
        %add3A_203 = arith.addf %get3A_196, %mul3A_202 : vector<16xf32>
        %swap3A_204 = arith.index_cast %add3A_161 : i32 to index
        %swap3A_205 = arith.constant 32 : index
        %swap3A_206 = tpu.vector_load %arg10[%swap3A_204, %swap3A_205] {strides = array<i32>} : memref<160x64xf32, #tpu.memory_space<vmem>>, vector<1x16xf32>,
        %swap3A_207 = vector.shape_cast %swap3A_206 : vector<1x16xf32> to vector<16xf32>
        %swap3A_208 = vector.shape_cast %add3A_203 : vector<16xf32> to vector<1x16xf32>
        tpu.vector_store %arg10[%swap3A_204, %swap3A_205], %swap3A_208 {strides = array<i32>} : memref<160x64xf32, #tpu.memory_space<vmem>>, vector<1x16xf32>,
        %get3A_209 = arith.index_cast %add3A_161 : i32 to index
        %get3A_210 = arith.constant 48 : index
        %get3A_211 = tpu.vector_load %arg8[%get3A_209, %get3A_210] {strides = array<i32>} : memref<160x128xf32, #tpu.memory_space<vmem>>, vector<1x16xf32>,
        %get3A_212 = vector.shape_cast %get3A_211 : vector<1x16xf32> to vector<16xf32>
        %get3A_213 = arith.index_cast %add3A_161 : i32 to index
        %get3A_214 = arith.constant 112 : index
        %get3A_215 = tpu.vector_load %arg8[%get3A_213, %get3A_214] {strides = array<i32>} : memref<160x128xf32, #tpu.memory_space<vmem>>, vector<1x16xf32>,
        %get3A_216 = vector.shape_cast %get3A_215 : vector<1x16xf32> to vector<16xf32>
        %mul3A_217 = vector.broadcast %squeeze3A : f32 to vector<16xf32>
        %mul3A_218 = arith.mulf %mul3A_217, %get3A_216 : vector<16xf32>
        %add3A_219 = arith.addf %get3A_212, %mul3A_218 : vector<16xf32>
        %swap3A_220 = arith.index_cast %add3A_161 : i32 to index
        %swap3A_221 = arith.constant 48 : index
        %swap3A_222 = tpu.vector_load %arg10[%swap3A_220, %swap3A_221] {strides = array<i32>} : memref<160x64xf32, #tpu.memory_space<vmem>>, vector<1x16xf32>,
        %swap3A_223 = vector.shape_cast %swap3A_222 : vector<1x16xf32> to vector<16xf32>
        %swap3A_224 = vector.shape_cast %add3A_219 : vector<16xf32> to vector<1x16xf32>
        tpu.vector_store %arg10[%swap3A_220, %swap3A_221], %swap3A_224 {strides = array<i32>} : memref<160x64xf32, #tpu.memory_space<vmem>>, vector<1x16xf32>,
        %slice3A_225 = vector.extract_strided_slice %get3A_157 {offsets = [1], sizes = [1], strides = [1]} : vector<16xf32> to vector<1xf32>
        %squeeze3A_226 = vector.extract %slice3A_225[0] : f32 from vector<1xf32>
        %mul3A_227 = arith.constant 16 : i32
        %mul3A_228 = arith.muli %scan3A_151, %mul3A_227 : i32
        %add3A_229 = arith.constant 1 : i32
        %add3A_230 = arith.addi %mul3A_228, %add3A_229 : i32
        %get3A_231 = arith.index_cast %add3A_230 : i32 to index
        %get3A_232 = arith.constant 0 : index
        %get3A_233 = tpu.vector_load %arg8[%get3A_231, %get3A_232] {strides = array<i32>} : memref<160x128xf32, #tpu.memory_space<vmem>>, vector<1x16xf32>,
        %get3A_234 = vector.shape_cast %get3A_233 : vector<1x16xf32> to vector<16xf32>
        %get3A_235 = arith.index_cast %add3A_230 : i32 to index
        %get3A_236 = arith.constant 64 : index
        %get3A_237 = tpu.vector_load %arg8[%get3A_235, %get3A_236] {strides = array<i32>} : memref<160x128xf32, #tpu.memory_space<vmem>>, vector<1x16xf32>,
        %get3A_238 = vector.shape_cast %get3A_237 : vector<1x16xf32> to vector<16xf32>
        %mul3A_239 = vector.broadcast %squeeze3A_226 : f32 to vector<16xf32>
        %mul3A_240 = arith.mulf %mul3A_239, %get3A_238 : vector<16xf32>
        %add3A_241 = arith.addf %get3A_234, %mul3A_240 : vector<16xf32>
        %swap3A_242 = arith.index_cast %add3A_230 : i32 to index
        %swap3A_243 = arith.constant 0 : index
        %swap3A_244 = tpu.vector_load %arg10[%swap3A_242, %swap3A_243] {strides = array<i32>} : memref<160x64xf32, #tpu.memory_space<vmem>>, vector<1x16xf32>,
        %swap3A_245 = vector.shape_cast %swap3A_244 : vector<1x16xf32> to vector<16xf32>
        %swap3A_246 = vector.shape_cast %add3A_241 : vector<16xf32> to vector<1x16xf32>
        tpu.vector_store %arg10[%swap3A_242, %swap3A_243], %swap3A_246 {strides = array<i32>} : memref<160x64xf32, #tpu.memory_space<vmem>>, vector<1x16xf32>,
        %get3A_247 = arith.index_cast %add3A_230 : i32 to index
        %get3A_248 = arith.constant 16 : index
        %get3A_249 = tpu.vector_load %arg8[%get3A_247, %get3A_248] {strides = array<i32>} : memref<160x128xf32, #tpu.memory_space<vmem>>, vector<1x16xf32>,
        %get3A_250 = vector.shape_cast %get3A_249 : vector<1x16xf32> to vector<16xf32>
        %get3A_251 = arith.index_cast %add3A_230 : i32 to index
        %get3A_252 = arith.constant 80 : index
        %get3A_253 = tpu.vector_load %arg8[%get3A_251, %get3A_252] {strides = array<i32>} : memref<160x128xf32, #tpu.memory_space<vmem>>, vector<1x16xf32>,
        %get3A_254 = vector.shape_cast %get3A_253 : vector<1x16xf32> to vector<16xf32>
        %mul3A_255 = vector.broadcast %squeeze3A_226 : f32 to vector<16xf32>
        %mul3A_256 = arith.mulf %mul3A_255, %get3A_254 : vector<16xf32>
        %add3A_257 = arith.addf %get3A_250, %mul3A_256 : vector<16xf32>
        %swap3A_258 = arith.index_cast %add3A_230 : i32 to index
        %swap3A_259 = arith.constant 16 : index
        %swap3A_260 = tpu.vector_load %arg10[%swap3A_258, %swap3A_259] {strides = array<i32>} : memref<160x64xf32, #tpu.memory_space<vmem>>, vector<1x16xf32>,
        %swap3A_261 = vector.shape_cast %swap3A_260 : vector<1x16xf32> to vector<16xf32>
        %swap3A_262 = vector.shape_cast %add3A_257 : vector<16xf32> to vector<1x16xf32>
        tpu.vector_store %arg10[%swap3A_258, %swap3A_259], %swap3A_262 {strides = array<i32>} : memref<160x64xf32, #tpu.memory_space<vmem>>, vector<1x16xf32>,
        %get3A_263 = arith.index_cast %add3A_230 : i32 to index
        %get3A_264 = arith.constant 32 : index
        %get3A_265 = tpu.vector_load %arg8[%get3A_263, %get3A_264] {strides = array<i32>} : memref<160x128xf32, #tpu.memory_space<vmem>>, vector<1x16xf32>,
        %get3A_266 = vector.shape_cast %get3A_265 : vector<1x16xf32> to vector<16xf32>
        %get3A_267 = arith.index_cast %add3A_230 : i32 to index
        %get3A_268 = arith.constant 96 : index
        %get3A_269 = tpu.vector_load %arg8[%get3A_267, %get3A_268] {strides = array<i32>} : memref<160x128xf32, #tpu.memory_space<vmem>>, vector<1x16xf32>,
        %get3A_270 = vector.shape_cast %get3A_269 : vector<1x16xf32> to vector<16xf32>
        %mul3A_271 = vector.broadcast %squeeze3A_226 : f32 to vector<16xf32>
        %mul3A_272 = arith.mulf %mul3A_271, %get3A_270 : vector<16xf32>
        %add3A_273 = arith.addf %get3A_266, %mul3A_272 : vector<16xf32>
        %swap3A_274 = arith.index_cast %add3A_230 : i32 to index
        %swap3A_275 = arith.constant 32 : index
        %swap3A_276 = tpu.vector_load %arg10[%swap3A_274, %swap3A_275] {strides = array<i32>} : memref<160x64xf32, #tpu.memory_space<vmem>>, vector<1x16xf32>,
        %swap3A_277 = vector.shape_cast %swap3A_276 : vector<1x16xf32> to vector<16xf32>
        %swap3A_278 = vector.shape_cast %add3A_273 : vector<16xf32> to vector<1x16xf32>
        tpu.vector_store %arg10[%swap3A_274, %swap3A_275], %swap3A_278 {strides = array<i32>} : memref<160x64xf32, #tpu.memory_space<vmem>>, vector<1x16xf32>,
        %get3A_279 = arith.index_cast %add3A_230 : i32 to index
        %get3A_280 = arith.constant 48 : index
        %get3A_281 = tpu.vector_load %arg8[%get3A_279, %get3A_280] {strides = array<i32>} : memref<160x128xf32, #tpu.memory_space<vmem>>, vector<1x16xf32>,
        %get3A_282 = vector.shape_cast %get3A_281 : vector<1x16xf32> to vector<16xf32>
        %get3A_283 = arith.index_cast %add3A_230 : i32 to index
        %get3A_284 = arith.constant 112 : index
        %get3A_285 = tpu.vector_load %arg8[%get3A_283, %get3A_284] {strides = array<i32>} : memref<160x128xf32, #tpu.memory_space<vmem>>, vector<1x16xf32>,
        %get3A_286 = vector.shape_cast %get3A_285 : vector<1x16xf32> to vector<16xf32>
        %mul3A_287 = vector.broadcast %squeeze3A_226 : f32 to vector<16xf32>
        %mul3A_288 = arith.mulf %mul3A_287, %get3A_286 : vector<16xf32>
        %add3A_289 = arith.addf %get3A_282, %mul3A_288 : vector<16xf32>
        %swap3A_290 = arith.index_cast %add3A_230 : i32 to index
        %swap3A_291 = arith.constant 48 : index
        %swap3A_292 = tpu.vector_load %arg10[%swap3A_290, %swap3A_291] {strides = array<i32>} : memref<160x64xf32, #tpu.memory_space<vmem>>, vector<1x16xf32>,
        %swap3A_293 = vector.shape_cast %swap3A_292 : vector<1x16xf32> to vector<16xf32>
        %swap3A_294 = vector.shape_cast %add3A_289 : vector<16xf32> to vector<1x16xf32>
        tpu.vector_store %arg10[%swap3A_290, %swap3A_291], %swap3A_294 {strides = array<i32>} : memref<160x64xf32, #tpu.memory_space<vmem>>, vector<1x16xf32>,
        %slice3A_295 = vector.extract_strided_slice %get3A_157 {offsets = [2], sizes = [1], strides = [1]} : vector<16xf32> to vector<1xf32>
        %squeeze3A_296 = vector.extract %slice3A_295[0] : f32 from vector<1xf32>
        %mul3A_297 = arith.constant 16 : i32
        %mul3A_298 = arith.muli %scan3A_151, %mul3A_297 : i32
        %add3A_299 = arith.constant 2 : i32
        %add3A_300 = arith.addi %mul3A_298, %add3A_299 : i32
        %get3A_301 = arith.index_cast %add3A_300 : i32 to index
        %get3A_302 = arith.constant 0 : index
        %get3A_303 = tpu.vector_load %arg8[%get3A_301, %get3A_302] {strides = array<i32>} : memref<160x128xf32, #tpu.memory_space<vmem>>, vector<1x16xf32>,
        %get3A_304 = vector.shape_cast %get3A_303 : vector<1x16xf32> to vector<16xf32>
        %get3A_305 = arith.index_cast %add3A_300 : i32 to index
        %get3A_306 = arith.constant 64 : index
        %get3A_307 = tpu.vector_load %arg8[%get3A_305, %get3A_306] {strides = array<i32>} : memref<160x128xf32, #tpu.memory_space<vmem>>, vector<1x16xf32>,
        %get3A_308 = vector.shape_cast %get3A_307 : vector<1x16xf32> to vector<16xf32>
        %mul3A_309 = vector.broadcast %squeeze3A_296 : f32 to vector<16xf32>
        %mul3A_310 = arith.mulf %mul3A_309, %get3A_308 : vector<16xf32>
        %add3A_311 = arith.addf %get3A_304, %mul3A_310 : vector<16xf32>
        %swap3A_312 = arith.index_cast %add3A_300 : i32 to index
        %swap3A_313 = arith.constant 0 : index
        %swap3A_314 = tpu.vector_load %arg10[%swap3A_312, %swap3A_313] {strides = array<i32>} : memref<160x64xf32, #tpu.memory_space<vmem>>, vector<1x16xf32>,
        %swap3A_315 = vector.shape_cast %swap3A_314 : vector<1x16xf32> to vector<16xf32>
        %swap3A_316 = vector.shape_cast %add3A_311 : vector<16xf32> to vector<1x16xf32>
        tpu.vector_store %arg10[%swap3A_312, %swap3A_313], %swap3A_316 {strides = array<i32>} : memref<160x64xf32, #tpu.memory_space<vmem>>, vector<1x16xf32>,
        %get3A_317 = arith.index_cast %add3A_300 : i32 to index
        %get3A_318 = arith.constant 16 : index
        %get3A_319 = tpu.vector_load %arg8[%get3A_317, %get3A_318] {strides = array<i32>} : memref<160x128xf32, #tpu.memory_space<vmem>>, vector<1x16xf32>,
        %get3A_320 = vector.shape_cast %get3A_319 : vector<1x16xf32> to vector<16xf32>
        %get3A_321 = arith.index_cast %add3A_300 : i32 to index
        %get3A_322 = arith.constant 80 : index
        %get3A_323 = tpu.vector_load %arg8[%get3A_321, %get3A_322] {strides = array<i32>} : memref<160x128xf32, #tpu.memory_space<vmem>>, vector<1x16xf32>,
        %get3A_324 = vector.shape_cast %get3A_323 : vector<1x16xf32> to vector<16xf32>
        %mul3A_325 = vector.broadcast %squeeze3A_296 : f32 to vector<16xf32>
        %mul3A_326 = arith.mulf %mul3A_325, %get3A_324 : vector<16xf32>
        %add3A_327 = arith.addf %get3A_320, %mul3A_326 : vector<16xf32>
        %swap3A_328 = arith.index_cast %add3A_300 : i32 to index
        %swap3A_329 = arith.constant 16 : index
        %swap3A_330 = tpu.vector_load %arg10[%swap3A_328, %swap3A_329] {strides = array<i32>} : memref<160x64xf32, #tpu.memory_space<vmem>>, vector<1x16xf32>,
        %swap3A_331 = vector.shape_cast %swap3A_330 : vector<1x16xf32> to vector<16xf32>
        %swap3A_332 = vector.shape_cast %add3A_327 : vector<16xf32> to vector<1x16xf32>
        tpu.vector_store %arg10[%swap3A_328, %swap3A_329], %swap3A_332 {strides = array<i32>} : memref<160x64xf32, #tpu.memory_space<vmem>>, vector<1x16xf32>,
        %get3A_333 = arith.index_cast %add3A_300 : i32 to index
        %get3A_334 = arith.constant 32 : index
        %get3A_335 = tpu.vector_load %arg8[%get3A_333, %get3A_334] {strides = array<i32>} : memref<160x128xf32, #tpu.memory_space<vmem>>, vector<1x16xf32>,
        %get3A_336 = vector.shape_cast %get3A_335 : vector<1x16xf32> to vector<16xf32>
        %get3A_337 = arith.index_cast %add3A_300 : i32 to index
        %get3A_338 = arith.constant 96 : index
        %get3A_339 = tpu.vector_load %arg8[%get3A_337, %get3A_338] {strides = array<i32>} : memref<160x128xf32, #tpu.memory_space<vmem>>, vector<1x16xf32>,
        %get3A_340 = vector.shape_cast %get3A_339 : vector<1x16xf32> to vector<16xf32>
        %mul3A_341 = vector.broadcast %squeeze3A_296 : f32 to vector<16xf32>
        %mul3A_342 = arith.mulf %mul3A_341, %get3A_340 : vector<16xf32>
        %add3A_343 = arith.addf %get3A_336, %mul3A_342 : vector<16xf32>
        %swap3A_344 = arith.index_cast %add3A_300 : i32 to index
        %swap3A_345 = arith.constant 32 : index
        %swap3A_346 = tpu.vector_load %arg10[%swap3A_344, %swap3A_345] {strides = array<i32>} : memref<160x64xf32, #tpu.memory_space<vmem>>, vector<1x16xf32>,
        %swap3A_347 = vector.shape_cast %swap3A_346 : vector<1x16xf32> to vector<16xf32>
        %swap3A_348 = vector.shape_cast %add3A_343 : vector<16xf32> to vector<1x16xf32>
        tpu.vector_store %arg10[%swap3A_344, %swap3A_345], %swap3A_348 {strides = array<i32>} : memref<160x64xf32, #tpu.memory_space<vmem>>, vector<1x16xf32>,
        %get3A_349 = arith.index_cast %add3A_300 : i32 to index
        %get3A_350 = arith.constant 48 : index
        %get3A_351 = tpu.vector_load %arg8[%get3A_349, %get3A_350] {strides = array<i32>} : memref<160x128xf32, #tpu.memory_space<vmem>>, vector<1x16xf32>,
        %get3A_352 = vector.shape_cast %get3A_351 : vector<1x16xf32> to vector<16xf32>
        %get3A_353 = arith.index_cast %add3A_300 : i32 to index
        %get3A_354 = arith.constant 112 : index
        %get3A_355 = tpu.vector_load %arg8[%get3A_353, %get3A_354] {strides = array<i32>} : memref<160x128xf32, #tpu.memory_space<vmem>>, vector<1x16xf32>,
        %get3A_356 = vector.shape_cast %get3A_355 : vector<1x16xf32> to vector<16xf32>
        %mul3A_357 = vector.broadcast %squeeze3A_296 : f32 to vector<16xf32>
        %mul3A_358 = arith.mulf %mul3A_357, %get3A_356 : vector<16xf32>
        %add3A_359 = arith.addf %get3A_352, %mul3A_358 : vector<16xf32>
        %swap3A_360 = arith.index_cast %add3A_300 : i32 to index
        %swap3A_361 = arith.constant 48 : index
        %swap3A_362 = tpu.vector_load %arg10[%swap3A_360, %swap3A_361] {strides = array<i32>} : memref<160x64xf32, #tpu.memory_space<vmem>>, vector<1x16xf32>,
        %swap3A_363 = vector.shape_cast %swap3A_362 : vector<1x16xf32> to vector<16xf32>
        %swap3A_364 = vector.shape_cast %add3A_359 : vector<16xf32> to vector<1x16xf32>
        tpu.vector_store %arg10[%swap3A_360, %swap3A_361], %swap3A_364 {strides = array<i32>} : memref<160x64xf32, #tpu.memory_space<vmem>>, vector<1x16xf32>,
        %slice3A_365 = vector.extract_strided_slice %get3A_157 {offsets = [3], sizes = [1], strides = [1]} : vector<16xf32> to vector<1xf32>
        %squeeze3A_366 = vector.extract %slice3A_365[0] : f32 from vector<1xf32>
        %mul3A_367 = arith.constant 16 : i32
        %mul3A_368 = arith.muli %scan3A_151, %mul3A_367 : i32
        %add3A_369 = arith.constant 3 : i32
        %add3A_370 = arith.addi %mul3A_368, %add3A_369 : i32
        %get3A_371 = arith.index_cast %add3A_370 : i32 to index
        %get3A_372 = arith.constant 0 : index
        %get3A_373 = tpu.vector_load %arg8[%get3A_371, %get3A_372] {strides = array<i32>} : memref<160x128xf32, #tpu.memory_space<vmem>>, vector<1x16xf32>,
        %get3A_374 = vector.shape_cast %get3A_373 : vector<1x16xf32> to vector<16xf32>
        %get3A_375 = arith.index_cast %add3A_370 : i32 to index
        %get3A_376 = arith.constant 64 : index
        %get3A_377 = tpu.vector_load %arg8[%get3A_375, %get3A_376] {strides = array<i32>} : memref<160x128xf32, #tpu.memory_space<vmem>>, vector<1x16xf32>,
        %get3A_378 = vector.shape_cast %get3A_377 : vector<1x16xf32> to vector<16xf32>
        %mul3A_379 = vector.broadcast %squeeze3A_366 : f32 to vector<16xf32>
        %mul3A_380 = arith.mulf %mul3A_379, %get3A_378 : vector<16xf32>
        %add3A_381 = arith.addf %get3A_374, %mul3A_380 : vector<16xf32>
        %swap3A_382 = arith.index_cast %add3A_370 : i32 to index
        %swap3A_383 = arith.constant 0 : index
        %swap3A_384 = tpu.vector_load %arg10[%swap3A_382, %swap3A_383] {strides = array<i32>} : memref<160x64xf32, #tpu.memory_space<vmem>>, vector<1x16xf32>,
        %swap3A_385 = vector.shape_cast %swap3A_384 : vector<1x16xf32> to vector<16xf32>
        %swap3A_386 = vector.shape_cast %add3A_381 : vector<16xf32> to vector<1x16xf32>
        tpu.vector_store %arg10[%swap3A_382, %swap3A_383], %swap3A_386 {strides = array<i32>} : memref<160x64xf32, #tpu.memory_space<vmem>>, vector<1x16xf32>,
        %get3A_387 = arith.index_cast %add3A_370 : i32 to index
        %get3A_388 = arith.constant 16 : index
        %get3A_389 = tpu.vector_load %arg8[%get3A_387, %get3A_388] {strides = array<i32>} : memref<160x128xf32, #tpu.memory_space<vmem>>, vector<1x16xf32>,
        %get3A_390 = vector.shape_cast %get3A_389 : vector<1x16xf32> to vector<16xf32>
        %get3A_391 = arith.index_cast %add3A_370 : i32 to index
        %get3A_392 = arith.constant 80 : index
        %get3A_393 = tpu.vector_load %arg8[%get3A_391, %get3A_392] {strides = array<i32>} : memref<160x128xf32, #tpu.memory_space<vmem>>, vector<1x16xf32>,
        %get3A_394 = vector.shape_cast %get3A_393 : vector<1x16xf32> to vector<16xf32>
        %mul3A_395 = vector.broadcast %squeeze3A_366 : f32 to vector<16xf32>
        %mul3A_396 = arith.mulf %mul3A_395, %get3A_394 : vector<16xf32>
        %add3A_397 = arith.addf %get3A_390, %mul3A_396 : vector<16xf32>
        %swap3A_398 = arith.index_cast %add3A_370 : i32 to index
        %swap3A_399 = arith.constant 16 : index
        %swap3A_400 = tpu.vector_load %arg10[%swap3A_398, %swap3A_399] {strides = array<i32>} : memref<160x64xf32, #tpu.memory_space<vmem>>, vector<1x16xf32>,
        %swap3A_401 = vector.shape_cast %swap3A_400 : vector<1x16xf32> to vector<16xf32>
        %swap3A_402 = vector.shape_cast %add3A_397 : vector<16xf32> to vector<1x16xf32>
        tpu.vector_store %arg10[%swap3A_398, %swap3A_399], %swap3A_402 {strides = array<i32>} : memref<160x64xf32, #tpu.memory_space<vmem>>, vector<1x16xf32>,
        %get3A_403 = arith.index_cast %add3A_370 : i32 to index
        %get3A_404 = arith.constant 32 : index
        %get3A_405 = tpu.vector_load %arg8[%get3A_403, %get3A_404] {strides = array<i32>} : memref<160x128xf32, #tpu.memory_space<vmem>>, vector<1x16xf32>,
        %get3A_406 = vector.shape_cast %get3A_405 : vector<1x16xf32> to vector<16xf32>
        %get3A_407 = arith.index_cast %add3A_370 : i32 to index
        %get3A_408 = arith.constant 96 : index
        %get3A_409 = tpu.vector_load %arg8[%get3A_407, %get3A_408] {strides = array<i32>} : memref<160x128xf32, #tpu.memory_space<vmem>>, vector<1x16xf32>,
        %get3A_410 = vector.shape_cast %get3A_409 : vector<1x16xf32> to vector<16xf32>
        %mul3A_411 = vector.broadcast %squeeze3A_366 : f32 to vector<16xf32>
        %mul3A_412 = arith.mulf %mul3A_411, %get3A_410 : vector<16xf32>
        %add3A_413 = arith.addf %get3A_406, %mul3A_412 : vector<16xf32>
        %swap3A_414 = arith.index_cast %add3A_370 : i32 to index
        %swap3A_415 = arith.constant 32 : index
        %swap3A_416 = tpu.vector_load %arg10[%swap3A_414, %swap3A_415] {strides = array<i32>} : memref<160x64xf32, #tpu.memory_space<vmem>>, vector<1x16xf32>,
        %swap3A_417 = vector.shape_cast %swap3A_416 : vector<1x16xf32> to vector<16xf32>
        %swap3A_418 = vector.shape_cast %add3A_413 : vector<16xf32> to vector<1x16xf32>
        tpu.vector_store %arg10[%swap3A_414, %swap3A_415], %swap3A_418 {strides = array<i32>} : memref<160x64xf32, #tpu.memory_space<vmem>>, vector<1x16xf32>,
        %get3A_419 = arith.index_cast %add3A_370 : i32 to index
        %get3A_420 = arith.constant 48 : index
        %get3A_421 = tpu.vector_load %arg8[%get3A_419, %get3A_420] {strides = array<i32>} : memref<160x128xf32, #tpu.memory_space<vmem>>, vector<1x16xf32>,
        %get3A_422 = vector.shape_cast %get3A_421 : vector<1x16xf32> to vector<16xf32>
        %get3A_423 = arith.index_cast %add3A_370 : i32 to index
        %get3A_424 = arith.constant 112 : index
        %get3A_425 = tpu.vector_load %arg8[%get3A_423, %get3A_424] {strides = array<i32>} : memref<160x128xf32, #tpu.memory_space<vmem>>, vector<1x16xf32>,
        %get3A_426 = vector.shape_cast %get3A_425 : vector<1x16xf32> to vector<16xf32>
        %mul3A_427 = vector.broadcast %squeeze3A_366 : f32 to vector<16xf32>
        %mul3A_428 = arith.mulf %mul3A_427, %get3A_426 : vector<16xf32>
        %add3A_429 = arith.addf %get3A_422, %mul3A_428 : vector<16xf32>
        %swap3A_430 = arith.index_cast %add3A_370 : i32 to index
        %swap3A_431 = arith.constant 48 : index
        %swap3A_432 = tpu.vector_load %arg10[%swap3A_430, %swap3A_431] {strides = array<i32>} : memref<160x64xf32, #tpu.memory_space<vmem>>, vector<1x16xf32>,
        %swap3A_433 = vector.shape_cast %swap3A_432 : vector<1x16xf32> to vector<16xf32>
        %swap3A_434 = vector.shape_cast %add3A_429 : vector<16xf32> to vector<1x16xf32>
        tpu.vector_store %arg10[%swap3A_430, %swap3A_431], %swap3A_434 {strides = array<i32>} : memref<160x64xf32, #tpu.memory_space<vmem>>, vector<1x16xf32>,
        %slice3A_435 = vector.extract_strided_slice %get3A_157 {offsets = [4], sizes = [1], strides = [1]} : vector<16xf32> to vector<1xf32>
        %squeeze3A_436 = vector.extract %slice3A_435[0] : f32 from vector<1xf32>
        %mul3A_437 = arith.constant 16 : i32
        %mul3A_438 = arith.muli %scan3A_151, %mul3A_437 : i32
        %add3A_439 = arith.constant 4 : i32
        %add3A_440 = arith.addi %mul3A_438, %add3A_439 : i32
        %get3A_441 = arith.index_cast %add3A_440 : i32 to index
        %get3A_442 = arith.constant 0 : index
        %get3A_443 = tpu.vector_load %arg8[%get3A_441, %get3A_442] {strides = array<i32>} : memref<160x128xf32, #tpu.memory_space<vmem>>, vector<1x16xf32>,
        %get3A_444 = vector.shape_cast %get3A_443 : vector<1x16xf32> to vector<16xf32>
        %get3A_445 = arith.index_cast %add3A_440 : i32 to index
        %get3A_446 = arith.constant 64 : index
        %get3A_447 = tpu.vector_load %arg8[%get3A_445, %get3A_446] {strides = array<i32>} : memref<160x128xf32, #tpu.memory_space<vmem>>, vector<1x16xf32>,
        %get3A_448 = vector.shape_cast %get3A_447 : vector<1x16xf32> to vector<16xf32>
        %mul3A_449 = vector.broadcast %squeeze3A_436 : f32 to vector<16xf32>
        %mul3A_450 = arith.mulf %mul3A_449, %get3A_448 : vector<16xf32>
        %add3A_451 = arith.addf %get3A_444, %mul3A_450 : vector<16xf32>
        %swap3A_452 = arith.index_cast %add3A_440 : i32 to index
        %swap3A_453 = arith.constant 0 : index
        %swap3A_454 = tpu.vector_load %arg10[%swap3A_452, %swap3A_453] {strides = array<i32>} : memref<160x64xf32, #tpu.memory_space<vmem>>, vector<1x16xf32>,
        %swap3A_455 = vector.shape_cast %swap3A_454 : vector<1x16xf32> to vector<16xf32>
        %swap3A_456 = vector.shape_cast %add3A_451 : vector<16xf32> to vector<1x16xf32>
        tpu.vector_store %arg10[%swap3A_452, %swap3A_453], %swap3A_456 {strides = array<i32>} : memref<160x64xf32, #tpu.memory_space<vmem>>, vector<1x16xf32>,
        %get3A_457 = arith.index_cast %add3A_440 : i32 to index
        %get3A_458 = arith.constant 16 : index
        %get3A_459 = tpu.vector_load %arg8[%get3A_457, %get3A_458] {strides = array<i32>} : memref<160x128xf32, #tpu.memory_space<vmem>>, vector<1x16xf32>,
        %get3A_460 = vector.shape_cast %get3A_459 : vector<1x16xf32> to vector<16xf32>
        %get3A_461 = arith.index_cast %add3A_440 : i32 to index
        %get3A_462 = arith.constant 80 : index
        %get3A_463 = tpu.vector_load %arg8[%get3A_461, %get3A_462] {strides = array<i32>} : memref<160x128xf32, #tpu.memory_space<vmem>>, vector<1x16xf32>,
        %get3A_464 = vector.shape_cast %get3A_463 : vector<1x16xf32> to vector<16xf32>
        %mul3A_465 = vector.broadcast %squeeze3A_436 : f32 to vector<16xf32>
        %mul3A_466 = arith.mulf %mul3A_465, %get3A_464 : vector<16xf32>
        %add3A_467 = arith.addf %get3A_460, %mul3A_466 : vector<16xf32>
        %swap3A_468 = arith.index_cast %add3A_440 : i32 to index
        %swap3A_469 = arith.constant 16 : index
        %swap3A_470 = tpu.vector_load %arg10[%swap3A_468, %swap3A_469] {strides = array<i32>} : memref<160x64xf32, #tpu.memory_space<vmem>>, vector<1x16xf32>,
        %swap3A_471 = vector.shape_cast %swap3A_470 : vector<1x16xf32> to vector<16xf32>
        %swap3A_472 = vector.shape_cast %add3A_467 : vector<16xf32> to vector<1x16xf32>
        tpu.vector_store %arg10[%swap3A_468, %swap3A_469], %swap3A_472 {strides = array<i32>} : memref<160x64xf32, #tpu.memory_space<vmem>>, vector<1x16xf32>,
        %get3A_473 = arith.index_cast %add3A_440 : i32 to index
        %get3A_474 = arith.constant 32 : index
        %get3A_475 = tpu.vector_load %arg8[%get3A_473, %get3A_474] {strides = array<i32>} : memref<160x128xf32, #tpu.memory_space<vmem>>, vector<1x16xf32>,
        %get3A_476 = vector.shape_cast %get3A_475 : vector<1x16xf32> to vector<16xf32>
        %get3A_477 = arith.index_cast %add3A_440 : i32 to index
        %get3A_478 = arith.constant 96 : index
        %get3A_479 = tpu.vector_load %arg8[%get3A_477, %get3A_478] {strides = array<i32>} : memref<160x128xf32, #tpu.memory_space<vmem>>, vector<1x16xf32>,
        %get3A_480 = vector.shape_cast %get3A_479 : vector<1x16xf32> to vector<16xf32>
        %mul3A_481 = vector.broadcast %squeeze3A_436 : f32 to vector<16xf32>
        %mul3A_482 = arith.mulf %mul3A_481, %get3A_480 : vector<16xf32>
        %add3A_483 = arith.addf %get3A_476, %mul3A_482 : vector<16xf32>
        %swap3A_484 = arith.index_cast %add3A_440 : i32 to index
        %swap3A_485 = arith.constant 32 : index
        %swap3A_486 = tpu.vector_load %arg10[%swap3A_484, %swap3A_485] {strides = array<i32>} : memref<160x64xf32, #tpu.memory_space<vmem>>, vector<1x16xf32>,
        %swap3A_487 = vector.shape_cast %swap3A_486 : vector<1x16xf32> to vector<16xf32>
        %swap3A_488 = vector.shape_cast %add3A_483 : vector<16xf32> to vector<1x16xf32>
        tpu.vector_store %arg10[%swap3A_484, %swap3A_485], %swap3A_488 {strides = array<i32>} : memref<160x64xf32, #tpu.memory_space<vmem>>, vector<1x16xf32>,
        %get3A_489 = arith.index_cast %add3A_440 : i32 to index
        %get3A_490 = arith.constant 48 : index
        %get3A_491 = tpu.vector_load %arg8[%get3A_489, %get3A_490] {strides = array<i32>} : memref<160x128xf32, #tpu.memory_space<vmem>>, vector<1x16xf32>,
        %get3A_492 = vector.shape_cast %get3A_491 : vector<1x16xf32> to vector<16xf32>
        %get3A_493 = arith.index_cast %add3A_440 : i32 to index
        %get3A_494 = arith.constant 112 : index
        %get3A_495 = tpu.vector_load %arg8[%get3A_493, %get3A_494] {strides = array<i32>} : memref<160x128xf32, #tpu.memory_space<vmem>>, vector<1x16xf32>,
        %get3A_496 = vector.shape_cast %get3A_495 : vector<1x16xf32> to vector<16xf32>
        %mul3A_497 = vector.broadcast %squeeze3A_436 : f32 to vector<16xf32>
        %mul3A_498 = arith.mulf %mul3A_497, %get3A_496 : vector<16xf32>
        %add3A_499 = arith.addf %get3A_492, %mul3A_498 : vector<16xf32>
        %swap3A_500 = arith.index_cast %add3A_440 : i32 to index
        %swap3A_501 = arith.constant 48 : index
        %swap3A_502 = tpu.vector_load %arg10[%swap3A_500, %swap3A_501] {strides = array<i32>} : memref<160x64xf32, #tpu.memory_space<vmem>>, vector<1x16xf32>,
        %swap3A_503 = vector.shape_cast %swap3A_502 : vector<1x16xf32> to vector<16xf32>
        %swap3A_504 = vector.shape_cast %add3A_499 : vector<16xf32> to vector<1x16xf32>
        tpu.vector_store %arg10[%swap3A_500, %swap3A_501], %swap3A_504 {strides = array<i32>} : memref<160x64xf32, #tpu.memory_space<vmem>>, vector<1x16xf32>,
        %slice3A_505 = vector.extract_strided_slice %get3A_157 {offsets = [5], sizes = [1], strides = [1]} : vector<16xf32> to vector<1xf32>
        %squeeze3A_506 = vector.extract %slice3A_505[0] : f32 from vector<1xf32>
        %mul3A_507 = arith.constant 16 : i32
        %mul3A_508 = arith.muli %scan3A_151, %mul3A_507 : i32
        %add3A_509 = arith.constant 5 : i32
        %add3A_510 = arith.addi %mul3A_508, %add3A_509 : i32
        %get3A_511 = arith.index_cast %add3A_510 : i32 to index
        %get3A_512 = arith.constant 0 : index
        %get3A_513 = tpu.vector_load %arg8[%get3A_511, %get3A_512] {strides = array<i32>} : memref<160x128xf32, #tpu.memory_space<vmem>>, vector<1x16xf32>,
        %get3A_514 = vector.shape_cast %get3A_513 : vector<1x16xf32> to vector<16xf32>
        %get3A_515 = arith.index_cast %add3A_510 : i32 to index
        %get3A_516 = arith.constant 64 : index
        %get3A_517 = tpu.vector_load %arg8[%get3A_515, %get3A_516] {strides = array<i32>} : memref<160x128xf32, #tpu.memory_space<vmem>>, vector<1x16xf32>,
        %get3A_518 = vector.shape_cast %get3A_517 : vector<1x16xf32> to vector<16xf32>
        %mul3A_519 = vector.broadcast %squeeze3A_506 : f32 to vector<16xf32>
        %mul3A_520 = arith.mulf %mul3A_519, %get3A_518 : vector<16xf32>
        %add3A_521 = arith.addf %get3A_514, %mul3A_520 : vector<16xf32>
        %swap3A_522 = arith.index_cast %add3A_510 : i32 to index
        %swap3A_523 = arith.constant 0 : index
        %swap3A_524 = tpu.vector_load %arg10[%swap3A_522, %swap3A_523] {strides = array<i32>} : memref<160x64xf32, #tpu.memory_space<vmem>>, vector<1x16xf32>,
        %swap3A_525 = vector.shape_cast %swap3A_524 : vector<1x16xf32> to vector<16xf32>
        %swap3A_526 = vector.shape_cast %add3A_521 : vector<16xf32> to vector<1x16xf32>
        tpu.vector_store %arg10[%swap3A_522, %swap3A_523], %swap3A_526 {strides = array<i32>} : memref<160x64xf32, #tpu.memory_space<vmem>>, vector<1x16xf32>,
        %get3A_527 = arith.index_cast %add3A_510 : i32 to index
        %get3A_528 = arith.constant 16 : index
        %get3A_529 = tpu.vector_load %arg8[%get3A_527, %get3A_528] {strides = array<i32>} : memref<160x128xf32, #tpu.memory_space<vmem>>, vector<1x16xf32>,
        %get3A_530 = vector.shape_cast %get3A_529 : vector<1x16xf32> to vector<16xf32>
        %get3A_531 = arith.index_cast %add3A_510 : i32 to index
        %get3A_532 = arith.constant 80 : index
        %get3A_533 = tpu.vector_load %arg8[%get3A_531, %get3A_532] {strides = array<i32>} : memref<160x128xf32, #tpu.memory_space<vmem>>, vector<1x16xf32>,
        %get3A_534 = vector.shape_cast %get3A_533 : vector<1x16xf32> to vector<16xf32>
        %mul3A_535 = vector.broadcast %squeeze3A_506 : f32 to vector<16xf32>
        %mul3A_536 = arith.mulf %mul3A_535, %get3A_534 : vector<16xf32>
        %add3A_537 = arith.addf %get3A_530, %mul3A_536 : vector<16xf32>
        %swap3A_538 = arith.index_cast %add3A_510 : i32 to index
        %swap3A_539 = arith.constant 16 : index
        %swap3A_540 = tpu.vector_load %arg10[%swap3A_538, %swap3A_539] {strides = array<i32>} : memref<160x64xf32, #tpu.memory_space<vmem>>, vector<1x16xf32>,
        %swap3A_541 = vector.shape_cast %swap3A_540 : vector<1x16xf32> to vector<16xf32>
        %swap3A_542 = vector.shape_cast %add3A_537 : vector<16xf32> to vector<1x16xf32>
        tpu.vector_store %arg10[%swap3A_538, %swap3A_539], %swap3A_542 {strides = array<i32>} : memref<160x64xf32, #tpu.memory_space<vmem>>, vector<1x16xf32>,
        %get3A_543 = arith.index_cast %add3A_510 : i32 to index
        %get3A_544 = arith.constant 32 : index
        %get3A_545 = tpu.vector_load %arg8[%get3A_543, %get3A_544] {strides = array<i32>} : memref<160x128xf32, #tpu.memory_space<vmem>>, vector<1x16xf32>,
        %get3A_546 = vector.shape_cast %get3A_545 : vector<1x16xf32> to vector<16xf32>
        %get3A_547 = arith.index_cast %add3A_510 : i32 to index
        %get3A_548 = arith.constant 96 : index
        %get3A_549 = tpu.vector_load %arg8[%get3A_547, %get3A_548] {strides = array<i32>} : memref<160x128xf32, #tpu.memory_space<vmem>>, vector<1x16xf32>,
        %get3A_550 = vector.shape_cast %get3A_549 : vector<1x16xf32> to vector<16xf32>
        %mul3A_551 = vector.broadcast %squeeze3A_506 : f32 to vector<16xf32>
        %mul3A_552 = arith.mulf %mul3A_551, %get3A_550 : vector<16xf32>
        %add3A_553 = arith.addf %get3A_546, %mul3A_552 : vector<16xf32>
        %swap3A_554 = arith.index_cast %add3A_510 : i32 to index
        %swap3A_555 = arith.constant 32 : index
        %swap3A_556 = tpu.vector_load %arg10[%swap3A_554, %swap3A_555] {strides = array<i32>} : memref<160x64xf32, #tpu.memory_space<vmem>>, vector<1x16xf32>,
        %swap3A_557 = vector.shape_cast %swap3A_556 : vector<1x16xf32> to vector<16xf32>
        %swap3A_558 = vector.shape_cast %add3A_553 : vector<16xf32> to vector<1x16xf32>
        tpu.vector_store %arg10[%swap3A_554, %swap3A_555], %swap3A_558 {strides = array<i32>} : memref<160x64xf32, #tpu.memory_space<vmem>>, vector<1x16xf32>,
        %get3A_559 = arith.index_cast %add3A_510 : i32 to index
        %get3A_560 = arith.constant 48 : index
        %get3A_561 = tpu.vector_load %arg8[%get3A_559, %get3A_560] {strides = array<i32>} : memref<160x128xf32, #tpu.memory_space<vmem>>, vector<1x16xf32>,
        %get3A_562 = vector.shape_cast %get3A_561 : vector<1x16xf32> to vector<16xf32>
        %get3A_563 = arith.index_cast %add3A_510 : i32 to index
        %get3A_564 = arith.constant 112 : index
        %get3A_565 = tpu.vector_load %arg8[%get3A_563, %get3A_564] {strides = array<i32>} : memref<160x128xf32, #tpu.memory_space<vmem>>, vector<1x16xf32>,
        %get3A_566 = vector.shape_cast %get3A_565 : vector<1x16xf32> to vector<16xf32>
        %mul3A_567 = vector.broadcast %squeeze3A_506 : f32 to vector<16xf32>
        %mul3A_568 = arith.mulf %mul3A_567, %get3A_566 : vector<16xf32>
        %add3A_569 = arith.addf %get3A_562, %mul3A_568 : vector<16xf32>
        %swap3A_570 = arith.index_cast %add3A_510 : i32 to index
        %swap3A_571 = arith.constant 48 : index
        %swap3A_572 = tpu.vector_load %arg10[%swap3A_570, %swap3A_571] {strides = array<i32>} : memref<160x64xf32, #tpu.memory_space<vmem>>, vector<1x16xf32>,
        %swap3A_573 = vector.shape_cast %swap3A_572 : vector<1x16xf32> to vector<16xf32>
        %swap3A_574 = vector.shape_cast %add3A_569 : vector<16xf32> to vector<1x16xf32>
        tpu.vector_store %arg10[%swap3A_570, %swap3A_571], %swap3A_574 {strides = array<i32>} : memref<160x64xf32, #tpu.memory_space<vmem>>, vector<1x16xf32>,
        %slice3A_575 = vector.extract_strided_slice %get3A_157 {offsets = [6], sizes = [1], strides = [1]} : vector<16xf32> to vector<1xf32>
        %squeeze3A_576 = vector.extract %slice3A_575[0] : f32 from vector<1xf32>
        %mul3A_577 = arith.constant 16 : i32
        %mul3A_578 = arith.muli %scan3A_151, %mul3A_577 : i32
        %add3A_579 = arith.constant 6 : i32
        %add3A_580 = arith.addi %mul3A_578, %add3A_579 : i32
        %get3A_581 = arith.index_cast %add3A_580 : i32 to index
        %get3A_582 = arith.constant 0 : index
        %get3A_583 = tpu.vector_load %arg8[%get3A_581, %get3A_582] {strides = array<i32>} : memref<160x128xf32, #tpu.memory_space<vmem>>, vector<1x16xf32>,
        %get3A_584 = vector.shape_cast %get3A_583 : vector<1x16xf32> to vector<16xf32>
        %get3A_585 = arith.index_cast %add3A_580 : i32 to index
        %get3A_586 = arith.constant 64 : index
        %get3A_587 = tpu.vector_load %arg8[%get3A_585, %get3A_586] {strides = array<i32>} : memref<160x128xf32, #tpu.memory_space<vmem>>, vector<1x16xf32>,
        %get3A_588 = vector.shape_cast %get3A_587 : vector<1x16xf32> to vector<16xf32>
        %mul3A_589 = vector.broadcast %squeeze3A_576 : f32 to vector<16xf32>
        %mul3A_590 = arith.mulf %mul3A_589, %get3A_588 : vector<16xf32>
        %add3A_591 = arith.addf %get3A_584, %mul3A_590 : vector<16xf32>
        %swap3A_592 = arith.index_cast %add3A_580 : i32 to index
        %swap3A_593 = arith.constant 0 : index
        %swap3A_594 = tpu.vector_load %arg10[%swap3A_592, %swap3A_593] {strides = array<i32>} : memref<160x64xf32, #tpu.memory_space<vmem>>, vector<1x16xf32>,
        %swap3A_595 = vector.shape_cast %swap3A_594 : vector<1x16xf32> to vector<16xf32>
        %swap3A_596 = vector.shape_cast %add3A_591 : vector<16xf32> to vector<1x16xf32>
        tpu.vector_store %arg10[%swap3A_592, %swap3A_593], %swap3A_596 {strides = array<i32>} : memref<160x64xf32, #tpu.memory_space<vmem>>, vector<1x16xf32>,
        %get3A_597 = arith.index_cast %add3A_580 : i32 to index
        %get3A_598 = arith.constant 16 : index
        %get3A_599 = tpu.vector_load %arg8[%get3A_597, %get3A_598] {strides = array<i32>} : memref<160x128xf32, #tpu.memory_space<vmem>>, vector<1x16xf32>,
        %get3A_600 = vector.shape_cast %get3A_599 : vector<1x16xf32> to vector<16xf32>
        %get3A_601 = arith.index_cast %add3A_580 : i32 to index
        %get3A_602 = arith.constant 80 : index
        %get3A_603 = tpu.vector_load %arg8[%get3A_601, %get3A_602] {strides = array<i32>} : memref<160x128xf32, #tpu.memory_space<vmem>>, vector<1x16xf32>,
        %get3A_604 = vector.shape_cast %get3A_603 : vector<1x16xf32> to vector<16xf32>
        %mul3A_605 = vector.broadcast %squeeze3A_576 : f32 to vector<16xf32>
        %mul3A_606 = arith.mulf %mul3A_605, %get3A_604 : vector<16xf32>
        %add3A_607 = arith.addf %get3A_600, %mul3A_606 : vector<16xf32>
        %swap3A_608 = arith.index_cast %add3A_580 : i32 to index
        %swap3A_609 = arith.constant 16 : index
        %swap3A_610 = tpu.vector_load %arg10[%swap3A_608, %swap3A_609] {strides = array<i32>} : memref<160x64xf32, #tpu.memory_space<vmem>>, vector<1x16xf32>,
        %swap3A_611 = vector.shape_cast %swap3A_610 : vector<1x16xf32> to vector<16xf32>
        %swap3A_612 = vector.shape_cast %add3A_607 : vector<16xf32> to vector<1x16xf32>
        tpu.vector_store %arg10[%swap3A_608, %swap3A_609], %swap3A_612 {strides = array<i32>} : memref<160x64xf32, #tpu.memory_space<vmem>>, vector<1x16xf32>,
        %get3A_613 = arith.index_cast %add3A_580 : i32 to index
        %get3A_614 = arith.constant 32 : index
        %get3A_615 = tpu.vector_load %arg8[%get3A_613, %get3A_614] {strides = array<i32>} : memref<160x128xf32, #tpu.memory_space<vmem>>, vector<1x16xf32>,
        %get3A_616 = vector.shape_cast %get3A_615 : vector<1x16xf32> to vector<16xf32>
        %get3A_617 = arith.index_cast %add3A_580 : i32 to index
        %get3A_618 = arith.constant 96 : index
        %get3A_619 = tpu.vector_load %arg8[%get3A_617, %get3A_618] {strides = array<i32>} : memref<160x128xf32, #tpu.memory_space<vmem>>, vector<1x16xf32>,
        %get3A_620 = vector.shape_cast %get3A_619 : vector<1x16xf32> to vector<16xf32>
        %mul3A_621 = vector.broadcast %squeeze3A_576 : f32 to vector<16xf32>
        %mul3A_622 = arith.mulf %mul3A_621, %get3A_620 : vector<16xf32>
        %add3A_623 = arith.addf %get3A_616, %mul3A_622 : vector<16xf32>
        %swap3A_624 = arith.index_cast %add3A_580 : i32 to index
        %swap3A_625 = arith.constant 32 : index
        %swap3A_626 = tpu.vector_load %arg10[%swap3A_624, %swap3A_625] {strides = array<i32>} : memref<160x64xf32, #tpu.memory_space<vmem>>, vector<1x16xf32>,
        %swap3A_627 = vector.shape_cast %swap3A_626 : vector<1x16xf32> to vector<16xf32>
        %swap3A_628 = vector.shape_cast %add3A_623 : vector<16xf32> to vector<1x16xf32>
        tpu.vector_store %arg10[%swap3A_624, %swap3A_625], %swap3A_628 {strides = array<i32>} : memref<160x64xf32, #tpu.memory_space<vmem>>, vector<1x16xf32>,
        %get3A_629 = arith.index_cast %add3A_580 : i32 to index
        %get3A_630 = arith.constant 48 : index
        %get3A_631 = tpu.vector_load %arg8[%get3A_629, %get3A_630] {strides = array<i32>} : memref<160x128xf32, #tpu.memory_space<vmem>>, vector<1x16xf32>,
        %get3A_632 = vector.shape_cast %get3A_631 : vector<1x16xf32> to vector<16xf32>
        %get3A_633 = arith.index_cast %add3A_580 : i32 to index
        %get3A_634 = arith.constant 112 : index
        %get3A_635 = tpu.vector_load %arg8[%get3A_633, %get3A_634] {strides = array<i32>} : memref<160x128xf32, #tpu.memory_space<vmem>>, vector<1x16xf32>,
        %get3A_636 = vector.shape_cast %get3A_635 : vector<1x16xf32> to vector<16xf32>
        %mul3A_637 = vector.broadcast %squeeze3A_576 : f32 to vector<16xf32>
        %mul3A_638 = arith.mulf %mul3A_637, %get3A_636 : vector<16xf32>
        %add3A_639 = arith.addf %get3A_632, %mul3A_638 : vector<16xf32>
        %swap3A_640 = arith.index_cast %add3A_580 : i32 to index
        %swap3A_641 = arith.constant 48 : index
        %swap3A_642 = tpu.vector_load %arg10[%swap3A_640, %swap3A_641] {strides = array<i32>} : memref<160x64xf32, #tpu.memory_space<vmem>>, vector<1x16xf32>,
        %swap3A_643 = vector.shape_cast %swap3A_642 : vector<1x16xf32> to vector<16xf32>
        %swap3A_644 = vector.shape_cast %add3A_639 : vector<16xf32> to vector<1x16xf32>
        tpu.vector_store %arg10[%swap3A_640, %swap3A_641], %swap3A_644 {strides = array<i32>} : memref<160x64xf32, #tpu.memory_space<vmem>>, vector<1x16xf32>,
        %slice3A_645 = vector.extract_strided_slice %get3A_157 {offsets = [7], sizes = [1], strides = [1]} : vector<16xf32> to vector<1xf32>
        %squeeze3A_646 = vector.extract %slice3A_645[0] : f32 from vector<1xf32>
        %mul3A_647 = arith.constant 16 : i32
        %mul3A_648 = arith.muli %scan3A_151, %mul3A_647 : i32
        %add3A_649 = arith.constant 7 : i32
        %add3A_650 = arith.addi %mul3A_648, %add3A_649 : i32
        %get3A_651 = arith.index_cast %add3A_650 : i32 to index
        %get3A_652 = arith.constant 0 : index
        %get3A_653 = tpu.vector_load %arg8[%get3A_651, %get3A_652] {strides = array<i32>} : memref<160x128xf32, #tpu.memory_space<vmem>>, vector<1x16xf32>,
        %get3A_654 = vector.shape_cast %get3A_653 : vector<1x16xf32> to vector<16xf32>
        %get3A_655 = arith.index_cast %add3A_650 : i32 to index
        %get3A_656 = arith.constant 64 : index
        %get3A_657 = tpu.vector_load %arg8[%get3A_655, %get3A_656] {strides = array<i32>} : memref<160x128xf32, #tpu.memory_space<vmem>>, vector<1x16xf32>,
        %get3A_658 = vector.shape_cast %get3A_657 : vector<1x16xf32> to vector<16xf32>
        %mul3A_659 = vector.broadcast %squeeze3A_646 : f32 to vector<16xf32>
        %mul3A_660 = arith.mulf %mul3A_659, %get3A_658 : vector<16xf32>
        %add3A_661 = arith.addf %get3A_654, %mul3A_660 : vector<16xf32>
        %swap3A_662 = arith.index_cast %add3A_650 : i32 to index
        %swap3A_663 = arith.constant 0 : index
        %swap3A_664 = tpu.vector_load %arg10[%swap3A_662, %swap3A_663] {strides = array<i32>} : memref<160x64xf32, #tpu.memory_space<vmem>>, vector<1x16xf32>,
        %swap3A_665 = vector.shape_cast %swap3A_664 : vector<1x16xf32> to vector<16xf32>
        %swap3A_666 = vector.shape_cast %add3A_661 : vector<16xf32> to vector<1x16xf32>
        tpu.vector_store %arg10[%swap3A_662, %swap3A_663], %swap3A_666 {strides = array<i32>} : memref<160x64xf32, #tpu.memory_space<vmem>>, vector<1x16xf32>,
        %get3A_667 = arith.index_cast %add3A_650 : i32 to index
        %get3A_668 = arith.constant 16 : index
        %get3A_669 = tpu.vector_load %arg8[%get3A_667, %get3A_668] {strides = array<i32>} : memref<160x128xf32, #tpu.memory_space<vmem>>, vector<1x16xf32>,
        %get3A_670 = vector.shape_cast %get3A_669 : vector<1x16xf32> to vector<16xf32>
        %get3A_671 = arith.index_cast %add3A_650 : i32 to index
        %get3A_672 = arith.constant 80 : index
        %get3A_673 = tpu.vector_load %arg8[%get3A_671, %get3A_672] {strides = array<i32>} : memref<160x128xf32, #tpu.memory_space<vmem>>, vector<1x16xf32>,
        %get3A_674 = vector.shape_cast %get3A_673 : vector<1x16xf32> to vector<16xf32>
        %mul3A_675 = vector.broadcast %squeeze3A_646 : f32 to vector<16xf32>
        %mul3A_676 = arith.mulf %mul3A_675, %get3A_674 : vector<16xf32>
        %add3A_677 = arith.addf %get3A_670, %mul3A_676 : vector<16xf32>
        %swap3A_678 = arith.index_cast %add3A_650 : i32 to index
        %swap3A_679 = arith.constant 16 : index
        %swap3A_680 = tpu.vector_load %arg10[%swap3A_678, %swap3A_679] {strides = array<i32>} : memref<160x64xf32, #tpu.memory_space<vmem>>, vector<1x16xf32>,
        %swap3A_681 = vector.shape_cast %swap3A_680 : vector<1x16xf32> to vector<16xf32>
        %swap3A_682 = vector.shape_cast %add3A_677 : vector<16xf32> to vector<1x16xf32>
        tpu.vector_store %arg10[%swap3A_678, %swap3A_679], %swap3A_682 {strides = array<i32>} : memref<160x64xf32, #tpu.memory_space<vmem>>, vector<1x16xf32>,
        %get3A_683 = arith.index_cast %add3A_650 : i32 to index
        %get3A_684 = arith.constant 32 : index
        %get3A_685 = tpu.vector_load %arg8[%get3A_683, %get3A_684] {strides = array<i32>} : memref<160x128xf32, #tpu.memory_space<vmem>>, vector<1x16xf32>,
        %get3A_686 = vector.shape_cast %get3A_685 : vector<1x16xf32> to vector<16xf32>
        %get3A_687 = arith.index_cast %add3A_650 : i32 to index
        %get3A_688 = arith.constant 96 : index
        %get3A_689 = tpu.vector_load %arg8[%get3A_687, %get3A_688] {strides = array<i32>} : memref<160x128xf32, #tpu.memory_space<vmem>>, vector<1x16xf32>,
        %get3A_690 = vector.shape_cast %get3A_689 : vector<1x16xf32> to vector<16xf32>
        %mul3A_691 = vector.broadcast %squeeze3A_646 : f32 to vector<16xf32>
        %mul3A_692 = arith.mulf %mul3A_691, %get3A_690 : vector<16xf32>
        %add3A_693 = arith.addf %get3A_686, %mul3A_692 : vector<16xf32>
        %swap3A_694 = arith.index_cast %add3A_650 : i32 to index
        %swap3A_695 = arith.constant 32 : index
        %swap3A_696 = tpu.vector_load %arg10[%swap3A_694, %swap3A_695] {strides = array<i32>} : memref<160x64xf32, #tpu.memory_space<vmem>>, vector<1x16xf32>,
        %swap3A_697 = vector.shape_cast %swap3A_696 : vector<1x16xf32> to vector<16xf32>
        %swap3A_698 = vector.shape_cast %add3A_693 : vector<16xf32> to vector<1x16xf32>
        tpu.vector_store %arg10[%swap3A_694, %swap3A_695], %swap3A_698 {strides = array<i32>} : memref<160x64xf32, #tpu.memory_space<vmem>>, vector<1x16xf32>,
        %get3A_699 = arith.index_cast %add3A_650 : i32 to index
        %get3A_700 = arith.constant 48 : index
        %get3A_701 = tpu.vector_load %arg8[%get3A_699, %get3A_700] {strides = array<i32>} : memref<160x128xf32, #tpu.memory_space<vmem>>, vector<1x16xf32>,
        %get3A_702 = vector.shape_cast %get3A_701 : vector<1x16xf32> to vector<16xf32>
        %get3A_703 = arith.index_cast %add3A_650 : i32 to index
        %get3A_704 = arith.constant 112 : index
        %get3A_705 = tpu.vector_load %arg8[%get3A_703, %get3A_704] {strides = array<i32>} : memref<160x128xf32, #tpu.memory_space<vmem>>, vector<1x16xf32>,
        %get3A_706 = vector.shape_cast %get3A_705 : vector<1x16xf32> to vector<16xf32>
        %mul3A_707 = vector.broadcast %squeeze3A_646 : f32 to vector<16xf32>
        %mul3A_708 = arith.mulf %mul3A_707, %get3A_706 : vector<16xf32>
        %add3A_709 = arith.addf %get3A_702, %mul3A_708 : vector<16xf32>
        %swap3A_710 = arith.index_cast %add3A_650 : i32 to index
        %swap3A_711 = arith.constant 48 : index
        %swap3A_712 = tpu.vector_load %arg10[%swap3A_710, %swap3A_711] {strides = array<i32>} : memref<160x64xf32, #tpu.memory_space<vmem>>, vector<1x16xf32>,
        %swap3A_713 = vector.shape_cast %swap3A_712 : vector<1x16xf32> to vector<16xf32>
        %swap3A_714 = vector.shape_cast %add3A_709 : vector<16xf32> to vector<1x16xf32>
        tpu.vector_store %arg10[%swap3A_710, %swap3A_711], %swap3A_714 {strides = array<i32>} : memref<160x64xf32, #tpu.memory_space<vmem>>, vector<1x16xf32>,
        %slice3A_715 = vector.extract_strided_slice %get3A_157 {offsets = [8], sizes = [1], strides = [1]} : vector<16xf32> to vector<1xf32>
        %squeeze3A_716 = vector.extract %slice3A_715[0] : f32 from vector<1xf32>
        %mul3A_717 = arith.constant 16 : i32
        %mul3A_718 = arith.muli %scan3A_151, %mul3A_717 : i32
        %add3A_719 = arith.constant 8 : i32
        %add3A_720 = arith.addi %mul3A_718, %add3A_719 : i32
        %get3A_721 = arith.index_cast %add3A_720 : i32 to index
        %get3A_722 = arith.constant 0 : index
        %get3A_723 = tpu.vector_load %arg8[%get3A_721, %get3A_722] {strides = array<i32>} : memref<160x128xf32, #tpu.memory_space<vmem>>, vector<1x16xf32>,
        %get3A_724 = vector.shape_cast %get3A_723 : vector<1x16xf32> to vector<16xf32>
        %get3A_725 = arith.index_cast %add3A_720 : i32 to index
        %get3A_726 = arith.constant 64 : index
        %get3A_727 = tpu.vector_load %arg8[%get3A_725, %get3A_726] {strides = array<i32>} : memref<160x128xf32, #tpu.memory_space<vmem>>, vector<1x16xf32>,
        %get3A_728 = vector.shape_cast %get3A_727 : vector<1x16xf32> to vector<16xf32>
        %mul3A_729 = vector.broadcast %squeeze3A_716 : f32 to vector<16xf32>
        %mul3A_730 = arith.mulf %mul3A_729, %get3A_728 : vector<16xf32>
        %add3A_731 = arith.addf %get3A_724, %mul3A_730 : vector<16xf32>
        %swap3A_732 = arith.index_cast %add3A_720 : i32 to index
        %swap3A_733 = arith.constant 0 : index
        %swap3A_734 = tpu.vector_load %arg10[%swap3A_732, %swap3A_733] {strides = array<i32>} : memref<160x64xf32, #tpu.memory_space<vmem>>, vector<1x16xf32>,
        %swap3A_735 = vector.shape_cast %swap3A_734 : vector<1x16xf32> to vector<16xf32>
        %swap3A_736 = vector.shape_cast %add3A_731 : vector<16xf32> to vector<1x16xf32>
        tpu.vector_store %arg10[%swap3A_732, %swap3A_733], %swap3A_736 {strides = array<i32>} : memref<160x64xf32, #tpu.memory_space<vmem>>, vector<1x16xf32>,
        %get3A_737 = arith.index_cast %add3A_720 : i32 to index
        %get3A_738 = arith.constant 16 : index
        %get3A_739 = tpu.vector_load %arg8[%get3A_737, %get3A_738] {strides = array<i32>} : memref<160x128xf32, #tpu.memory_space<vmem>>, vector<1x16xf32>,
        %get3A_740 = vector.shape_cast %get3A_739 : vector<1x16xf32> to vector<16xf32>
        %get3A_741 = arith.index_cast %add3A_720 : i32 to index
        %get3A_742 = arith.constant 80 : index
        %get3A_743 = tpu.vector_load %arg8[%get3A_741, %get3A_742] {strides = array<i32>} : memref<160x128xf32, #tpu.memory_space<vmem>>, vector<1x16xf32>,
        %get3A_744 = vector.shape_cast %get3A_743 : vector<1x16xf32> to vector<16xf32>
        %mul3A_745 = vector.broadcast %squeeze3A_716 : f32 to vector<16xf32>
        %mul3A_746 = arith.mulf %mul3A_745, %get3A_744 : vector<16xf32>
        %add3A_747 = arith.addf %get3A_740, %mul3A_746 : vector<16xf32>
        %swap3A_748 = arith.index_cast %add3A_720 : i32 to index
        %swap3A_749 = arith.constant 16 : index
        %swap3A_750 = tpu.vector_load %arg10[%swap3A_748, %swap3A_749] {strides = array<i32>} : memref<160x64xf32, #tpu.memory_space<vmem>>, vector<1x16xf32>,
        %swap3A_751 = vector.shape_cast %swap3A_750 : vector<1x16xf32> to vector<16xf32>
        %swap3A_752 = vector.shape_cast %add3A_747 : vector<16xf32> to vector<1x16xf32>
        tpu.vector_store %arg10[%swap3A_748, %swap3A_749], %swap3A_752 {strides = array<i32>} : memref<160x64xf32, #tpu.memory_space<vmem>>, vector<1x16xf32>,
        %get3A_753 = arith.index_cast %add3A_720 : i32 to index
        %get3A_754 = arith.constant 32 : index
        %get3A_755 = tpu.vector_load %arg8[%get3A_753, %get3A_754] {strides = array<i32>} : memref<160x128xf32, #tpu.memory_space<vmem>>, vector<1x16xf32>,
        %get3A_756 = vector.shape_cast %get3A_755 : vector<1x16xf32> to vector<16xf32>
        %get3A_757 = arith.index_cast %add3A_720 : i32 to index
        %get3A_758 = arith.constant 96 : index
        %get3A_759 = tpu.vector_load %arg8[%get3A_757, %get3A_758] {strides = array<i32>} : memref<160x128xf32, #tpu.memory_space<vmem>>, vector<1x16xf32>,
        %get3A_760 = vector.shape_cast %get3A_759 : vector<1x16xf32> to vector<16xf32>
        %mul3A_761 = vector.broadcast %squeeze3A_716 : f32 to vector<16xf32>
        %mul3A_762 = arith.mulf %mul3A_761, %get3A_760 : vector<16xf32>
        %add3A_763 = arith.addf %get3A_756, %mul3A_762 : vector<16xf32>
        %swap3A_764 = arith.index_cast %add3A_720 : i32 to index
        %swap3A_765 = arith.constant 32 : index
        %swap3A_766 = tpu.vector_load %arg10[%swap3A_764, %swap3A_765] {strides = array<i32>} : memref<160x64xf32, #tpu.memory_space<vmem>>, vector<1x16xf32>,
        %swap3A_767 = vector.shape_cast %swap3A_766 : vector<1x16xf32> to vector<16xf32>
        %swap3A_768 = vector.shape_cast %add3A_763 : vector<16xf32> to vector<1x16xf32>
        tpu.vector_store %arg10[%swap3A_764, %swap3A_765], %swap3A_768 {strides = array<i32>} : memref<160x64xf32, #tpu.memory_space<vmem>>, vector<1x16xf32>,
        %get3A_769 = arith.index_cast %add3A_720 : i32 to index
        %get3A_770 = arith.constant 48 : index
        %get3A_771 = tpu.vector_load %arg8[%get3A_769, %get3A_770] {strides = array<i32>} : memref<160x128xf32, #tpu.memory_space<vmem>>, vector<1x16xf32>,
        %get3A_772 = vector.shape_cast %get3A_771 : vector<1x16xf32> to vector<16xf32>
        %get3A_773 = arith.index_cast %add3A_720 : i32 to index
        %get3A_774 = arith.constant 112 : index
        %get3A_775 = tpu.vector_load %arg8[%get3A_773, %get3A_774] {strides = array<i32>} : memref<160x128xf32, #tpu.memory_space<vmem>>, vector<1x16xf32>,
        %get3A_776 = vector.shape_cast %get3A_775 : vector<1x16xf32> to vector<16xf32>
        %mul3A_777 = vector.broadcast %squeeze3A_716 : f32 to vector<16xf32>
        %mul3A_778 = arith.mulf %mul3A_777, %get3A_776 : vector<16xf32>
        %add3A_779 = arith.addf %get3A_772, %mul3A_778 : vector<16xf32>
        %swap3A_780 = arith.index_cast %add3A_720 : i32 to index
        %swap3A_781 = arith.constant 48 : index
        %swap3A_782 = tpu.vector_load %arg10[%swap3A_780, %swap3A_781] {strides = array<i32>} : memref<160x64xf32, #tpu.memory_space<vmem>>, vector<1x16xf32>,
        %swap3A_783 = vector.shape_cast %swap3A_782 : vector<1x16xf32> to vector<16xf32>
        %swap3A_784 = vector.shape_cast %add3A_779 : vector<16xf32> to vector<1x16xf32>
        tpu.vector_store %arg10[%swap3A_780, %swap3A_781], %swap3A_784 {strides = array<i32>} : memref<160x64xf32, #tpu.memory_space<vmem>>, vector<1x16xf32>,
        %slice3A_785 = vector.extract_strided_slice %get3A_157 {offsets = [9], sizes = [1], strides = [1]} : vector<16xf32> to vector<1xf32>
        %squeeze3A_786 = vector.extract %slice3A_785[0] : f32 from vector<1xf32>
        %mul3A_787 = arith.constant 16 : i32
        %mul3A_788 = arith.muli %scan3A_151, %mul3A_787 : i32
        %add3A_789 = arith.constant 9 : i32
        %add3A_790 = arith.addi %mul3A_788, %add3A_789 : i32
        %get3A_791 = arith.index_cast %add3A_790 : i32 to index
        %get3A_792 = arith.constant 0 : index
        %get3A_793 = tpu.vector_load %arg8[%get3A_791, %get3A_792] {strides = array<i32>} : memref<160x128xf32, #tpu.memory_space<vmem>>, vector<1x16xf32>,
        %get3A_794 = vector.shape_cast %get3A_793 : vector<1x16xf32> to vector<16xf32>
        %get3A_795 = arith.index_cast %add3A_790 : i32 to index
        %get3A_796 = arith.constant 64 : index
        %get3A_797 = tpu.vector_load %arg8[%get3A_795, %get3A_796] {strides = array<i32>} : memref<160x128xf32, #tpu.memory_space<vmem>>, vector<1x16xf32>,
        %get3A_798 = vector.shape_cast %get3A_797 : vector<1x16xf32> to vector<16xf32>
        %mul3A_799 = vector.broadcast %squeeze3A_786 : f32 to vector<16xf32>
        %mul3A_800 = arith.mulf %mul3A_799, %get3A_798 : vector<16xf32>
        %add3A_801 = arith.addf %get3A_794, %mul3A_800 : vector<16xf32>
        %swap3A_802 = arith.index_cast %add3A_790 : i32 to index
        %swap3A_803 = arith.constant 0 : index
        %swap3A_804 = tpu.vector_load %arg10[%swap3A_802, %swap3A_803] {strides = array<i32>} : memref<160x64xf32, #tpu.memory_space<vmem>>, vector<1x16xf32>,
        %swap3A_805 = vector.shape_cast %swap3A_804 : vector<1x16xf32> to vector<16xf32>
        %swap3A_806 = vector.shape_cast %add3A_801 : vector<16xf32> to vector<1x16xf32>
        tpu.vector_store %arg10[%swap3A_802, %swap3A_803], %swap3A_806 {strides = array<i32>} : memref<160x64xf32, #tpu.memory_space<vmem>>, vector<1x16xf32>,
        %get3A_807 = arith.index_cast %add3A_790 : i32 to index
        %get3A_808 = arith.constant 16 : index
        %get3A_809 = tpu.vector_load %arg8[%get3A_807, %get3A_808] {strides = array<i32>} : memref<160x128xf32, #tpu.memory_space<vmem>>, vector<1x16xf32>,
        %get3A_810 = vector.shape_cast %get3A_809 : vector<1x16xf32> to vector<16xf32>
        %get3A_811 = arith.index_cast %add3A_790 : i32 to index
        %get3A_812 = arith.constant 80 : index
        %get3A_813 = tpu.vector_load %arg8[%get3A_811, %get3A_812] {strides = array<i32>} : memref<160x128xf32, #tpu.memory_space<vmem>>, vector<1x16xf32>,
        %get3A_814 = vector.shape_cast %get3A_813 : vector<1x16xf32> to vector<16xf32>
        %mul3A_815 = vector.broadcast %squeeze3A_786 : f32 to vector<16xf32>
        %mul3A_816 = arith.mulf %mul3A_815, %get3A_814 : vector<16xf32>
        %add3A_817 = arith.addf %get3A_810, %mul3A_816 : vector<16xf32>
        %swap3A_818 = arith.index_cast %add3A_790 : i32 to index
        %swap3A_819 = arith.constant 16 : index
        %swap3A_820 = tpu.vector_load %arg10[%swap3A_818, %swap3A_819] {strides = array<i32>} : memref<160x64xf32, #tpu.memory_space<vmem>>, vector<1x16xf32>,
        %swap3A_821 = vector.shape_cast %swap3A_820 : vector<1x16xf32> to vector<16xf32>
        %swap3A_822 = vector.shape_cast %add3A_817 : vector<16xf32> to vector<1x16xf32>
        tpu.vector_store %arg10[%swap3A_818, %swap3A_819], %swap3A_822 {strides = array<i32>} : memref<160x64xf32, #tpu.memory_space<vmem>>, vector<1x16xf32>,
        %get3A_823 = arith.index_cast %add3A_790 : i32 to index
        %get3A_824 = arith.constant 32 : index
        %get3A_825 = tpu.vector_load %arg8[%get3A_823, %get3A_824] {strides = array<i32>} : memref<160x128xf32, #tpu.memory_space<vmem>>, vector<1x16xf32>,
        %get3A_826 = vector.shape_cast %get3A_825 : vector<1x16xf32> to vector<16xf32>
        %get3A_827 = arith.index_cast %add3A_790 : i32 to index
        %get3A_828 = arith.constant 96 : index
        %get3A_829 = tpu.vector_load %arg8[%get3A_827, %get3A_828] {strides = array<i32>} : memref<160x128xf32, #tpu.memory_space<vmem>>, vector<1x16xf32>,
        %get3A_830 = vector.shape_cast %get3A_829 : vector<1x16xf32> to vector<16xf32>
        %mul3A_831 = vector.broadcast %squeeze3A_786 : f32 to vector<16xf32>
        %mul3A_832 = arith.mulf %mul3A_831, %get3A_830 : vector<16xf32>
        %add3A_833 = arith.addf %get3A_826, %mul3A_832 : vector<16xf32>
        %swap3A_834 = arith.index_cast %add3A_790 : i32 to index
        %swap3A_835 = arith.constant 32 : index
        %swap3A_836 = tpu.vector_load %arg10[%swap3A_834, %swap3A_835] {strides = array<i32>} : memref<160x64xf32, #tpu.memory_space<vmem>>, vector<1x16xf32>,
        %swap3A_837 = vector.shape_cast %swap3A_836 : vector<1x16xf32> to vector<16xf32>
        %swap3A_838 = vector.shape_cast %add3A_833 : vector<16xf32> to vector<1x16xf32>
        tpu.vector_store %arg10[%swap3A_834, %swap3A_835], %swap3A_838 {strides = array<i32>} : memref<160x64xf32, #tpu.memory_space<vmem>>, vector<1x16xf32>,
        %get3A_839 = arith.index_cast %add3A_790 : i32 to index
        %get3A_840 = arith.constant 48 : index
        %get3A_841 = tpu.vector_load %arg8[%get3A_839, %get3A_840] {strides = array<i32>} : memref<160x128xf32, #tpu.memory_space<vmem>>, vector<1x16xf32>,
        %get3A_842 = vector.shape_cast %get3A_841 : vector<1x16xf32> to vector<16xf32>
        %get3A_843 = arith.index_cast %add3A_790 : i32 to index
        %get3A_844 = arith.constant 112 : index
        %get3A_845 = tpu.vector_load %arg8[%get3A_843, %get3A_844] {strides = array<i32>} : memref<160x128xf32, #tpu.memory_space<vmem>>, vector<1x16xf32>,
        %get3A_846 = vector.shape_cast %get3A_845 : vector<1x16xf32> to vector<16xf32>
        %mul3A_847 = vector.broadcast %squeeze3A_786 : f32 to vector<16xf32>
        %mul3A_848 = arith.mulf %mul3A_847, %get3A_846 : vector<16xf32>
        %add3A_849 = arith.addf %get3A_842, %mul3A_848 : vector<16xf32>
        %swap3A_850 = arith.index_cast %add3A_790 : i32 to index
        %swap3A_851 = arith.constant 48 : index
        %swap3A_852 = tpu.vector_load %arg10[%swap3A_850, %swap3A_851] {strides = array<i32>} : memref<160x64xf32, #tpu.memory_space<vmem>>, vector<1x16xf32>,
        %swap3A_853 = vector.shape_cast %swap3A_852 : vector<1x16xf32> to vector<16xf32>
        %swap3A_854 = vector.shape_cast %add3A_849 : vector<16xf32> to vector<1x16xf32>
        tpu.vector_store %arg10[%swap3A_850, %swap3A_851], %swap3A_854 {strides = array<i32>} : memref<160x64xf32, #tpu.memory_space<vmem>>, vector<1x16xf32>,
        %slice3A_855 = vector.extract_strided_slice %get3A_157 {offsets = [10], sizes = [1], strides = [1]} : vector<16xf32> to vector<1xf32>
        %squeeze3A_856 = vector.extract %slice3A_855[0] : f32 from vector<1xf32>
        %mul3A_857 = arith.constant 16 : i32
        %mul3A_858 = arith.muli %scan3A_151, %mul3A_857 : i32
        %add3A_859 = arith.constant 10 : i32
        %add3A_860 = arith.addi %mul3A_858, %add3A_859 : i32
        %get3A_861 = arith.index_cast %add3A_860 : i32 to index
        %get3A_862 = arith.constant 0 : index
        %get3A_863 = tpu.vector_load %arg8[%get3A_861, %get3A_862] {strides = array<i32>} : memref<160x128xf32, #tpu.memory_space<vmem>>, vector<1x16xf32>,
        %get3A_864 = vector.shape_cast %get3A_863 : vector<1x16xf32> to vector<16xf32>
        %get3A_865 = arith.index_cast %add3A_860 : i32 to index
        %get3A_866 = arith.constant 64 : index
        %get3A_867 = tpu.vector_load %arg8[%get3A_865, %get3A_866] {strides = array<i32>} : memref<160x128xf32, #tpu.memory_space<vmem>>, vector<1x16xf32>,
        %get3A_868 = vector.shape_cast %get3A_867 : vector<1x16xf32> to vector<16xf32>
        %mul3A_869 = vector.broadcast %squeeze3A_856 : f32 to vector<16xf32>
        %mul3A_870 = arith.mulf %mul3A_869, %get3A_868 : vector<16xf32>
        %add3A_871 = arith.addf %get3A_864, %mul3A_870 : vector<16xf32>
        %swap3A_872 = arith.index_cast %add3A_860 : i32 to index
        %swap3A_873 = arith.constant 0 : index
        %swap3A_874 = tpu.vector_load %arg10[%swap3A_872, %swap3A_873] {strides = array<i32>} : memref<160x64xf32, #tpu.memory_space<vmem>>, vector<1x16xf32>,
        %swap3A_875 = vector.shape_cast %swap3A_874 : vector<1x16xf32> to vector<16xf32>
        %swap3A_876 = vector.shape_cast %add3A_871 : vector<16xf32> to vector<1x16xf32>
        tpu.vector_store %arg10[%swap3A_872, %swap3A_873], %swap3A_876 {strides = array<i32>} : memref<160x64xf32, #tpu.memory_space<vmem>>, vector<1x16xf32>,
        %get3A_877 = arith.index_cast %add3A_860 : i32 to index
        %get3A_878 = arith.constant 16 : index
        %get3A_879 = tpu.vector_load %arg8[%get3A_877, %get3A_878] {strides = array<i32>} : memref<160x128xf32, #tpu.memory_space<vmem>>, vector<1x16xf32>,
        %get3A_880 = vector.shape_cast %get3A_879 : vector<1x16xf32> to vector<16xf32>
        %get3A_881 = arith.index_cast %add3A_860 : i32 to index
        %get3A_882 = arith.constant 80 : index
        %get3A_883 = tpu.vector_load %arg8[%get3A_881, %get3A_882] {strides = array<i32>} : memref<160x128xf32, #tpu.memory_space<vmem>>, vector<1x16xf32>,
        %get3A_884 = vector.shape_cast %get3A_883 : vector<1x16xf32> to vector<16xf32>
        %mul3A_885 = vector.broadcast %squeeze3A_856 : f32 to vector<16xf32>
        %mul3A_886 = arith.mulf %mul3A_885, %get3A_884 : vector<16xf32>
        %add3A_887 = arith.addf %get3A_880, %mul3A_886 : vector<16xf32>
        %swap3A_888 = arith.index_cast %add3A_860 : i32 to index
        %swap3A_889 = arith.constant 16 : index
        %swap3A_890 = tpu.vector_load %arg10[%swap3A_888, %swap3A_889] {strides = array<i32>} : memref<160x64xf32, #tpu.memory_space<vmem>>, vector<1x16xf32>,
        %swap3A_891 = vector.shape_cast %swap3A_890 : vector<1x16xf32> to vector<16xf32>
        %swap3A_892 = vector.shape_cast %add3A_887 : vector<16xf32> to vector<1x16xf32>
        tpu.vector_store %arg10[%swap3A_888, %swap3A_889], %swap3A_892 {strides = array<i32>} : memref<160x64xf32, #tpu.memory_space<vmem>>, vector<1x16xf32>,
        %get3A_893 = arith.index_cast %add3A_860 : i32 to index
        %get3A_894 = arith.constant 32 : index
        %get3A_895 = tpu.vector_load %arg8[%get3A_893, %get3A_894] {strides = array<i32>} : memref<160x128xf32, #tpu.memory_space<vmem>>, vector<1x16xf32>,
        %get3A_896 = vector.shape_cast %get3A_895 : vector<1x16xf32> to vector<16xf32>
        %get3A_897 = arith.index_cast %add3A_860 : i32 to index
        %get3A_898 = arith.constant 96 : index
        %get3A_899 = tpu.vector_load %arg8[%get3A_897, %get3A_898] {strides = array<i32>} : memref<160x128xf32, #tpu.memory_space<vmem>>, vector<1x16xf32>,
        %get3A_900 = vector.shape_cast %get3A_899 : vector<1x16xf32> to vector<16xf32>
        %mul3A_901 = vector.broadcast %squeeze3A_856 : f32 to vector<16xf32>
        %mul3A_902 = arith.mulf %mul3A_901, %get3A_900 : vector<16xf32>
        %add3A_903 = arith.addf %get3A_896, %mul3A_902 : vector<16xf32>
        %swap3A_904 = arith.index_cast %add3A_860 : i32 to index
        %swap3A_905 = arith.constant 32 : index
        %swap3A_906 = tpu.vector_load %arg10[%swap3A_904, %swap3A_905] {strides = array<i32>} : memref<160x64xf32, #tpu.memory_space<vmem>>, vector<1x16xf32>,
        %swap3A_907 = vector.shape_cast %swap3A_906 : vector<1x16xf32> to vector<16xf32>
        %swap3A_908 = vector.shape_cast %add3A_903 : vector<16xf32> to vector<1x16xf32>
        tpu.vector_store %arg10[%swap3A_904, %swap3A_905], %swap3A_908 {strides = array<i32>} : memref<160x64xf32, #tpu.memory_space<vmem>>, vector<1x16xf32>,
        %get3A_909 = arith.index_cast %add3A_860 : i32 to index
        %get3A_910 = arith.constant 48 : index
        %get3A_911 = tpu.vector_load %arg8[%get3A_909, %get3A_910] {strides = array<i32>} : memref<160x128xf32, #tpu.memory_space<vmem>>, vector<1x16xf32>,
        %get3A_912 = vector.shape_cast %get3A_911 : vector<1x16xf32> to vector<16xf32>
        %get3A_913 = arith.index_cast %add3A_860 : i32 to index
        %get3A_914 = arith.constant 112 : index
        %get3A_915 = tpu.vector_load %arg8[%get3A_913, %get3A_914] {strides = array<i32>} : memref<160x128xf32, #tpu.memory_space<vmem>>, vector<1x16xf32>,
        %get3A_916 = vector.shape_cast %get3A_915 : vector<1x16xf32> to vector<16xf32>
        %mul3A_917 = vector.broadcast %squeeze3A_856 : f32 to vector<16xf32>
        %mul3A_918 = arith.mulf %mul3A_917, %get3A_916 : vector<16xf32>
        %add3A_919 = arith.addf %get3A_912, %mul3A_918 : vector<16xf32>
        %swap3A_920 = arith.index_cast %add3A_860 : i32 to index
        %swap3A_921 = arith.constant 48 : index
        %swap3A_922 = tpu.vector_load %arg10[%swap3A_920, %swap3A_921] {strides = array<i32>} : memref<160x64xf32, #tpu.memory_space<vmem>>, vector<1x16xf32>,
        %swap3A_923 = vector.shape_cast %swap3A_922 : vector<1x16xf32> to vector<16xf32>
        %swap3A_924 = vector.shape_cast %add3A_919 : vector<16xf32> to vector<1x16xf32>
        tpu.vector_store %arg10[%swap3A_920, %swap3A_921], %swap3A_924 {strides = array<i32>} : memref<160x64xf32, #tpu.memory_space<vmem>>, vector<1x16xf32>,
        %slice3A_925 = vector.extract_strided_slice %get3A_157 {offsets = [11], sizes = [1], strides = [1]} : vector<16xf32> to vector<1xf32>
        %squeeze3A_926 = vector.extract %slice3A_925[0] : f32 from vector<1xf32>
        %mul3A_927 = arith.constant 16 : i32
        %mul3A_928 = arith.muli %scan3A_151, %mul3A_927 : i32
        %add3A_929 = arith.constant 11 : i32
        %add3A_930 = arith.addi %mul3A_928, %add3A_929 : i32
        %get3A_931 = arith.index_cast %add3A_930 : i32 to index
        %get3A_932 = arith.constant 0 : index
        %get3A_933 = tpu.vector_load %arg8[%get3A_931, %get3A_932] {strides = array<i32>} : memref<160x128xf32, #tpu.memory_space<vmem>>, vector<1x16xf32>,
        %get3A_934 = vector.shape_cast %get3A_933 : vector<1x16xf32> to vector<16xf32>
        %get3A_935 = arith.index_cast %add3A_930 : i32 to index
        %get3A_936 = arith.constant 64 : index
        %get3A_937 = tpu.vector_load %arg8[%get3A_935, %get3A_936] {strides = array<i32>} : memref<160x128xf32, #tpu.memory_space<vmem>>, vector<1x16xf32>,
        %get3A_938 = vector.shape_cast %get3A_937 : vector<1x16xf32> to vector<16xf32>
        %mul3A_939 = vector.broadcast %squeeze3A_926 : f32 to vector<16xf32>
        %mul3A_940 = arith.mulf %mul3A_939, %get3A_938 : vector<16xf32>
        %add3A_941 = arith.addf %get3A_934, %mul3A_940 : vector<16xf32>
        %swap3A_942 = arith.index_cast %add3A_930 : i32 to index
        %swap3A_943 = arith.constant 0 : index
        %swap3A_944 = tpu.vector_load %arg10[%swap3A_942, %swap3A_943] {strides = array<i32>} : memref<160x64xf32, #tpu.memory_space<vmem>>, vector<1x16xf32>,
        %swap3A_945 = vector.shape_cast %swap3A_944 : vector<1x16xf32> to vector<16xf32>
        %swap3A_946 = vector.shape_cast %add3A_941 : vector<16xf32> to vector<1x16xf32>
        tpu.vector_store %arg10[%swap3A_942, %swap3A_943], %swap3A_946 {strides = array<i32>} : memref<160x64xf32, #tpu.memory_space<vmem>>, vector<1x16xf32>,
        %get3A_947 = arith.index_cast %add3A_930 : i32 to index
        %get3A_948 = arith.constant 16 : index
        %get3A_949 = tpu.vector_load %arg8[%get3A_947, %get3A_948] {strides = array<i32>} : memref<160x128xf32, #tpu.memory_space<vmem>>, vector<1x16xf32>,
        %get3A_950 = vector.shape_cast %get3A_949 : vector<1x16xf32> to vector<16xf32>
        %get3A_951 = arith.index_cast %add3A_930 : i32 to index
        %get3A_952 = arith.constant 80 : index
        %get3A_953 = tpu.vector_load %arg8[%get3A_951, %get3A_952] {strides = array<i32>} : memref<160x128xf32, #tpu.memory_space<vmem>>, vector<1x16xf32>,
        %get3A_954 = vector.shape_cast %get3A_953 : vector<1x16xf32> to vector<16xf32>
        %mul3A_955 = vector.broadcast %squeeze3A_926 : f32 to vector<16xf32>
        %mul3A_956 = arith.mulf %mul3A_955, %get3A_954 : vector<16xf32>
        %add3A_957 = arith.addf %get3A_950, %mul3A_956 : vector<16xf32>
        %swap3A_958 = arith.index_cast %add3A_930 : i32 to index
        %swap3A_959 = arith.constant 16 : index
        %swap3A_960 = tpu.vector_load %arg10[%swap3A_958, %swap3A_959] {strides = array<i32>} : memref<160x64xf32, #tpu.memory_space<vmem>>, vector<1x16xf32>,
        %swap3A_961 = vector.shape_cast %swap3A_960 : vector<1x16xf32> to vector<16xf32>
        %swap3A_962 = vector.shape_cast %add3A_957 : vector<16xf32> to vector<1x16xf32>
        tpu.vector_store %arg10[%swap3A_958, %swap3A_959], %swap3A_962 {strides = array<i32>} : memref<160x64xf32, #tpu.memory_space<vmem>>, vector<1x16xf32>,
        %get3A_963 = arith.index_cast %add3A_930 : i32 to index
        %get3A_964 = arith.constant 32 : index
        %get3A_965 = tpu.vector_load %arg8[%get3A_963, %get3A_964] {strides = array<i32>} : memref<160x128xf32, #tpu.memory_space<vmem>>, vector<1x16xf32>,
        %get3A_966 = vector.shape_cast %get3A_965 : vector<1x16xf32> to vector<16xf32>
        %get3A_967 = arith.index_cast %add3A_930 : i32 to index
        %get3A_968 = arith.constant 96 : index
        %get3A_969 = tpu.vector_load %arg8[%get3A_967, %get3A_968] {strides = array<i32>} : memref<160x128xf32, #tpu.memory_space<vmem>>, vector<1x16xf32>,
        %get3A_970 = vector.shape_cast %get3A_969 : vector<1x16xf32> to vector<16xf32>
        %mul3A_971 = vector.broadcast %squeeze3A_926 : f32 to vector<16xf32>
        %mul3A_972 = arith.mulf %mul3A_971, %get3A_970 : vector<16xf32>
        %add3A_973 = arith.addf %get3A_966, %mul3A_972 : vector<16xf32>
        %swap3A_974 = arith.index_cast %add3A_930 : i32 to index
        %swap3A_975 = arith.constant 32 : index
        %swap3A_976 = tpu.vector_load %arg10[%swap3A_974, %swap3A_975] {strides = array<i32>} : memref<160x64xf32, #tpu.memory_space<vmem>>, vector<1x16xf32>,
        %swap3A_977 = vector.shape_cast %swap3A_976 : vector<1x16xf32> to vector<16xf32>
        %swap3A_978 = vector.shape_cast %add3A_973 : vector<16xf32> to vector<1x16xf32>
        tpu.vector_store %arg10[%swap3A_974, %swap3A_975], %swap3A_978 {strides = array<i32>} : memref<160x64xf32, #tpu.memory_space<vmem>>, vector<1x16xf32>,
        %get3A_979 = arith.index_cast %add3A_930 : i32 to index
        %get3A_980 = arith.constant 48 : index
        %get3A_981 = tpu.vector_load %arg8[%get3A_979, %get3A_980] {strides = array<i32>} : memref<160x128xf32, #tpu.memory_space<vmem>>, vector<1x16xf32>,
        %get3A_982 = vector.shape_cast %get3A_981 : vector<1x16xf32> to vector<16xf32>
        %get3A_983 = arith.index_cast %add3A_930 : i32 to index
        %get3A_984 = arith.constant 112 : index
        %get3A_985 = tpu.vector_load %arg8[%get3A_983, %get3A_984] {strides = array<i32>} : memref<160x128xf32, #tpu.memory_space<vmem>>, vector<1x16xf32>,
        %get3A_986 = vector.shape_cast %get3A_985 : vector<1x16xf32> to vector<16xf32>
        %mul3A_987 = vector.broadcast %squeeze3A_926 : f32 to vector<16xf32>
        %mul3A_988 = arith.mulf %mul3A_987, %get3A_986 : vector<16xf32>
        %add3A_989 = arith.addf %get3A_982, %mul3A_988 : vector<16xf32>
        %swap3A_990 = arith.index_cast %add3A_930 : i32 to index
        %swap3A_991 = arith.constant 48 : index
        %swap3A_992 = tpu.vector_load %arg10[%swap3A_990, %swap3A_991] {strides = array<i32>} : memref<160x64xf32, #tpu.memory_space<vmem>>, vector<1x16xf32>,
        %swap3A_993 = vector.shape_cast %swap3A_992 : vector<1x16xf32> to vector<16xf32>
        %swap3A_994 = vector.shape_cast %add3A_989 : vector<16xf32> to vector<1x16xf32>
        tpu.vector_store %arg10[%swap3A_990, %swap3A_991], %swap3A_994 {strides = array<i32>} : memref<160x64xf32, #tpu.memory_space<vmem>>, vector<1x16xf32>,
        %slice3A_995 = vector.extract_strided_slice %get3A_157 {offsets = [12], sizes = [1], strides = [1]} : vector<16xf32> to vector<1xf32>
        %squeeze3A_996 = vector.extract %slice3A_995[0] : f32 from vector<1xf32>
        %mul3A_997 = arith.constant 16 : i32
        %mul3A_998 = arith.muli %scan3A_151, %mul3A_997 : i32
        %add3A_999 = arith.constant 12 : i32
        %add3A_1000 = arith.addi %mul3A_998, %add3A_999 : i32
        %get3A_1001 = arith.index_cast %add3A_1000 : i32 to index
        %get3A_1002 = arith.constant 0 : index
        %get3A_1003 = tpu.vector_load %arg8[%get3A_1001, %get3A_1002] {strides = array<i32>} : memref<160x128xf32, #tpu.memory_space<vmem>>, vector<1x16xf32>,
        %get3A_1004 = vector.shape_cast %get3A_1003 : vector<1x16xf32> to vector<16xf32>
        %get3A_1005 = arith.index_cast %add3A_1000 : i32 to index
        %get3A_1006 = arith.constant 64 : index
        %get3A_1007 = tpu.vector_load %arg8[%get3A_1005, %get3A_1006] {strides = array<i32>} : memref<160x128xf32, #tpu.memory_space<vmem>>, vector<1x16xf32>,
        %get3A_1008 = vector.shape_cast %get3A_1007 : vector<1x16xf32> to vector<16xf32>
        %mul3A_1009 = vector.broadcast %squeeze3A_996 : f32 to vector<16xf32>
        %mul3A_1010 = arith.mulf %mul3A_1009, %get3A_1008 : vector<16xf32>
        %add3A_1011 = arith.addf %get3A_1004, %mul3A_1010 : vector<16xf32>
        %swap3A_1012 = arith.index_cast %add3A_1000 : i32 to index
        %swap3A_1013 = arith.constant 0 : index
        %swap3A_1014 = tpu.vector_load %arg10[%swap3A_1012, %swap3A_1013] {strides = array<i32>} : memref<160x64xf32, #tpu.memory_space<vmem>>, vector<1x16xf32>,
        %swap3A_1015 = vector.shape_cast %swap3A_1014 : vector<1x16xf32> to vector<16xf32>
        %swap3A_1016 = vector.shape_cast %add3A_1011 : vector<16xf32> to vector<1x16xf32>
        tpu.vector_store %arg10[%swap3A_1012, %swap3A_1013], %swap3A_1016 {strides = array<i32>} : memref<160x64xf32, #tpu.memory_space<vmem>>, vector<1x16xf32>,
        %get3A_1017 = arith.index_cast %add3A_1000 : i32 to index
        %get3A_1018 = arith.constant 16 : index
        %get3A_1019 = tpu.vector_load %arg8[%get3A_1017, %get3A_1018] {strides = array<i32>} : memref<160x128xf32, #tpu.memory_space<vmem>>, vector<1x16xf32>,
        %get3A_1020 = vector.shape_cast %get3A_1019 : vector<1x16xf32> to vector<16xf32>
        %get3A_1021 = arith.index_cast %add3A_1000 : i32 to index
        %get3A_1022 = arith.constant 80 : index
        %get3A_1023 = tpu.vector_load %arg8[%get3A_1021, %get3A_1022] {strides = array<i32>} : memref<160x128xf32, #tpu.memory_space<vmem>>, vector<1x16xf32>,
        %get3A_1024 = vector.shape_cast %get3A_1023 : vector<1x16xf32> to vector<16xf32>
        %mul3A_1025 = vector.broadcast %squeeze3A_996 : f32 to vector<16xf32>
        %mul3A_1026 = arith.mulf %mul3A_1025, %get3A_1024 : vector<16xf32>
        %add3A_1027 = arith.addf %get3A_1020, %mul3A_1026 : vector<16xf32>
        %swap3A_1028 = arith.index_cast %add3A_1000 : i32 to index
        %swap3A_1029 = arith.constant 16 : index
        %swap3A_1030 = tpu.vector_load %arg10[%swap3A_1028, %swap3A_1029] {strides = array<i32>} : memref<160x64xf32, #tpu.memory_space<vmem>>, vector<1x16xf32>,
        %swap3A_1031 = vector.shape_cast %swap3A_1030 : vector<1x16xf32> to vector<16xf32>
        %swap3A_1032 = vector.shape_cast %add3A_1027 : vector<16xf32> to vector<1x16xf32>
        tpu.vector_store %arg10[%swap3A_1028, %swap3A_1029], %swap3A_1032 {strides = array<i32>} : memref<160x64xf32, #tpu.memory_space<vmem>>, vector<1x16xf32>,
        %get3A_1033 = arith.index_cast %add3A_1000 : i32 to index
        %get3A_1034 = arith.constant 32 : index
        %get3A_1035 = tpu.vector_load %arg8[%get3A_1033, %get3A_1034] {strides = array<i32>} : memref<160x128xf32, #tpu.memory_space<vmem>>, vector<1x16xf32>,
        %get3A_1036 = vector.shape_cast %get3A_1035 : vector<1x16xf32> to vector<16xf32>
        %get3A_1037 = arith.index_cast %add3A_1000 : i32 to index
        %get3A_1038 = arith.constant 96 : index
        %get3A_1039 = tpu.vector_load %arg8[%get3A_1037, %get3A_1038] {strides = array<i32>} : memref<160x128xf32, #tpu.memory_space<vmem>>, vector<1x16xf32>,
        %get3A_1040 = vector.shape_cast %get3A_1039 : vector<1x16xf32> to vector<16xf32>
        %mul3A_1041 = vector.broadcast %squeeze3A_996 : f32 to vector<16xf32>
        %mul3A_1042 = arith.mulf %mul3A_1041, %get3A_1040 : vector<16xf32>
        %add3A_1043 = arith.addf %get3A_1036, %mul3A_1042 : vector<16xf32>
        %swap3A_1044 = arith.index_cast %add3A_1000 : i32 to index
        %swap3A_1045 = arith.constant 32 : index
        %swap3A_1046 = tpu.vector_load %arg10[%swap3A_1044, %swap3A_1045] {strides = array<i32>} : memref<160x64xf32, #tpu.memory_space<vmem>>, vector<1x16xf32>,
        %swap3A_1047 = vector.shape_cast %swap3A_1046 : vector<1x16xf32> to vector<16xf32>
        %swap3A_1048 = vector.shape_cast %add3A_1043 : vector<16xf32> to vector<1x16xf32>
        tpu.vector_store %arg10[%swap3A_1044, %swap3A_1045], %swap3A_1048 {strides = array<i32>} : memref<160x64xf32, #tpu.memory_space<vmem>>, vector<1x16xf32>,
        %get3A_1049 = arith.index_cast %add3A_1000 : i32 to index
        %get3A_1050 = arith.constant 48 : index
        %get3A_1051 = tpu.vector_load %arg8[%get3A_1049, %get3A_1050] {strides = array<i32>} : memref<160x128xf32, #tpu.memory_space<vmem>>, vector<1x16xf32>,
        %get3A_1052 = vector.shape_cast %get3A_1051 : vector<1x16xf32> to vector<16xf32>
        %get3A_1053 = arith.index_cast %add3A_1000 : i32 to index
        %get3A_1054 = arith.constant 112 : index
        %get3A_1055 = tpu.vector_load %arg8[%get3A_1053, %get3A_1054] {strides = array<i32>} : memref<160x128xf32, #tpu.memory_space<vmem>>, vector<1x16xf32>,
        %get3A_1056 = vector.shape_cast %get3A_1055 : vector<1x16xf32> to vector<16xf32>
        %mul3A_1057 = vector.broadcast %squeeze3A_996 : f32 to vector<16xf32>
        %mul3A_1058 = arith.mulf %mul3A_1057, %get3A_1056 : vector<16xf32>
        %add3A_1059 = arith.addf %get3A_1052, %mul3A_1058 : vector<16xf32>
        %swap3A_1060 = arith.index_cast %add3A_1000 : i32 to index
        %swap3A_1061 = arith.constant 48 : index
        %swap3A_1062 = tpu.vector_load %arg10[%swap3A_1060, %swap3A_1061] {strides = array<i32>} : memref<160x64xf32, #tpu.memory_space<vmem>>, vector<1x16xf32>,
        %swap3A_1063 = vector.shape_cast %swap3A_1062 : vector<1x16xf32> to vector<16xf32>
        %swap3A_1064 = vector.shape_cast %add3A_1059 : vector<16xf32> to vector<1x16xf32>
        tpu.vector_store %arg10[%swap3A_1060, %swap3A_1061], %swap3A_1064 {strides = array<i32>} : memref<160x64xf32, #tpu.memory_space<vmem>>, vector<1x16xf32>,
        %slice3A_1065 = vector.extract_strided_slice %get3A_157 {offsets = [13], sizes = [1], strides = [1]} : vector<16xf32> to vector<1xf32>
        %squeeze3A_1066 = vector.extract %slice3A_1065[0] : f32 from vector<1xf32>
        %mul3A_1067 = arith.constant 16 : i32
        %mul3A_1068 = arith.muli %scan3A_151, %mul3A_1067 : i32
        %add3A_1069 = arith.constant 13 : i32
        %add3A_1070 = arith.addi %mul3A_1068, %add3A_1069 : i32
        %get3A_1071 = arith.index_cast %add3A_1070 : i32 to index
        %get3A_1072 = arith.constant 0 : index
        %get3A_1073 = tpu.vector_load %arg8[%get3A_1071, %get3A_1072] {strides = array<i32>} : memref<160x128xf32, #tpu.memory_space<vmem>>, vector<1x16xf32>,
        %get3A_1074 = vector.shape_cast %get3A_1073 : vector<1x16xf32> to vector<16xf32>
        %get3A_1075 = arith.index_cast %add3A_1070 : i32 to index
        %get3A_1076 = arith.constant 64 : index
        %get3A_1077 = tpu.vector_load %arg8[%get3A_1075, %get3A_1076] {strides = array<i32>} : memref<160x128xf32, #tpu.memory_space<vmem>>, vector<1x16xf32>,
        %get3A_1078 = vector.shape_cast %get3A_1077 : vector<1x16xf32> to vector<16xf32>
        %mul3A_1079 = vector.broadcast %squeeze3A_1066 : f32 to vector<16xf32>
        %mul3A_1080 = arith.mulf %mul3A_1079, %get3A_1078 : vector<16xf32>
        %add3A_1081 = arith.addf %get3A_1074, %mul3A_1080 : vector<16xf32>
        %swap3A_1082 = arith.index_cast %add3A_1070 : i32 to index
        %swap3A_1083 = arith.constant 0 : index
        %swap3A_1084 = tpu.vector_load %arg10[%swap3A_1082, %swap3A_1083] {strides = array<i32>} : memref<160x64xf32, #tpu.memory_space<vmem>>, vector<1x16xf32>,
        %swap3A_1085 = vector.shape_cast %swap3A_1084 : vector<1x16xf32> to vector<16xf32>
        %swap3A_1086 = vector.shape_cast %add3A_1081 : vector<16xf32> to vector<1x16xf32>
        tpu.vector_store %arg10[%swap3A_1082, %swap3A_1083], %swap3A_1086 {strides = array<i32>} : memref<160x64xf32, #tpu.memory_space<vmem>>, vector<1x16xf32>,
        %get3A_1087 = arith.index_cast %add3A_1070 : i32 to index
        %get3A_1088 = arith.constant 16 : index
        %get3A_1089 = tpu.vector_load %arg8[%get3A_1087, %get3A_1088] {strides = array<i32>} : memref<160x128xf32, #tpu.memory_space<vmem>>, vector<1x16xf32>,
        %get3A_1090 = vector.shape_cast %get3A_1089 : vector<1x16xf32> to vector<16xf32>
        %get3A_1091 = arith.index_cast %add3A_1070 : i32 to index
        %get3A_1092 = arith.constant 80 : index
        %get3A_1093 = tpu.vector_load %arg8[%get3A_1091, %get3A_1092] {strides = array<i32>} : memref<160x128xf32, #tpu.memory_space<vmem>>, vector<1x16xf32>,
        %get3A_1094 = vector.shape_cast %get3A_1093 : vector<1x16xf32> to vector<16xf32>
        %mul3A_1095 = vector.broadcast %squeeze3A_1066 : f32 to vector<16xf32>
        %mul3A_1096 = arith.mulf %mul3A_1095, %get3A_1094 : vector<16xf32>
        %add3A_1097 = arith.addf %get3A_1090, %mul3A_1096 : vector<16xf32>
        %swap3A_1098 = arith.index_cast %add3A_1070 : i32 to index
        %swap3A_1099 = arith.constant 16 : index
        %swap3A_1100 = tpu.vector_load %arg10[%swap3A_1098, %swap3A_1099] {strides = array<i32>} : memref<160x64xf32, #tpu.memory_space<vmem>>, vector<1x16xf32>,
        %swap3A_1101 = vector.shape_cast %swap3A_1100 : vector<1x16xf32> to vector<16xf32>
        %swap3A_1102 = vector.shape_cast %add3A_1097 : vector<16xf32> to vector<1x16xf32>
        tpu.vector_store %arg10[%swap3A_1098, %swap3A_1099], %swap3A_1102 {strides = array<i32>} : memref<160x64xf32, #tpu.memory_space<vmem>>, vector<1x16xf32>,
        %get3A_1103 = arith.index_cast %add3A_1070 : i32 to index
        %get3A_1104 = arith.constant 32 : index
        %get3A_1105 = tpu.vector_load %arg8[%get3A_1103, %get3A_1104] {strides = array<i32>} : memref<160x128xf32, #tpu.memory_space<vmem>>, vector<1x16xf32>,
        %get3A_1106 = vector.shape_cast %get3A_1105 : vector<1x16xf32> to vector<16xf32>
        %get3A_1107 = arith.index_cast %add3A_1070 : i32 to index
        %get3A_1108 = arith.constant 96 : index
        %get3A_1109 = tpu.vector_load %arg8[%get3A_1107, %get3A_1108] {strides = array<i32>} : memref<160x128xf32, #tpu.memory_space<vmem>>, vector<1x16xf32>,
        %get3A_1110 = vector.shape_cast %get3A_1109 : vector<1x16xf32> to vector<16xf32>
        %mul3A_1111 = vector.broadcast %squeeze3A_1066 : f32 to vector<16xf32>
        %mul3A_1112 = arith.mulf %mul3A_1111, %get3A_1110 : vector<16xf32>
        %add3A_1113 = arith.addf %get3A_1106, %mul3A_1112 : vector<16xf32>
        %swap3A_1114 = arith.index_cast %add3A_1070 : i32 to index
        %swap3A_1115 = arith.constant 32 : index
        %swap3A_1116 = tpu.vector_load %arg10[%swap3A_1114, %swap3A_1115] {strides = array<i32>} : memref<160x64xf32, #tpu.memory_space<vmem>>, vector<1x16xf32>,
        %swap3A_1117 = vector.shape_cast %swap3A_1116 : vector<1x16xf32> to vector<16xf32>
        %swap3A_1118 = vector.shape_cast %add3A_1113 : vector<16xf32> to vector<1x16xf32>
        tpu.vector_store %arg10[%swap3A_1114, %swap3A_1115], %swap3A_1118 {strides = array<i32>} : memref<160x64xf32, #tpu.memory_space<vmem>>, vector<1x16xf32>,
        %get3A_1119 = arith.index_cast %add3A_1070 : i32 to index
        %get3A_1120 = arith.constant 48 : index
        %get3A_1121 = tpu.vector_load %arg8[%get3A_1119, %get3A_1120] {strides = array<i32>} : memref<160x128xf32, #tpu.memory_space<vmem>>, vector<1x16xf32>,
        %get3A_1122 = vector.shape_cast %get3A_1121 : vector<1x16xf32> to vector<16xf32>
        %get3A_1123 = arith.index_cast %add3A_1070 : i32 to index
        %get3A_1124 = arith.constant 112 : index
        %get3A_1125 = tpu.vector_load %arg8[%get3A_1123, %get3A_1124] {strides = array<i32>} : memref<160x128xf32, #tpu.memory_space<vmem>>, vector<1x16xf32>,
        %get3A_1126 = vector.shape_cast %get3A_1125 : vector<1x16xf32> to vector<16xf32>
        %mul3A_1127 = vector.broadcast %squeeze3A_1066 : f32 to vector<16xf32>
        %mul3A_1128 = arith.mulf %mul3A_1127, %get3A_1126 : vector<16xf32>
        %add3A_1129 = arith.addf %get3A_1122, %mul3A_1128 : vector<16xf32>
        %swap3A_1130 = arith.index_cast %add3A_1070 : i32 to index
        %swap3A_1131 = arith.constant 48 : index
        %swap3A_1132 = tpu.vector_load %arg10[%swap3A_1130, %swap3A_1131] {strides = array<i32>} : memref<160x64xf32, #tpu.memory_space<vmem>>, vector<1x16xf32>,
        %swap3A_1133 = vector.shape_cast %swap3A_1132 : vector<1x16xf32> to vector<16xf32>
        %swap3A_1134 = vector.shape_cast %add3A_1129 : vector<16xf32> to vector<1x16xf32>
        tpu.vector_store %arg10[%swap3A_1130, %swap3A_1131], %swap3A_1134 {strides = array<i32>} : memref<160x64xf32, #tpu.memory_space<vmem>>, vector<1x16xf32>,
        %slice3A_1135 = vector.extract_strided_slice %get3A_157 {offsets = [14], sizes = [1], strides = [1]} : vector<16xf32> to vector<1xf32>
        %squeeze3A_1136 = vector.extract %slice3A_1135[0] : f32 from vector<1xf32>
        %mul3A_1137 = arith.constant 16 : i32
        %mul3A_1138 = arith.muli %scan3A_151, %mul3A_1137 : i32
        %add3A_1139 = arith.constant 14 : i32
        %add3A_1140 = arith.addi %mul3A_1138, %add3A_1139 : i32
        %get3A_1141 = arith.index_cast %add3A_1140 : i32 to index
        %get3A_1142 = arith.constant 0 : index
        %get3A_1143 = tpu.vector_load %arg8[%get3A_1141, %get3A_1142] {strides = array<i32>} : memref<160x128xf32, #tpu.memory_space<vmem>>, vector<1x16xf32>,
        %get3A_1144 = vector.shape_cast %get3A_1143 : vector<1x16xf32> to vector<16xf32>
        %get3A_1145 = arith.index_cast %add3A_1140 : i32 to index
        %get3A_1146 = arith.constant 64 : index
        %get3A_1147 = tpu.vector_load %arg8[%get3A_1145, %get3A_1146] {strides = array<i32>} : memref<160x128xf32, #tpu.memory_space<vmem>>, vector<1x16xf32>,
        %get3A_1148 = vector.shape_cast %get3A_1147 : vector<1x16xf32> to vector<16xf32>
        %mul3A_1149 = vector.broadcast %squeeze3A_1136 : f32 to vector<16xf32>
        %mul3A_1150 = arith.mulf %mul3A_1149, %get3A_1148 : vector<16xf32>
        %add3A_1151 = arith.addf %get3A_1144, %mul3A_1150 : vector<16xf32>
        %swap3A_1152 = arith.index_cast %add3A_1140 : i32 to index
        %swap3A_1153 = arith.constant 0 : index
        %swap3A_1154 = tpu.vector_load %arg10[%swap3A_1152, %swap3A_1153] {strides = array<i32>} : memref<160x64xf32, #tpu.memory_space<vmem>>, vector<1x16xf32>,
        %swap3A_1155 = vector.shape_cast %swap3A_1154 : vector<1x16xf32> to vector<16xf32>
        %swap3A_1156 = vector.shape_cast %add3A_1151 : vector<16xf32> to vector<1x16xf32>
        tpu.vector_store %arg10[%swap3A_1152, %swap3A_1153], %swap3A_1156 {strides = array<i32>} : memref<160x64xf32, #tpu.memory_space<vmem>>, vector<1x16xf32>,
        %get3A_1157 = arith.index_cast %add3A_1140 : i32 to index
        %get3A_1158 = arith.constant 16 : index
        %get3A_1159 = tpu.vector_load %arg8[%get3A_1157, %get3A_1158] {strides = array<i32>} : memref<160x128xf32, #tpu.memory_space<vmem>>, vector<1x16xf32>,
        %get3A_1160 = vector.shape_cast %get3A_1159 : vector<1x16xf32> to vector<16xf32>
        %get3A_1161 = arith.index_cast %add3A_1140 : i32 to index
        %get3A_1162 = arith.constant 80 : index
        %get3A_1163 = tpu.vector_load %arg8[%get3A_1161, %get3A_1162] {strides = array<i32>} : memref<160x128xf32, #tpu.memory_space<vmem>>, vector<1x16xf32>,
        %get3A_1164 = vector.shape_cast %get3A_1163 : vector<1x16xf32> to vector<16xf32>
        %mul3A_1165 = vector.broadcast %squeeze3A_1136 : f32 to vector<16xf32>
        %mul3A_1166 = arith.mulf %mul3A_1165, %get3A_1164 : vector<16xf32>
        %add3A_1167 = arith.addf %get3A_1160, %mul3A_1166 : vector<16xf32>
        %swap3A_1168 = arith.index_cast %add3A_1140 : i32 to index
        %swap3A_1169 = arith.constant 16 : index
        %swap3A_1170 = tpu.vector_load %arg10[%swap3A_1168, %swap3A_1169] {strides = array<i32>} : memref<160x64xf32, #tpu.memory_space<vmem>>, vector<1x16xf32>,
        %swap3A_1171 = vector.shape_cast %swap3A_1170 : vector<1x16xf32> to vector<16xf32>
        %swap3A_1172 = vector.shape_cast %add3A_1167 : vector<16xf32> to vector<1x16xf32>
        tpu.vector_store %arg10[%swap3A_1168, %swap3A_1169], %swap3A_1172 {strides = array<i32>} : memref<160x64xf32, #tpu.memory_space<vmem>>, vector<1x16xf32>,
        %get3A_1173 = arith.index_cast %add3A_1140 : i32 to index
        %get3A_1174 = arith.constant 32 : index
        %get3A_1175 = tpu.vector_load %arg8[%get3A_1173, %get3A_1174] {strides = array<i32>} : memref<160x128xf32, #tpu.memory_space<vmem>>, vector<1x16xf32>,
        %get3A_1176 = vector.shape_cast %get3A_1175 : vector<1x16xf32> to vector<16xf32>
        %get3A_1177 = arith.index_cast %add3A_1140 : i32 to index
        %get3A_1178 = arith.constant 96 : index
        %get3A_1179 = tpu.vector_load %arg8[%get3A_1177, %get3A_1178] {strides = array<i32>} : memref<160x128xf32, #tpu.memory_space<vmem>>, vector<1x16xf32>,
        %get3A_1180 = vector.shape_cast %get3A_1179 : vector<1x16xf32> to vector<16xf32>
        %mul3A_1181 = vector.broadcast %squeeze3A_1136 : f32 to vector<16xf32>
        %mul3A_1182 = arith.mulf %mul3A_1181, %get3A_1180 : vector<16xf32>
        %add3A_1183 = arith.addf %get3A_1176, %mul3A_1182 : vector<16xf32>
        %swap3A_1184 = arith.index_cast %add3A_1140 : i32 to index
        %swap3A_1185 = arith.constant 32 : index
        %swap3A_1186 = tpu.vector_load %arg10[%swap3A_1184, %swap3A_1185] {strides = array<i32>} : memref<160x64xf32, #tpu.memory_space<vmem>>, vector<1x16xf32>,
        %swap3A_1187 = vector.shape_cast %swap3A_1186 : vector<1x16xf32> to vector<16xf32>
        %swap3A_1188 = vector.shape_cast %add3A_1183 : vector<16xf32> to vector<1x16xf32>
        tpu.vector_store %arg10[%swap3A_1184, %swap3A_1185], %swap3A_1188 {strides = array<i32>} : memref<160x64xf32, #tpu.memory_space<vmem>>, vector<1x16xf32>,
        %get3A_1189 = arith.index_cast %add3A_1140 : i32 to index
        %get3A_1190 = arith.constant 48 : index
        %get3A_1191 = tpu.vector_load %arg8[%get3A_1189, %get3A_1190] {strides = array<i32>} : memref<160x128xf32, #tpu.memory_space<vmem>>, vector<1x16xf32>,
        %get3A_1192 = vector.shape_cast %get3A_1191 : vector<1x16xf32> to vector<16xf32>
        %get3A_1193 = arith.index_cast %add3A_1140 : i32 to index
        %get3A_1194 = arith.constant 112 : index
        %get3A_1195 = tpu.vector_load %arg8[%get3A_1193, %get3A_1194] {strides = array<i32>} : memref<160x128xf32, #tpu.memory_space<vmem>>, vector<1x16xf32>,
        %get3A_1196 = vector.shape_cast %get3A_1195 : vector<1x16xf32> to vector<16xf32>
        %mul3A_1197 = vector.broadcast %squeeze3A_1136 : f32 to vector<16xf32>
        %mul3A_1198 = arith.mulf %mul3A_1197, %get3A_1196 : vector<16xf32>
        %add3A_1199 = arith.addf %get3A_1192, %mul3A_1198 : vector<16xf32>
        %swap3A_1200 = arith.index_cast %add3A_1140 : i32 to index
        %swap3A_1201 = arith.constant 48 : index
        %swap3A_1202 = tpu.vector_load %arg10[%swap3A_1200, %swap3A_1201] {strides = array<i32>} : memref<160x64xf32, #tpu.memory_space<vmem>>, vector<1x16xf32>,
        %swap3A_1203 = vector.shape_cast %swap3A_1202 : vector<1x16xf32> to vector<16xf32>
        %swap3A_1204 = vector.shape_cast %add3A_1199 : vector<16xf32> to vector<1x16xf32>
        tpu.vector_store %arg10[%swap3A_1200, %swap3A_1201], %swap3A_1204 {strides = array<i32>} : memref<160x64xf32, #tpu.memory_space<vmem>>, vector<1x16xf32>,
        %slice3A_1205 = vector.extract_strided_slice %get3A_157 {offsets = [15], sizes = [1], strides = [1]} : vector<16xf32> to vector<1xf32>
        %squeeze3A_1206 = vector.extract %slice3A_1205[0] : f32 from vector<1xf32>
        %mul3A_1207 = arith.constant 16 : i32
        %mul3A_1208 = arith.muli %scan3A_151, %mul3A_1207 : i32
        %add3A_1209 = arith.constant 15 : i32
        %add3A_1210 = arith.addi %mul3A_1208, %add3A_1209 : i32
        %get3A_1211 = arith.index_cast %add3A_1210 : i32 to index
        %get3A_1212 = arith.constant 0 : index
        %get3A_1213 = tpu.vector_load %arg8[%get3A_1211, %get3A_1212] {strides = array<i32>} : memref<160x128xf32, #tpu.memory_space<vmem>>, vector<1x16xf32>,
        %get3A_1214 = vector.shape_cast %get3A_1213 : vector<1x16xf32> to vector<16xf32>
        %get3A_1215 = arith.index_cast %add3A_1210 : i32 to index
        %get3A_1216 = arith.constant 64 : index
        %get3A_1217 = tpu.vector_load %arg8[%get3A_1215, %get3A_1216] {strides = array<i32>} : memref<160x128xf32, #tpu.memory_space<vmem>>, vector<1x16xf32>,
        %get3A_1218 = vector.shape_cast %get3A_1217 : vector<1x16xf32> to vector<16xf32>
        %mul3A_1219 = vector.broadcast %squeeze3A_1206 : f32 to vector<16xf32>
        %mul3A_1220 = arith.mulf %mul3A_1219, %get3A_1218 : vector<16xf32>
        %add3A_1221 = arith.addf %get3A_1214, %mul3A_1220 : vector<16xf32>
        %swap3A_1222 = arith.index_cast %add3A_1210 : i32 to index
        %swap3A_1223 = arith.constant 0 : index
        %swap3A_1224 = tpu.vector_load %arg10[%swap3A_1222, %swap3A_1223] {strides = array<i32>} : memref<160x64xf32, #tpu.memory_space<vmem>>, vector<1x16xf32>,
        %swap3A_1225 = vector.shape_cast %swap3A_1224 : vector<1x16xf32> to vector<16xf32>
        %swap3A_1226 = vector.shape_cast %add3A_1221 : vector<16xf32> to vector<1x16xf32>
        tpu.vector_store %arg10[%swap3A_1222, %swap3A_1223], %swap3A_1226 {strides = array<i32>} : memref<160x64xf32, #tpu.memory_space<vmem>>, vector<1x16xf32>,
        %get3A_1227 = arith.index_cast %add3A_1210 : i32 to index
        %get3A_1228 = arith.constant 16 : index
        %get3A_1229 = tpu.vector_load %arg8[%get3A_1227, %get3A_1228] {strides = array<i32>} : memref<160x128xf32, #tpu.memory_space<vmem>>, vector<1x16xf32>,
        %get3A_1230 = vector.shape_cast %get3A_1229 : vector<1x16xf32> to vector<16xf32>
        %get3A_1231 = arith.index_cast %add3A_1210 : i32 to index
        %get3A_1232 = arith.constant 80 : index
        %get3A_1233 = tpu.vector_load %arg8[%get3A_1231, %get3A_1232] {strides = array<i32>} : memref<160x128xf32, #tpu.memory_space<vmem>>, vector<1x16xf32>,
        %get3A_1234 = vector.shape_cast %get3A_1233 : vector<1x16xf32> to vector<16xf32>
        %mul3A_1235 = vector.broadcast %squeeze3A_1206 : f32 to vector<16xf32>
        %mul3A_1236 = arith.mulf %mul3A_1235, %get3A_1234 : vector<16xf32>
        %add3A_1237 = arith.addf %get3A_1230, %mul3A_1236 : vector<16xf32>
        %swap3A_1238 = arith.index_cast %add3A_1210 : i32 to index
        %swap3A_1239 = arith.constant 16 : index
        %swap3A_1240 = tpu.vector_load %arg10[%swap3A_1238, %swap3A_1239] {strides = array<i32>} : memref<160x64xf32, #tpu.memory_space<vmem>>, vector<1x16xf32>,
        %swap3A_1241 = vector.shape_cast %swap3A_1240 : vector<1x16xf32> to vector<16xf32>
        %swap3A_1242 = vector.shape_cast %add3A_1237 : vector<16xf32> to vector<1x16xf32>
        tpu.vector_store %arg10[%swap3A_1238, %swap3A_1239], %swap3A_1242 {strides = array<i32>} : memref<160x64xf32, #tpu.memory_space<vmem>>, vector<1x16xf32>,
        %get3A_1243 = arith.index_cast %add3A_1210 : i32 to index
        %get3A_1244 = arith.constant 32 : index
        %get3A_1245 = tpu.vector_load %arg8[%get3A_1243, %get3A_1244] {strides = array<i32>} : memref<160x128xf32, #tpu.memory_space<vmem>>, vector<1x16xf32>,
        %get3A_1246 = vector.shape_cast %get3A_1245 : vector<1x16xf32> to vector<16xf32>
        %get3A_1247 = arith.index_cast %add3A_1210 : i32 to index
        %get3A_1248 = arith.constant 96 : index
        %get3A_1249 = tpu.vector_load %arg8[%get3A_1247, %get3A_1248] {strides = array<i32>} : memref<160x128xf32, #tpu.memory_space<vmem>>, vector<1x16xf32>,
        %get3A_1250 = vector.shape_cast %get3A_1249 : vector<1x16xf32> to vector<16xf32>
        %mul3A_1251 = vector.broadcast %squeeze3A_1206 : f32 to vector<16xf32>
        %mul3A_1252 = arith.mulf %mul3A_1251, %get3A_1250 : vector<16xf32>
        %add3A_1253 = arith.addf %get3A_1246, %mul3A_1252 : vector<16xf32>
        %swap3A_1254 = arith.index_cast %add3A_1210 : i32 to index
        %swap3A_1255 = arith.constant 32 : index
        %swap3A_1256 = tpu.vector_load %arg10[%swap3A_1254, %swap3A_1255] {strides = array<i32>} : memref<160x64xf32, #tpu.memory_space<vmem>>, vector<1x16xf32>,
        %swap3A_1257 = vector.shape_cast %swap3A_1256 : vector<1x16xf32> to vector<16xf32>
        %swap3A_1258 = vector.shape_cast %add3A_1253 : vector<16xf32> to vector<1x16xf32>
        tpu.vector_store %arg10[%swap3A_1254, %swap3A_1255], %swap3A_1258 {strides = array<i32>} : memref<160x64xf32, #tpu.memory_space<vmem>>, vector<1x16xf32>,
        %get3A_1259 = arith.index_cast %add3A_1210 : i32 to index
        %get3A_1260 = arith.constant 48 : index
        %get3A_1261 = tpu.vector_load %arg8[%get3A_1259, %get3A_1260] {strides = array<i32>} : memref<160x128xf32, #tpu.memory_space<vmem>>, vector<1x16xf32>,
        %get3A_1262 = vector.shape_cast %get3A_1261 : vector<1x16xf32> to vector<16xf32>
        %get3A_1263 = arith.index_cast %add3A_1210 : i32 to index
        %get3A_1264 = arith.constant 112 : index
        %get3A_1265 = tpu.vector_load %arg8[%get3A_1263, %get3A_1264] {strides = array<i32>} : memref<160x128xf32, #tpu.memory_space<vmem>>, vector<1x16xf32>,
        %get3A_1266 = vector.shape_cast %get3A_1265 : vector<1x16xf32> to vector<16xf32>
        %mul3A_1267 = vector.broadcast %squeeze3A_1206 : f32 to vector<16xf32>
        %mul3A_1268 = arith.mulf %mul3A_1267, %get3A_1266 : vector<16xf32>
        %add3A_1269 = arith.addf %get3A_1262, %mul3A_1268 : vector<16xf32>
        %swap3A_1270 = arith.index_cast %add3A_1210 : i32 to index
        %swap3A_1271 = arith.constant 48 : index
        %swap3A_1272 = tpu.vector_load %arg10[%swap3A_1270, %swap3A_1271] {strides = array<i32>} : memref<160x64xf32, #tpu.memory_space<vmem>>, vector<1x16xf32>,
        %swap3A_1273 = vector.shape_cast %swap3A_1272 : vector<1x16xf32> to vector<16xf32>
        %swap3A_1274 = vector.shape_cast %add3A_1269 : vector<16xf32> to vector<1x16xf32>
        tpu.vector_store %arg10[%swap3A_1270, %swap3A_1271], %swap3A_1274 {strides = array<i32>} : memref<160x64xf32, #tpu.memory_space<vmem>>, vector<1x16xf32>,
        %scan3A_1275 = arith.constant 0 : i32
        scf.yield %scan3A_1275 : i32
      }
      %scan3A_84 = arith.constant 10 : i32
      %mul3A_85 = arith.constant 160 : i32
      %mul3A_86 = arith.muli %add3A_43, %mul3A_85 : i32
      %add3A_87 = arith.addi %mul3A_2, %mul3A_86 : i32
      %multiple_of3A_88 = tpu.assume_multiple %add3A_87, 8 : i32
      %dma_start3A_89 = arith.constant 0 : i32
      %dma_start3A_90 = tpu.memref_slice %arg5[%multiple_of3A_88, %dma_start3A_89] : memref<409600x64xf32, #tpu.memory_space<hbm>> -> memref<160x64xf32, #tpu.memory_space<hbm>>
      %dma_start3A_91 = arith.constant 0 : i32
      %dma_start3A_92 = tpu.memref_slice %arg5[%multiple_of3A_88, %dma_start3A_91] : memref<409600x64xf32, #tpu.memory_space<hbm>> -> memref<160x64xf32, #tpu.memory_space<hbm>>
      tpu.enqueue_dma source(%arg10 : memref<160x64xf32, #tpu.memory_space<vmem>>) target(%dma_start3A_92 : memref<160x64xf32, #tpu.memory_space<hbm>>) target_semaphore(%arg14 : memref<!tpu.dma_semaphore, #tpu.memory_space<semaphore_mem>>)
      %mul3A_93 = arith.constant 2 : i32
      %mul3A_94 = arith.muli %mul3A_93, %scan3A_38 : i32
      %add3A_95 = arith.constant 1 : i32
      %add3A_96 = arith.addi %mul3A_94, %add3A_95 : i32
      %add3A_97 = arith.constant 1 : i32
      %add3A_98 = arith.addi %add3A_96, %add3A_97 : i32
      %lt3A_99 = arith.constant 80 : i32
      %lt3A_100 = arith.cmpi slt, %add3A_98, %lt3A_99 : i32
      %convert_element_type3A_101 = arith.extui %lt3A_100 : i1 to i32
      %cond3A_102 = arith.constant 0 : i32
      %cond3A_103 = arith.cmpi ne, %convert_element_type3A_101, %cond3A_102 : i32
      scf.if %cond3A_103 {
        %add3A_151 = arith.constant 1 : i32
        %add3A_152 = arith.addi %add3A_96, %add3A_151 : i32
        %mul3A_153 = arith.constant 160 : i32
        %mul3A_154 = arith.muli %add3A_152, %mul3A_153 : i32
        %add3A_155 = arith.constant 0 : i32
        %add3A_156 = arith.addi %mul3A_154, %add3A_155 : i32
        %multiple_of3A_157 = tpu.assume_multiple %add3A_156, 8 : i32
        %mul3A_158 = arith.constant 160 : i32
        %mul3A_159 = arith.muli %add3A_152, %mul3A_158 : i32
        %add3A_160 = arith.constant 128 : i32
        %add3A_161 = arith.addi %mul3A_159, %add3A_160 : i32
        %multiple_of3A_162 = tpu.assume_multiple %add3A_161, 8 : i32
        %dma_start3A_163 = arith.constant 0 : i32
        %dma_start3A_164 = arith.constant 0 : i32
        %dma_start3A_165 = tpu.memref_slice %arg8[%dma_start3A_163, %dma_start3A_164] : memref<160x128xf32, #tpu.memory_space<vmem>> -> memref<128x128xf32, #tpu.memory_space<vmem>>
        %dma_start3A_166 = tpu.memref_slice %arg6[%multiple_of3A_157] : memref<12800xi32, #tpu.memory_space<vmem>> -> memref<128xi32, #tpu.memory_space<vmem>>
        %dma_start3A_167 = arith.constant 0 : i32
        %dma_start3A_168 = arith.constant 0 : i32
        %dma_start3A_169 = tpu.memref_slice %arg4[%dma_start3A_167, %dma_start3A_168] : memref<100000x128xf32, #tpu.memory_space<hbm>> -> memref<100000x128xf32, #tpu.memory_space<hbm>>
        tpu.enqueue_indirect_dma source(%dma_start3A_169 : memref<100000x128xf32, #tpu.memory_space<hbm>>) target(%dma_start3A_165 : memref<128x128xf32, #tpu.memory_space<vmem>>) offsets(%dma_start3A_166 : memref<128xi32, #tpu.memory_space<vmem>>) semaphore(%arg12 : memref<!tpu.dma_semaphore, #tpu.memory_space<semaphore_mem>>)
        %dma_start3A_170 = arith.constant 128 : i32
        %dma_start3A_171 = arith.constant 0 : i32
        %dma_start3A_172 = tpu.memref_slice %arg8[%dma_start3A_170, %dma_start3A_171] : memref<160x128xf32, #tpu.memory_space<vmem>> -> memref<32x128xf32, #tpu.memory_space<vmem>>
        %dma_start3A_173 = tpu.memref_slice %arg6[%multiple_of3A_162] : memref<12800xi32, #tpu.memory_space<vmem>> -> memref<32xi32, #tpu.memory_space<vmem>>
        %dma_start3A_174 = arith.constant 0 : i32
        %dma_start3A_175 = arith.constant 0 : i32
        %dma_start3A_176 = tpu.memref_slice %arg4[%dma_start3A_174, %dma_start3A_175] : memref<100000x128xf32, #tpu.memory_space<hbm>> -> memref<100000x128xf32, #tpu.memory_space<hbm>>
        tpu.enqueue_indirect_dma source(%dma_start3A_176 : memref<100000x128xf32, #tpu.memory_space<hbm>>) target(%dma_start3A_172 : memref<32x128xf32, #tpu.memory_space<vmem>>) offsets(%dma_start3A_173 : memref<32xi32, #tpu.memory_space<vmem>>) semaphore(%arg12 : memref<!tpu.dma_semaphore, #tpu.memory_space<semaphore_mem>>)
      } else {
      }
      %mul3A_104 = arith.constant 160 : i32
      %mul3A_105 = arith.muli %add3A_96, %mul3A_104 : i32
      %add3A_106 = arith.constant 0 : i32
      %add3A_107 = arith.addi %mul3A_105, %add3A_106 : i32
      %multiple_of3A_108 = tpu.assume_multiple %add3A_107, 8 : i32
      %mul3A_109 = arith.constant 160 : i32
      %mul3A_110 = arith.muli %add3A_96, %mul3A_109 : i32
      %add3A_111 = arith.constant 128 : i32
      %add3A_112 = arith.addi %mul3A_110, %add3A_111 : i32
      %multiple_of3A_113 = tpu.assume_multiple %add3A_112, 8 : i32
      %dma_wait3A_114 = arith.constant 0 : i32
      %dma_wait3A_115 = arith.constant 0 : i32
      %dma_wait3A_116 = tpu.memref_slice %arg9[%dma_wait3A_114, %dma_wait3A_115] : memref<160x128xf32, #tpu.memory_space<vmem>> -> memref<128x128xf32, #tpu.memory_space<vmem>>
      %dma_wait3A_117 = tpu.memref_slice %arg6[%multiple_of3A_108] : memref<12800xi32, #tpu.memory_space<vmem>> -> memref<128xi32, #tpu.memory_space<vmem>>
      %dma_wait3A_118 = arith.constant 0 : i32
      %dma_wait3A_119 = arith.constant 0 : i32
      %dma_wait3A_120 = tpu.memref_slice %arg4[%dma_wait3A_118, %dma_wait3A_119] : memref<100000x128xf32, #tpu.memory_space<hbm>> -> memref<100000x128xf32, #tpu.memory_space<hbm>>
      tpu.wait_indirect_dma semaphore(%arg13 : memref<!tpu.dma_semaphore, #tpu.memory_space<semaphore_mem>>) src(%dma_wait3A_120 : memref<100000x128xf32, #tpu.memory_space<hbm>>) dst(%dma_wait3A_116 : memref<128x128xf32, #tpu.memory_space<vmem>>)
      %dma_wait3A_121 = arith.constant 128 : i32
      %dma_wait3A_122 = arith.constant 0 : i32
      %dma_wait3A_123 = tpu.memref_slice %arg9[%dma_wait3A_121, %dma_wait3A_122] : memref<160x128xf32, #tpu.memory_space<vmem>> -> memref<32x128xf32, #tpu.memory_space<vmem>>
      %dma_wait3A_124 = tpu.memref_slice %arg6[%multiple_of3A_113] : memref<12800xi32, #tpu.memory_space<vmem>> -> memref<32xi32, #tpu.memory_space<vmem>>
      %dma_wait3A_125 = arith.constant 0 : i32
      %dma_wait3A_126 = arith.constant 0 : i32
      %dma_wait3A_127 = tpu.memref_slice %arg4[%dma_wait3A_125, %dma_wait3A_126] : memref<100000x128xf32, #tpu.memory_space<hbm>> -> memref<100000x128xf32, #tpu.memory_space<hbm>>
      tpu.wait_indirect_dma semaphore(%arg13 : memref<!tpu.dma_semaphore, #tpu.memory_space<semaphore_mem>>) src(%dma_wait3A_127 : memref<100000x128xf32, #tpu.memory_space<hbm>>) dst(%dma_wait3A_123 : memref<32x128xf32, #tpu.memory_space<vmem>>)
      %ge3A_128 = arith.constant 1 : i32
      %ge3A_129 = arith.cmpi sge, %scan3A_38, %ge3A_128 : i32
      %convert_element_type3A_130 = arith.extui %ge3A_129 : i1 to i32
      %cond3A_131 = arith.constant 0 : i32
      %cond3A_132 = arith.cmpi ne, %convert_element_type3A_130, %cond3A_131 : i32
      scf.if %cond3A_132 {
        %sub3A = arith.constant 2 : i32
        %sub3A_151 = arith.subi %add3A_96, %sub3A : i32
        %mul3A_152 = arith.constant 160 : i32
        %mul3A_153 = arith.muli %sub3A_151, %mul3A_152 : i32
        %add3A_154 = arith.addi %mul3A_2, %mul3A_153 : i32
        %multiple_of3A_155 = tpu.assume_multiple %add3A_154, 8 : i32
        %dma_wait3A_156 = arith.constant 0 : i32
        %dma_wait3A_157 = tpu.memref_slice %arg5[%multiple_of3A_155, %dma_wait3A_156] : memref<409600x64xf32, #tpu.memory_space<hbm>> -> memref<160x64xf32, #tpu.memory_space<hbm>>
        %dma_wait3A_158 = arith.constant 0 : i32
        %dma_wait3A_159 = tpu.memref_slice %arg5[%multiple_of3A_155, %dma_wait3A_158] : memref<409600x64xf32, #tpu.memory_space<hbm>> -> memref<160x64xf32, #tpu.memory_space<hbm>>
        tpu.wait_dma2 semaphore(%arg15 : memref<!tpu.dma_semaphore, #tpu.memory_space<semaphore_mem>>) src(%arg11 : memref<160x64xf32, #tpu.memory_space<vmem>>) dst(%dma_wait3A_159 : memref<160x64xf32, #tpu.memory_space<hbm>>)
      } else {
      }
      %mul3A_133 = arith.constant 160 : i32
      %mul3A_134 = arith.muli %add3A_96, %mul3A_133 : i32
      %scan3A_135 = arith.constant 0 : i32
      %scan3A_136 = arith.constant 0 : i32
      %scan3A_137 = arith.constant 10 : i32
      %scan3A_138 = arith.addi %scan3A_136, %scan3A_137 : i32
      %scan3A_139 = arith.constant 1 : i32
      %scan3A_140 = scf.for %scan3A_151 = %scan3A_136 to %scan3A_138 step %scan3A_139 iter_args(%scan3A_152 = %scan3A_135) -> (i32)  : i32 {
        %mul3A_153 = arith.constant 16 : i32
        %mul3A_154 = arith.muli %scan3A_151, %mul3A_153 : i32
        %add3A_155 = arith.addi %mul3A_134, %mul3A_154 : i32
        %get3A = arith.index_cast %add3A_155 : i32 to index
        %get3A_156 = tpu.vector_load %arg7[%get3A] {strides = array<i32>} : memref<12800xf32, #tpu.memory_space<vmem>>, vector<16xf32>,
        %get3A_157 = vector.shape_cast %get3A_156 : vector<16xf32> to vector<16xf32>
        %slice3A = vector.extract_strided_slice %get3A_157 {offsets = [0], sizes = [1], strides = [1]} : vector<16xf32> to vector<1xf32>
        %squeeze3A = vector.extract %slice3A[0] : f32 from vector<1xf32>
        %mul3A_158 = arith.constant 16 : i32
        %mul3A_159 = arith.muli %scan3A_151, %mul3A_158 : i32
        %add3A_160 = arith.constant 0 : i32
        %add3A_161 = arith.addi %mul3A_159, %add3A_160 : i32
        %get3A_162 = arith.index_cast %add3A_161 : i32 to index
        %get3A_163 = arith.constant 0 : index
        %get3A_164 = tpu.vector_load %arg9[%get3A_162, %get3A_163] {strides = array<i32>} : memref<160x128xf32, #tpu.memory_space<vmem>>, vector<1x16xf32>,
        %get3A_165 = vector.shape_cast %get3A_164 : vector<1x16xf32> to vector<16xf32>
        %get3A_166 = arith.index_cast %add3A_161 : i32 to index
        %get3A_167 = arith.constant 64 : index
        %get3A_168 = tpu.vector_load %arg9[%get3A_166, %get3A_167] {strides = array<i32>} : memref<160x128xf32, #tpu.memory_space<vmem>>, vector<1x16xf32>,
        %get3A_169 = vector.shape_cast %get3A_168 : vector<1x16xf32> to vector<16xf32>
        %mul3A_170 = vector.broadcast %squeeze3A : f32 to vector<16xf32>
        %mul3A_171 = arith.mulf %mul3A_170, %get3A_169 : vector<16xf32>
        %add3A_172 = arith.addf %get3A_165, %mul3A_171 : vector<16xf32>
        %swap3A = arith.index_cast %add3A_161 : i32 to index
        %swap3A_173 = arith.constant 0 : index
        %swap3A_174 = tpu.vector_load %arg11[%swap3A, %swap3A_173] {strides = array<i32>} : memref<160x64xf32, #tpu.memory_space<vmem>>, vector<1x16xf32>,
        %swap3A_175 = vector.shape_cast %swap3A_174 : vector<1x16xf32> to vector<16xf32>
        %swap3A_176 = vector.shape_cast %add3A_172 : vector<16xf32> to vector<1x16xf32>
        tpu.vector_store %arg11[%swap3A, %swap3A_173], %swap3A_176 {strides = array<i32>} : memref<160x64xf32, #tpu.memory_space<vmem>>, vector<1x16xf32>,
        %get3A_177 = arith.index_cast %add3A_161 : i32 to index
        %get3A_178 = arith.constant 16 : index
        %get3A_179 = tpu.vector_load %arg9[%get3A_177, %get3A_178] {strides = array<i32>} : memref<160x128xf32, #tpu.memory_space<vmem>>, vector<1x16xf32>,
        %get3A_180 = vector.shape_cast %get3A_179 : vector<1x16xf32> to vector<16xf32>
        %get3A_181 = arith.index_cast %add3A_161 : i32 to index
        %get3A_182 = arith.constant 80 : index
        %get3A_183 = tpu.vector_load %arg9[%get3A_181, %get3A_182] {strides = array<i32>} : memref<160x128xf32, #tpu.memory_space<vmem>>, vector<1x16xf32>,
        %get3A_184 = vector.shape_cast %get3A_183 : vector<1x16xf32> to vector<16xf32>
        %mul3A_185 = vector.broadcast %squeeze3A : f32 to vector<16xf32>
        %mul3A_186 = arith.mulf %mul3A_185, %get3A_184 : vector<16xf32>
        %add3A_187 = arith.addf %get3A_180, %mul3A_186 : vector<16xf32>
        %swap3A_188 = arith.index_cast %add3A_161 : i32 to index
        %swap3A_189 = arith.constant 16 : index
        %swap3A_190 = tpu.vector_load %arg11[%swap3A_188, %swap3A_189] {strides = array<i32>} : memref<160x64xf32, #tpu.memory_space<vmem>>, vector<1x16xf32>,
        %swap3A_191 = vector.shape_cast %swap3A_190 : vector<1x16xf32> to vector<16xf32>
        %swap3A_192 = vector.shape_cast %add3A_187 : vector<16xf32> to vector<1x16xf32>
        tpu.vector_store %arg11[%swap3A_188, %swap3A_189], %swap3A_192 {strides = array<i32>} : memref<160x64xf32, #tpu.memory_space<vmem>>, vector<1x16xf32>,
        %get3A_193 = arith.index_cast %add3A_161 : i32 to index
        %get3A_194 = arith.constant 32 : index
        %get3A_195 = tpu.vector_load %arg9[%get3A_193, %get3A_194] {strides = array<i32>} : memref<160x128xf32, #tpu.memory_space<vmem>>, vector<1x16xf32>,
        %get3A_196 = vector.shape_cast %get3A_195 : vector<1x16xf32> to vector<16xf32>
        %get3A_197 = arith.index_cast %add3A_161 : i32 to index
        %get3A_198 = arith.constant 96 : index
        %get3A_199 = tpu.vector_load %arg9[%get3A_197, %get3A_198] {strides = array<i32>} : memref<160x128xf32, #tpu.memory_space<vmem>>, vector<1x16xf32>,
        %get3A_200 = vector.shape_cast %get3A_199 : vector<1x16xf32> to vector<16xf32>
        %mul3A_201 = vector.broadcast %squeeze3A : f32 to vector<16xf32>
        %mul3A_202 = arith.mulf %mul3A_201, %get3A_200 : vector<16xf32>
        %add3A_203 = arith.addf %get3A_196, %mul3A_202 : vector<16xf32>
        %swap3A_204 = arith.index_cast %add3A_161 : i32 to index
        %swap3A_205 = arith.constant 32 : index
        %swap3A_206 = tpu.vector_load %arg11[%swap3A_204, %swap3A_205] {strides = array<i32>} : memref<160x64xf32, #tpu.memory_space<vmem>>, vector<1x16xf32>,
        %swap3A_207 = vector.shape_cast %swap3A_206 : vector<1x16xf32> to vector<16xf32>
        %swap3A_208 = vector.shape_cast %add3A_203 : vector<16xf32> to vector<1x16xf32>
        tpu.vector_store %arg11[%swap3A_204, %swap3A_205], %swap3A_208 {strides = array<i32>} : memref<160x64xf32, #tpu.memory_space<vmem>>, vector<1x16xf32>,
        %get3A_209 = arith.index_cast %add3A_161 : i32 to index
        %get3A_210 = arith.constant 48 : index
        %get3A_211 = tpu.vector_load %arg9[%get3A_209, %get3A_210] {strides = array<i32>} : memref<160x128xf32, #tpu.memory_space<vmem>>, vector<1x16xf32>,
        %get3A_212 = vector.shape_cast %get3A_211 : vector<1x16xf32> to vector<16xf32>
        %get3A_213 = arith.index_cast %add3A_161 : i32 to index
        %get3A_214 = arith.constant 112 : index
        %get3A_215 = tpu.vector_load %arg9[%get3A_213, %get3A_214] {strides = array<i32>} : memref<160x128xf32, #tpu.memory_space<vmem>>, vector<1x16xf32>,
        %get3A_216 = vector.shape_cast %get3A_215 : vector<1x16xf32> to vector<16xf32>
        %mul3A_217 = vector.broadcast %squeeze3A : f32 to vector<16xf32>
        %mul3A_218 = arith.mulf %mul3A_217, %get3A_216 : vector<16xf32>
        %add3A_219 = arith.addf %get3A_212, %mul3A_218 : vector<16xf32>
        %swap3A_220 = arith.index_cast %add3A_161 : i32 to index
        %swap3A_221 = arith.constant 48 : index
        %swap3A_222 = tpu.vector_load %arg11[%swap3A_220, %swap3A_221] {strides = array<i32>} : memref<160x64xf32, #tpu.memory_space<vmem>>, vector<1x16xf32>,
        %swap3A_223 = vector.shape_cast %swap3A_222 : vector<1x16xf32> to vector<16xf32>
        %swap3A_224 = vector.shape_cast %add3A_219 : vector<16xf32> to vector<1x16xf32>
        tpu.vector_store %arg11[%swap3A_220, %swap3A_221], %swap3A_224 {strides = array<i32>} : memref<160x64xf32, #tpu.memory_space<vmem>>, vector<1x16xf32>,
        %slice3A_225 = vector.extract_strided_slice %get3A_157 {offsets = [1], sizes = [1], strides = [1]} : vector<16xf32> to vector<1xf32>
        %squeeze3A_226 = vector.extract %slice3A_225[0] : f32 from vector<1xf32>
        %mul3A_227 = arith.constant 16 : i32
        %mul3A_228 = arith.muli %scan3A_151, %mul3A_227 : i32
        %add3A_229 = arith.constant 1 : i32
        %add3A_230 = arith.addi %mul3A_228, %add3A_229 : i32
        %get3A_231 = arith.index_cast %add3A_230 : i32 to index
        %get3A_232 = arith.constant 0 : index
        %get3A_233 = tpu.vector_load %arg9[%get3A_231, %get3A_232] {strides = array<i32>} : memref<160x128xf32, #tpu.memory_space<vmem>>, vector<1x16xf32>,
        %get3A_234 = vector.shape_cast %get3A_233 : vector<1x16xf32> to vector<16xf32>
        %get3A_235 = arith.index_cast %add3A_230 : i32 to index
        %get3A_236 = arith.constant 64 : index
        %get3A_237 = tpu.vector_load %arg9[%get3A_235, %get3A_236] {strides = array<i32>} : memref<160x128xf32, #tpu.memory_space<vmem>>, vector<1x16xf32>,
        %get3A_238 = vector.shape_cast %get3A_237 : vector<1x16xf32> to vector<16xf32>
        %mul3A_239 = vector.broadcast %squeeze3A_226 : f32 to vector<16xf32>
        %mul3A_240 = arith.mulf %mul3A_239, %get3A_238 : vector<16xf32>
        %add3A_241 = arith.addf %get3A_234, %mul3A_240 : vector<16xf32>
        %swap3A_242 = arith.index_cast %add3A_230 : i32 to index
        %swap3A_243 = arith.constant 0 : index
        %swap3A_244 = tpu.vector_load %arg11[%swap3A_242, %swap3A_243] {strides = array<i32>} : memref<160x64xf32, #tpu.memory_space<vmem>>, vector<1x16xf32>,
        %swap3A_245 = vector.shape_cast %swap3A_244 : vector<1x16xf32> to vector<16xf32>
        %swap3A_246 = vector.shape_cast %add3A_241 : vector<16xf32> to vector<1x16xf32>
        tpu.vector_store %arg11[%swap3A_242, %swap3A_243], %swap3A_246 {strides = array<i32>} : memref<160x64xf32, #tpu.memory_space<vmem>>, vector<1x16xf32>,
        %get3A_247 = arith.index_cast %add3A_230 : i32 to index
        %get3A_248 = arith.constant 16 : index
        %get3A_249 = tpu.vector_load %arg9[%get3A_247, %get3A_248] {strides = array<i32>} : memref<160x128xf32, #tpu.memory_space<vmem>>, vector<1x16xf32>,
        %get3A_250 = vector.shape_cast %get3A_249 : vector<1x16xf32> to vector<16xf32>
        %get3A_251 = arith.index_cast %add3A_230 : i32 to index
        %get3A_252 = arith.constant 80 : index
        %get3A_253 = tpu.vector_load %arg9[%get3A_251, %get3A_252] {strides = array<i32>} : memref<160x128xf32, #tpu.memory_space<vmem>>, vector<1x16xf32>,
        %get3A_254 = vector.shape_cast %get3A_253 : vector<1x16xf32> to vector<16xf32>
        %mul3A_255 = vector.broadcast %squeeze3A_226 : f32 to vector<16xf32>
        %mul3A_256 = arith.mulf %mul3A_255, %get3A_254 : vector<16xf32>
        %add3A_257 = arith.addf %get3A_250, %mul3A_256 : vector<16xf32>
        %swap3A_258 = arith.index_cast %add3A_230 : i32 to index
        %swap3A_259 = arith.constant 16 : index
        %swap3A_260 = tpu.vector_load %arg11[%swap3A_258, %swap3A_259] {strides = array<i32>} : memref<160x64xf32, #tpu.memory_space<vmem>>, vector<1x16xf32>,
        %swap3A_261 = vector.shape_cast %swap3A_260 : vector<1x16xf32> to vector<16xf32>
        %swap3A_262 = vector.shape_cast %add3A_257 : vector<16xf32> to vector<1x16xf32>
        tpu.vector_store %arg11[%swap3A_258, %swap3A_259], %swap3A_262 {strides = array<i32>} : memref<160x64xf32, #tpu.memory_space<vmem>>, vector<1x16xf32>,
        %get3A_263 = arith.index_cast %add3A_230 : i32 to index
        %get3A_264 = arith.constant 32 : index
        %get3A_265 = tpu.vector_load %arg9[%get3A_263, %get3A_264] {strides = array<i32>} : memref<160x128xf32, #tpu.memory_space<vmem>>, vector<1x16xf32>,
        %get3A_266 = vector.shape_cast %get3A_265 : vector<1x16xf32> to vector<16xf32>
        %get3A_267 = arith.index_cast %add3A_230 : i32 to index
        %get3A_268 = arith.constant 96 : index
        %get3A_269 = tpu.vector_load %arg9[%get3A_267, %get3A_268] {strides = array<i32>} : memref<160x128xf32, #tpu.memory_space<vmem>>, vector<1x16xf32>,
        %get3A_270 = vector.shape_cast %get3A_269 : vector<1x16xf32> to vector<16xf32>
        %mul3A_271 = vector.broadcast %squeeze3A_226 : f32 to vector<16xf32>
        %mul3A_272 = arith.mulf %mul3A_271, %get3A_270 : vector<16xf32>
        %add3A_273 = arith.addf %get3A_266, %mul3A_272 : vector<16xf32>
        %swap3A_274 = arith.index_cast %add3A_230 : i32 to index
        %swap3A_275 = arith.constant 32 : index
        %swap3A_276 = tpu.vector_load %arg11[%swap3A_274, %swap3A_275] {strides = array<i32>} : memref<160x64xf32, #tpu.memory_space<vmem>>, vector<1x16xf32>,
        %swap3A_277 = vector.shape_cast %swap3A_276 : vector<1x16xf32> to vector<16xf32>
        %swap3A_278 = vector.shape_cast %add3A_273 : vector<16xf32> to vector<1x16xf32>
        tpu.vector_store %arg11[%swap3A_274, %swap3A_275], %swap3A_278 {strides = array<i32>} : memref<160x64xf32, #tpu.memory_space<vmem>>, vector<1x16xf32>,
        %get3A_279 = arith.index_cast %add3A_230 : i32 to index
        %get3A_280 = arith.constant 48 : index
        %get3A_281 = tpu.vector_load %arg9[%get3A_279, %get3A_280] {strides = array<i32>} : memref<160x128xf32, #tpu.memory_space<vmem>>, vector<1x16xf32>,
        %get3A_282 = vector.shape_cast %get3A_281 : vector<1x16xf32> to vector<16xf32>
        %get3A_283 = arith.index_cast %add3A_230 : i32 to index
        %get3A_284 = arith.constant 112 : index
        %get3A_285 = tpu.vector_load %arg9[%get3A_283, %get3A_284] {strides = array<i32>} : memref<160x128xf32, #tpu.memory_space<vmem>>, vector<1x16xf32>,
        %get3A_286 = vector.shape_cast %get3A_285 : vector<1x16xf32> to vector<16xf32>
        %mul3A_287 = vector.broadcast %squeeze3A_226 : f32 to vector<16xf32>
        %mul3A_288 = arith.mulf %mul3A_287, %get3A_286 : vector<16xf32>
        %add3A_289 = arith.addf %get3A_282, %mul3A_288 : vector<16xf32>
        %swap3A_290 = arith.index_cast %add3A_230 : i32 to index
        %swap3A_291 = arith.constant 48 : index
        %swap3A_292 = tpu.vector_load %arg11[%swap3A_290, %swap3A_291] {strides = array<i32>} : memref<160x64xf32, #tpu.memory_space<vmem>>, vector<1x16xf32>,
        %swap3A_293 = vector.shape_cast %swap3A_292 : vector<1x16xf32> to vector<16xf32>
        %swap3A_294 = vector.shape_cast %add3A_289 : vector<16xf32> to vector<1x16xf32>
        tpu.vector_store %arg11[%swap3A_290, %swap3A_291], %swap3A_294 {strides = array<i32>} : memref<160x64xf32, #tpu.memory_space<vmem>>, vector<1x16xf32>,
        %slice3A_295 = vector.extract_strided_slice %get3A_157 {offsets = [2], sizes = [1], strides = [1]} : vector<16xf32> to vector<1xf32>
        %squeeze3A_296 = vector.extract %slice3A_295[0] : f32 from vector<1xf32>
        %mul3A_297 = arith.constant 16 : i32
        %mul3A_298 = arith.muli %scan3A_151, %mul3A_297 : i32
        %add3A_299 = arith.constant 2 : i32
        %add3A_300 = arith.addi %mul3A_298, %add3A_299 : i32
        %get3A_301 = arith.index_cast %add3A_300 : i32 to index
        %get3A_302 = arith.constant 0 : index
        %get3A_303 = tpu.vector_load %arg9[%get3A_301, %get3A_302] {strides = array<i32>} : memref<160x128xf32, #tpu.memory_space<vmem>>, vector<1x16xf32>,
        %get3A_304 = vector.shape_cast %get3A_303 : vector<1x16xf32> to vector<16xf32>
        %get3A_305 = arith.index_cast %add3A_300 : i32 to index
        %get3A_306 = arith.constant 64 : index
        %get3A_307 = tpu.vector_load %arg9[%get3A_305, %get3A_306] {strides = array<i32>} : memref<160x128xf32, #tpu.memory_space<vmem>>, vector<1x16xf32>,
        %get3A_308 = vector.shape_cast %get3A_307 : vector<1x16xf32> to vector<16xf32>
        %mul3A_309 = vector.broadcast %squeeze3A_296 : f32 to vector<16xf32>
        %mul3A_310 = arith.mulf %mul3A_309, %get3A_308 : vector<16xf32>
        %add3A_311 = arith.addf %get3A_304, %mul3A_310 : vector<16xf32>
        %swap3A_312 = arith.index_cast %add3A_300 : i32 to index
        %swap3A_313 = arith.constant 0 : index
        %swap3A_314 = tpu.vector_load %arg11[%swap3A_312, %swap3A_313] {strides = array<i32>} : memref<160x64xf32, #tpu.memory_space<vmem>>, vector<1x16xf32>,
        %swap3A_315 = vector.shape_cast %swap3A_314 : vector<1x16xf32> to vector<16xf32>
        %swap3A_316 = vector.shape_cast %add3A_311 : vector<16xf32> to vector<1x16xf32>
        tpu.vector_store %arg11[%swap3A_312, %swap3A_313], %swap3A_316 {strides = array<i32>} : memref<160x64xf32, #tpu.memory_space<vmem>>, vector<1x16xf32>,
        %get3A_317 = arith.index_cast %add3A_300 : i32 to index
        %get3A_318 = arith.constant 16 : index
        %get3A_319 = tpu.vector_load %arg9[%get3A_317, %get3A_318] {strides = array<i32>} : memref<160x128xf32, #tpu.memory_space<vmem>>, vector<1x16xf32>,
        %get3A_320 = vector.shape_cast %get3A_319 : vector<1x16xf32> to vector<16xf32>
        %get3A_321 = arith.index_cast %add3A_300 : i32 to index
        %get3A_322 = arith.constant 80 : index
        %get3A_323 = tpu.vector_load %arg9[%get3A_321, %get3A_322] {strides = array<i32>} : memref<160x128xf32, #tpu.memory_space<vmem>>, vector<1x16xf32>,
        %get3A_324 = vector.shape_cast %get3A_323 : vector<1x16xf32> to vector<16xf32>
        %mul3A_325 = vector.broadcast %squeeze3A_296 : f32 to vector<16xf32>
        %mul3A_326 = arith.mulf %mul3A_325, %get3A_324 : vector<16xf32>
        %add3A_327 = arith.addf %get3A_320, %mul3A_326 : vector<16xf32>
        %swap3A_328 = arith.index_cast %add3A_300 : i32 to index
        %swap3A_329 = arith.constant 16 : index
        %swap3A_330 = tpu.vector_load %arg11[%swap3A_328, %swap3A_329] {strides = array<i32>} : memref<160x64xf32, #tpu.memory_space<vmem>>, vector<1x16xf32>,
        %swap3A_331 = vector.shape_cast %swap3A_330 : vector<1x16xf32> to vector<16xf32>
        %swap3A_332 = vector.shape_cast %add3A_327 : vector<16xf32> to vector<1x16xf32>
        tpu.vector_store %arg11[%swap3A_328, %swap3A_329], %swap3A_332 {strides = array<i32>} : memref<160x64xf32, #tpu.memory_space<vmem>>, vector<1x16xf32>,
        %get3A_333 = arith.index_cast %add3A_300 : i32 to index
        %get3A_334 = arith.constant 32 : index
        %get3A_335 = tpu.vector_load %arg9[%get3A_333, %get3A_334] {strides = array<i32>} : memref<160x128xf32, #tpu.memory_space<vmem>>, vector<1x16xf32>,
        %get3A_336 = vector.shape_cast %get3A_335 : vector<1x16xf32> to vector<16xf32>
        %get3A_337 = arith.index_cast %add3A_300 : i32 to index
        %get3A_338 = arith.constant 96 : index
        %get3A_339 = tpu.vector_load %arg9[%get3A_337, %get3A_338] {strides = array<i32>} : memref<160x128xf32, #tpu.memory_space<vmem>>, vector<1x16xf32>,
        %get3A_340 = vector.shape_cast %get3A_339 : vector<1x16xf32> to vector<16xf32>
        %mul3A_341 = vector.broadcast %squeeze3A_296 : f32 to vector<16xf32>
        %mul3A_342 = arith.mulf %mul3A_341, %get3A_340 : vector<16xf32>
        %add3A_343 = arith.addf %get3A_336, %mul3A_342 : vector<16xf32>
        %swap3A_344 = arith.index_cast %add3A_300 : i32 to index
        %swap3A_345 = arith.constant 32 : index
        %swap3A_346 = tpu.vector_load %arg11[%swap3A_344, %swap3A_345] {strides = array<i32>} : memref<160x64xf32, #tpu.memory_space<vmem>>, vector<1x16xf32>,
        %swap3A_347 = vector.shape_cast %swap3A_346 : vector<1x16xf32> to vector<16xf32>
        %swap3A_348 = vector.shape_cast %add3A_343 : vector<16xf32> to vector<1x16xf32>
        tpu.vector_store %arg11[%swap3A_344, %swap3A_345], %swap3A_348 {strides = array<i32>} : memref<160x64xf32, #tpu.memory_space<vmem>>, vector<1x16xf32>,
        %get3A_349 = arith.index_cast %add3A_300 : i32 to index
        %get3A_350 = arith.constant 48 : index
        %get3A_351 = tpu.vector_load %arg9[%get3A_349, %get3A_350] {strides = array<i32>} : memref<160x128xf32, #tpu.memory_space<vmem>>, vector<1x16xf32>,
        %get3A_352 = vector.shape_cast %get3A_351 : vector<1x16xf32> to vector<16xf32>
        %get3A_353 = arith.index_cast %add3A_300 : i32 to index
        %get3A_354 = arith.constant 112 : index
        %get3A_355 = tpu.vector_load %arg9[%get3A_353, %get3A_354] {strides = array<i32>} : memref<160x128xf32, #tpu.memory_space<vmem>>, vector<1x16xf32>,
        %get3A_356 = vector.shape_cast %get3A_355 : vector<1x16xf32> to vector<16xf32>
        %mul3A_357 = vector.broadcast %squeeze3A_296 : f32 to vector<16xf32>
        %mul3A_358 = arith.mulf %mul3A_357, %get3A_356 : vector<16xf32>
        %add3A_359 = arith.addf %get3A_352, %mul3A_358 : vector<16xf32>
        %swap3A_360 = arith.index_cast %add3A_300 : i32 to index
        %swap3A_361 = arith.constant 48 : index
        %swap3A_362 = tpu.vector_load %arg11[%swap3A_360, %swap3A_361] {strides = array<i32>} : memref<160x64xf32, #tpu.memory_space<vmem>>, vector<1x16xf32>,
        %swap3A_363 = vector.shape_cast %swap3A_362 : vector<1x16xf32> to vector<16xf32>
        %swap3A_364 = vector.shape_cast %add3A_359 : vector<16xf32> to vector<1x16xf32>
        tpu.vector_store %arg11[%swap3A_360, %swap3A_361], %swap3A_364 {strides = array<i32>} : memref<160x64xf32, #tpu.memory_space<vmem>>, vector<1x16xf32>,
        %slice3A_365 = vector.extract_strided_slice %get3A_157 {offsets = [3], sizes = [1], strides = [1]} : vector<16xf32> to vector<1xf32>
        %squeeze3A_366 = vector.extract %slice3A_365[0] : f32 from vector<1xf32>
        %mul3A_367 = arith.constant 16 : i32
        %mul3A_368 = arith.muli %scan3A_151, %mul3A_367 : i32
        %add3A_369 = arith.constant 3 : i32
        %add3A_370 = arith.addi %mul3A_368, %add3A_369 : i32
        %get3A_371 = arith.index_cast %add3A_370 : i32 to index
        %get3A_372 = arith.constant 0 : index
        %get3A_373 = tpu.vector_load %arg9[%get3A_371, %get3A_372] {strides = array<i32>} : memref<160x128xf32, #tpu.memory_space<vmem>>, vector<1x16xf32>,
        %get3A_374 = vector.shape_cast %get3A_373 : vector<1x16xf32> to vector<16xf32>
        %get3A_375 = arith.index_cast %add3A_370 : i32 to index
        %get3A_376 = arith.constant 64 : index
        %get3A_377 = tpu.vector_load %arg9[%get3A_375, %get3A_376] {strides = array<i32>} : memref<160x128xf32, #tpu.memory_space<vmem>>, vector<1x16xf32>,
        %get3A_378 = vector.shape_cast %get3A_377 : vector<1x16xf32> to vector<16xf32>
        %mul3A_379 = vector.broadcast %squeeze3A_366 : f32 to vector<16xf32>
        %mul3A_380 = arith.mulf %mul3A_379, %get3A_378 : vector<16xf32>
        %add3A_381 = arith.addf %get3A_374, %mul3A_380 : vector<16xf32>
        %swap3A_382 = arith.index_cast %add3A_370 : i32 to index
        %swap3A_383 = arith.constant 0 : index
        %swap3A_384 = tpu.vector_load %arg11[%swap3A_382, %swap3A_383] {strides = array<i32>} : memref<160x64xf32, #tpu.memory_space<vmem>>, vector<1x16xf32>,
        %swap3A_385 = vector.shape_cast %swap3A_384 : vector<1x16xf32> to vector<16xf32>
        %swap3A_386 = vector.shape_cast %add3A_381 : vector<16xf32> to vector<1x16xf32>
        tpu.vector_store %arg11[%swap3A_382, %swap3A_383], %swap3A_386 {strides = array<i32>} : memref<160x64xf32, #tpu.memory_space<vmem>>, vector<1x16xf32>,
        %get3A_387 = arith.index_cast %add3A_370 : i32 to index
        %get3A_388 = arith.constant 16 : index
        %get3A_389 = tpu.vector_load %arg9[%get3A_387, %get3A_388] {strides = array<i32>} : memref<160x128xf32, #tpu.memory_space<vmem>>, vector<1x16xf32>,
        %get3A_390 = vector.shape_cast %get3A_389 : vector<1x16xf32> to vector<16xf32>
        %get3A_391 = arith.index_cast %add3A_370 : i32 to index
        %get3A_392 = arith.constant 80 : index
        %get3A_393 = tpu.vector_load %arg9[%get3A_391, %get3A_392] {strides = array<i32>} : memref<160x128xf32, #tpu.memory_space<vmem>>, vector<1x16xf32>,
        %get3A_394 = vector.shape_cast %get3A_393 : vector<1x16xf32> to vector<16xf32>
        %mul3A_395 = vector.broadcast %squeeze3A_366 : f32 to vector<16xf32>
        %mul3A_396 = arith.mulf %mul3A_395, %get3A_394 : vector<16xf32>
        %add3A_397 = arith.addf %get3A_390, %mul3A_396 : vector<16xf32>
        %swap3A_398 = arith.index_cast %add3A_370 : i32 to index
        %swap3A_399 = arith.constant 16 : index
        %swap3A_400 = tpu.vector_load %arg11[%swap3A_398, %swap3A_399] {strides = array<i32>} : memref<160x64xf32, #tpu.memory_space<vmem>>, vector<1x16xf32>,
        %swap3A_401 = vector.shape_cast %swap3A_400 : vector<1x16xf32> to vector<16xf32>
        %swap3A_402 = vector.shape_cast %add3A_397 : vector<16xf32> to vector<1x16xf32>
        tpu.vector_store %arg11[%swap3A_398, %swap3A_399], %swap3A_402 {strides = array<i32>} : memref<160x64xf32, #tpu.memory_space<vmem>>, vector<1x16xf32>,
        %get3A_403 = arith.index_cast %add3A_370 : i32 to index
        %get3A_404 = arith.constant 32 : index
        %get3A_405 = tpu.vector_load %arg9[%get3A_403, %get3A_404] {strides = array<i32>} : memref<160x128xf32, #tpu.memory_space<vmem>>, vector<1x16xf32>,
        %get3A_406 = vector.shape_cast %get3A_405 : vector<1x16xf32> to vector<16xf32>
        %get3A_407 = arith.index_cast %add3A_370 : i32 to index
        %get3A_408 = arith.constant 96 : index
        %get3A_409 = tpu.vector_load %arg9[%get3A_407, %get3A_408] {strides = array<i32>} : memref<160x128xf32, #tpu.memory_space<vmem>>, vector<1x16xf32>,
        %get3A_410 = vector.shape_cast %get3A_409 : vector<1x16xf32> to vector<16xf32>
        %mul3A_411 = vector.broadcast %squeeze3A_366 : f32 to vector<16xf32>
        %mul3A_412 = arith.mulf %mul3A_411, %get3A_410 : vector<16xf32>
        %add3A_413 = arith.addf %get3A_406, %mul3A_412 : vector<16xf32>
        %swap3A_414 = arith.index_cast %add3A_370 : i32 to index
        %swap3A_415 = arith.constant 32 : index
        %swap3A_416 = tpu.vector_load %arg11[%swap3A_414, %swap3A_415] {strides = array<i32>} : memref<160x64xf32, #tpu.memory_space<vmem>>, vector<1x16xf32>,
        %swap3A_417 = vector.shape_cast %swap3A_416 : vector<1x16xf32> to vector<16xf32>
        %swap3A_418 = vector.shape_cast %add3A_413 : vector<16xf32> to vector<1x16xf32>
        tpu.vector_store %arg11[%swap3A_414, %swap3A_415], %swap3A_418 {strides = array<i32>} : memref<160x64xf32, #tpu.memory_space<vmem>>, vector<1x16xf32>,
        %get3A_419 = arith.index_cast %add3A_370 : i32 to index
        %get3A_420 = arith.constant 48 : index
        %get3A_421 = tpu.vector_load %arg9[%get3A_419, %get3A_420] {strides = array<i32>} : memref<160x128xf32, #tpu.memory_space<vmem>>, vector<1x16xf32>,
        %get3A_422 = vector.shape_cast %get3A_421 : vector<1x16xf32> to vector<16xf32>
        %get3A_423 = arith.index_cast %add3A_370 : i32 to index
        %get3A_424 = arith.constant 112 : index
        %get3A_425 = tpu.vector_load %arg9[%get3A_423, %get3A_424] {strides = array<i32>} : memref<160x128xf32, #tpu.memory_space<vmem>>, vector<1x16xf32>,
        %get3A_426 = vector.shape_cast %get3A_425 : vector<1x16xf32> to vector<16xf32>
        %mul3A_427 = vector.broadcast %squeeze3A_366 : f32 to vector<16xf32>
        %mul3A_428 = arith.mulf %mul3A_427, %get3A_426 : vector<16xf32>
        %add3A_429 = arith.addf %get3A_422, %mul3A_428 : vector<16xf32>
        %swap3A_430 = arith.index_cast %add3A_370 : i32 to index
        %swap3A_431 = arith.constant 48 : index
        %swap3A_432 = tpu.vector_load %arg11[%swap3A_430, %swap3A_431] {strides = array<i32>} : memref<160x64xf32, #tpu.memory_space<vmem>>, vector<1x16xf32>,
        %swap3A_433 = vector.shape_cast %swap3A_432 : vector<1x16xf32> to vector<16xf32>
        %swap3A_434 = vector.shape_cast %add3A_429 : vector<16xf32> to vector<1x16xf32>
        tpu.vector_store %arg11[%swap3A_430, %swap3A_431], %swap3A_434 {strides = array<i32>} : memref<160x64xf32, #tpu.memory_space<vmem>>, vector<1x16xf32>,
        %slice3A_435 = vector.extract_strided_slice %get3A_157 {offsets = [4], sizes = [1], strides = [1]} : vector<16xf32> to vector<1xf32>
        %squeeze3A_436 = vector.extract %slice3A_435[0] : f32 from vector<1xf32>
        %mul3A_437 = arith.constant 16 : i32
        %mul3A_438 = arith.muli %scan3A_151, %mul3A_437 : i32
        %add3A_439 = arith.constant 4 : i32
        %add3A_440 = arith.addi %mul3A_438, %add3A_439 : i32
        %get3A_441 = arith.index_cast %add3A_440 : i32 to index
        %get3A_442 = arith.constant 0 : index
        %get3A_443 = tpu.vector_load %arg9[%get3A_441, %get3A_442] {strides = array<i32>} : memref<160x128xf32, #tpu.memory_space<vmem>>, vector<1x16xf32>,
        %get3A_444 = vector.shape_cast %get3A_443 : vector<1x16xf32> to vector<16xf32>
        %get3A_445 = arith.index_cast %add3A_440 : i32 to index
        %get3A_446 = arith.constant 64 : index
        %get3A_447 = tpu.vector_load %arg9[%get3A_445, %get3A_446] {strides = array<i32>} : memref<160x128xf32, #tpu.memory_space<vmem>>, vector<1x16xf32>,
        %get3A_448 = vector.shape_cast %get3A_447 : vector<1x16xf32> to vector<16xf32>
        %mul3A_449 = vector.broadcast %squeeze3A_436 : f32 to vector<16xf32>
        %mul3A_450 = arith.mulf %mul3A_449, %get3A_448 : vector<16xf32>
        %add3A_451 = arith.addf %get3A_444, %mul3A_450 : vector<16xf32>
        %swap3A_452 = arith.index_cast %add3A_440 : i32 to index
        %swap3A_453 = arith.constant 0 : index
        %swap3A_454 = tpu.vector_load %arg11[%swap3A_452, %swap3A_453] {strides = array<i32>} : memref<160x64xf32, #tpu.memory_space<vmem>>, vector<1x16xf32>,
        %swap3A_455 = vector.shape_cast %swap3A_454 : vector<1x16xf32> to vector<16xf32>
        %swap3A_456 = vector.shape_cast %add3A_451 : vector<16xf32> to vector<1x16xf32>
        tpu.vector_store %arg11[%swap3A_452, %swap3A_453], %swap3A_456 {strides = array<i32>} : memref<160x64xf32, #tpu.memory_space<vmem>>, vector<1x16xf32>,
        %get3A_457 = arith.index_cast %add3A_440 : i32 to index
        %get3A_458 = arith.constant 16 : index
        %get3A_459 = tpu.vector_load %arg9[%get3A_457, %get3A_458] {strides = array<i32>} : memref<160x128xf32, #tpu.memory_space<vmem>>, vector<1x16xf32>,
        %get3A_460 = vector.shape_cast %get3A_459 : vector<1x16xf32> to vector<16xf32>
        %get3A_461 = arith.index_cast %add3A_440 : i32 to index
        %get3A_462 = arith.constant 80 : index
        %get3A_463 = tpu.vector_load %arg9[%get3A_461, %get3A_462] {strides = array<i32>} : memref<160x128xf32, #tpu.memory_space<vmem>>, vector<1x16xf32>,
        %get3A_464 = vector.shape_cast %get3A_463 : vector<1x16xf32> to vector<16xf32>
        %mul3A_465 = vector.broadcast %squeeze3A_436 : f32 to vector<16xf32>
        %mul3A_466 = arith.mulf %mul3A_465, %get3A_464 : vector<16xf32>
        %add3A_467 = arith.addf %get3A_460, %mul3A_466 : vector<16xf32>
        %swap3A_468 = arith.index_cast %add3A_440 : i32 to index
        %swap3A_469 = arith.constant 16 : index
        %swap3A_470 = tpu.vector_load %arg11[%swap3A_468, %swap3A_469] {strides = array<i32>} : memref<160x64xf32, #tpu.memory_space<vmem>>, vector<1x16xf32>,
        %swap3A_471 = vector.shape_cast %swap3A_470 : vector<1x16xf32> to vector<16xf32>
        %swap3A_472 = vector.shape_cast %add3A_467 : vector<16xf32> to vector<1x16xf32>
        tpu.vector_store %arg11[%swap3A_468, %swap3A_469], %swap3A_472 {strides = array<i32>} : memref<160x64xf32, #tpu.memory_space<vmem>>, vector<1x16xf32>,
        %get3A_473 = arith.index_cast %add3A_440 : i32 to index
        %get3A_474 = arith.constant 32 : index
        %get3A_475 = tpu.vector_load %arg9[%get3A_473, %get3A_474] {strides = array<i32>} : memref<160x128xf32, #tpu.memory_space<vmem>>, vector<1x16xf32>,
        %get3A_476 = vector.shape_cast %get3A_475 : vector<1x16xf32> to vector<16xf32>
        %get3A_477 = arith.index_cast %add3A_440 : i32 to index
        %get3A_478 = arith.constant 96 : index
        %get3A_479 = tpu.vector_load %arg9[%get3A_477, %get3A_478] {strides = array<i32>} : memref<160x128xf32, #tpu.memory_space<vmem>>, vector<1x16xf32>,
        %get3A_480 = vector.shape_cast %get3A_479 : vector<1x16xf32> to vector<16xf32>
        %mul3A_481 = vector.broadcast %squeeze3A_436 : f32 to vector<16xf32>
        %mul3A_482 = arith.mulf %mul3A_481, %get3A_480 : vector<16xf32>
        %add3A_483 = arith.addf %get3A_476, %mul3A_482 : vector<16xf32>
        %swap3A_484 = arith.index_cast %add3A_440 : i32 to index
        %swap3A_485 = arith.constant 32 : index
        %swap3A_486 = tpu.vector_load %arg11[%swap3A_484, %swap3A_485] {strides = array<i32>} : memref<160x64xf32, #tpu.memory_space<vmem>>, vector<1x16xf32>,
        %swap3A_487 = vector.shape_cast %swap3A_486 : vector<1x16xf32> to vector<16xf32>
        %swap3A_488 = vector.shape_cast %add3A_483 : vector<16xf32> to vector<1x16xf32>
        tpu.vector_store %arg11[%swap3A_484, %swap3A_485], %swap3A_488 {strides = array<i32>} : memref<160x64xf32, #tpu.memory_space<vmem>>, vector<1x16xf32>,
        %get3A_489 = arith.index_cast %add3A_440 : i32 to index
        %get3A_490 = arith.constant 48 : index
        %get3A_491 = tpu.vector_load %arg9[%get3A_489, %get3A_490] {strides = array<i32>} : memref<160x128xf32, #tpu.memory_space<vmem>>, vector<1x16xf32>,
        %get3A_492 = vector.shape_cast %get3A_491 : vector<1x16xf32> to vector<16xf32>
        %get3A_493 = arith.index_cast %add3A_440 : i32 to index
        %get3A_494 = arith.constant 112 : index
        %get3A_495 = tpu.vector_load %arg9[%get3A_493, %get3A_494] {strides = array<i32>} : memref<160x128xf32, #tpu.memory_space<vmem>>, vector<1x16xf32>,
        %get3A_496 = vector.shape_cast %get3A_495 : vector<1x16xf32> to vector<16xf32>
        %mul3A_497 = vector.broadcast %squeeze3A_436 : f32 to vector<16xf32>
        %mul3A_498 = arith.mulf %mul3A_497, %get3A_496 : vector<16xf32>
        %add3A_499 = arith.addf %get3A_492, %mul3A_498 : vector<16xf32>
        %swap3A_500 = arith.index_cast %add3A_440 : i32 to index
        %swap3A_501 = arith.constant 48 : index
        %swap3A_502 = tpu.vector_load %arg11[%swap3A_500, %swap3A_501] {strides = array<i32>} : memref<160x64xf32, #tpu.memory_space<vmem>>, vector<1x16xf32>,
        %swap3A_503 = vector.shape_cast %swap3A_502 : vector<1x16xf32> to vector<16xf32>
        %swap3A_504 = vector.shape_cast %add3A_499 : vector<16xf32> to vector<1x16xf32>
        tpu.vector_store %arg11[%swap3A_500, %swap3A_501], %swap3A_504 {strides = array<i32>} : memref<160x64xf32, #tpu.memory_space<vmem>>, vector<1x16xf32>,
        %slice3A_505 = vector.extract_strided_slice %get3A_157 {offsets = [5], sizes = [1], strides = [1]} : vector<16xf32> to vector<1xf32>
        %squeeze3A_506 = vector.extract %slice3A_505[0] : f32 from vector<1xf32>
        %mul3A_507 = arith.constant 16 : i32
        %mul3A_508 = arith.muli %scan3A_151, %mul3A_507 : i32
        %add3A_509 = arith.constant 5 : i32
        %add3A_510 = arith.addi %mul3A_508, %add3A_509 : i32
        %get3A_511 = arith.index_cast %add3A_510 : i32 to index
        %get3A_512 = arith.constant 0 : index
        %get3A_513 = tpu.vector_load %arg9[%get3A_511, %get3A_512] {strides = array<i32>} : memref<160x128xf32, #tpu.memory_space<vmem>>, vector<1x16xf32>,
        %get3A_514 = vector.shape_cast %get3A_513 : vector<1x16xf32> to vector<16xf32>
        %get3A_515 = arith.index_cast %add3A_510 : i32 to index
        %get3A_516 = arith.constant 64 : index
        %get3A_517 = tpu.vector_load %arg9[%get3A_515, %get3A_516] {strides = array<i32>} : memref<160x128xf32, #tpu.memory_space<vmem>>, vector<1x16xf32>,
        %get3A_518 = vector.shape_cast %get3A_517 : vector<1x16xf32> to vector<16xf32>
        %mul3A_519 = vector.broadcast %squeeze3A_506 : f32 to vector<16xf32>
        %mul3A_520 = arith.mulf %mul3A_519, %get3A_518 : vector<16xf32>
        %add3A_521 = arith.addf %get3A_514, %mul3A_520 : vector<16xf32>
        %swap3A_522 = arith.index_cast %add3A_510 : i32 to index
        %swap3A_523 = arith.constant 0 : index
        %swap3A_524 = tpu.vector_load %arg11[%swap3A_522, %swap3A_523] {strides = array<i32>} : memref<160x64xf32, #tpu.memory_space<vmem>>, vector<1x16xf32>,
        %swap3A_525 = vector.shape_cast %swap3A_524 : vector<1x16xf32> to vector<16xf32>
        %swap3A_526 = vector.shape_cast %add3A_521 : vector<16xf32> to vector<1x16xf32>
        tpu.vector_store %arg11[%swap3A_522, %swap3A_523], %swap3A_526 {strides = array<i32>} : memref<160x64xf32, #tpu.memory_space<vmem>>, vector<1x16xf32>,
        %get3A_527 = arith.index_cast %add3A_510 : i32 to index
        %get3A_528 = arith.constant 16 : index
        %get3A_529 = tpu.vector_load %arg9[%get3A_527, %get3A_528] {strides = array<i32>} : memref<160x128xf32, #tpu.memory_space<vmem>>, vector<1x16xf32>,
        %get3A_530 = vector.shape_cast %get3A_529 : vector<1x16xf32> to vector<16xf32>
        %get3A_531 = arith.index_cast %add3A_510 : i32 to index
        %get3A_532 = arith.constant 80 : index
        %get3A_533 = tpu.vector_load %arg9[%get3A_531, %get3A_532] {strides = array<i32>} : memref<160x128xf32, #tpu.memory_space<vmem>>, vector<1x16xf32>,
        %get3A_534 = vector.shape_cast %get3A_533 : vector<1x16xf32> to vector<16xf32>
        %mul3A_535 = vector.broadcast %squeeze3A_506 : f32 to vector<16xf32>
        %mul3A_536 = arith.mulf %mul3A_535, %get3A_534 : vector<16xf32>
        %add3A_537 = arith.addf %get3A_530, %mul3A_536 : vector<16xf32>
        %swap3A_538 = arith.index_cast %add3A_510 : i32 to index
        %swap3A_539 = arith.constant 16 : index
        %swap3A_540 = tpu.vector_load %arg11[%swap3A_538, %swap3A_539] {strides = array<i32>} : memref<160x64xf32, #tpu.memory_space<vmem>>, vector<1x16xf32>,
        %swap3A_541 = vector.shape_cast %swap3A_540 : vector<1x16xf32> to vector<16xf32>
        %swap3A_542 = vector.shape_cast %add3A_537 : vector<16xf32> to vector<1x16xf32>
        tpu.vector_store %arg11[%swap3A_538, %swap3A_539], %swap3A_542 {strides = array<i32>} : memref<160x64xf32, #tpu.memory_space<vmem>>, vector<1x16xf32>,
        %get3A_543 = arith.index_cast %add3A_510 : i32 to index
        %get3A_544 = arith.constant 32 : index
        %get3A_545 = tpu.vector_load %arg9[%get3A_543, %get3A_544] {strides = array<i32>} : memref<160x128xf32, #tpu.memory_space<vmem>>, vector<1x16xf32>,
        %get3A_546 = vector.shape_cast %get3A_545 : vector<1x16xf32> to vector<16xf32>
        %get3A_547 = arith.index_cast %add3A_510 : i32 to index
        %get3A_548 = arith.constant 96 : index
        %get3A_549 = tpu.vector_load %arg9[%get3A_547, %get3A_548] {strides = array<i32>} : memref<160x128xf32, #tpu.memory_space<vmem>>, vector<1x16xf32>,
        %get3A_550 = vector.shape_cast %get3A_549 : vector<1x16xf32> to vector<16xf32>
        %mul3A_551 = vector.broadcast %squeeze3A_506 : f32 to vector<16xf32>
        %mul3A_552 = arith.mulf %mul3A_551, %get3A_550 : vector<16xf32>
        %add3A_553 = arith.addf %get3A_546, %mul3A_552 : vector<16xf32>
        %swap3A_554 = arith.index_cast %add3A_510 : i32 to index
        %swap3A_555 = arith.constant 32 : index
        %swap3A_556 = tpu.vector_load %arg11[%swap3A_554, %swap3A_555] {strides = array<i32>} : memref<160x64xf32, #tpu.memory_space<vmem>>, vector<1x16xf32>,
        %swap3A_557 = vector.shape_cast %swap3A_556 : vector<1x16xf32> to vector<16xf32>
        %swap3A_558 = vector.shape_cast %add3A_553 : vector<16xf32> to vector<1x16xf32>
        tpu.vector_store %arg11[%swap3A_554, %swap3A_555], %swap3A_558 {strides = array<i32>} : memref<160x64xf32, #tpu.memory_space<vmem>>, vector<1x16xf32>,
        %get3A_559 = arith.index_cast %add3A_510 : i32 to index
        %get3A_560 = arith.constant 48 : index
        %get3A_561 = tpu.vector_load %arg9[%get3A_559, %get3A_560] {strides = array<i32>} : memref<160x128xf32, #tpu.memory_space<vmem>>, vector<1x16xf32>,
        %get3A_562 = vector.shape_cast %get3A_561 : vector<1x16xf32> to vector<16xf32>
        %get3A_563 = arith.index_cast %add3A_510 : i32 to index
        %get3A_564 = arith.constant 112 : index
        %get3A_565 = tpu.vector_load %arg9[%get3A_563, %get3A_564] {strides = array<i32>} : memref<160x128xf32, #tpu.memory_space<vmem>>, vector<1x16xf32>,
        %get3A_566 = vector.shape_cast %get3A_565 : vector<1x16xf32> to vector<16xf32>
        %mul3A_567 = vector.broadcast %squeeze3A_506 : f32 to vector<16xf32>
        %mul3A_568 = arith.mulf %mul3A_567, %get3A_566 : vector<16xf32>
        %add3A_569 = arith.addf %get3A_562, %mul3A_568 : vector<16xf32>
        %swap3A_570 = arith.index_cast %add3A_510 : i32 to index
        %swap3A_571 = arith.constant 48 : index
        %swap3A_572 = tpu.vector_load %arg11[%swap3A_570, %swap3A_571] {strides = array<i32>} : memref<160x64xf32, #tpu.memory_space<vmem>>, vector<1x16xf32>,
        %swap3A_573 = vector.shape_cast %swap3A_572 : vector<1x16xf32> to vector<16xf32>
        %swap3A_574 = vector.shape_cast %add3A_569 : vector<16xf32> to vector<1x16xf32>
        tpu.vector_store %arg11[%swap3A_570, %swap3A_571], %swap3A_574 {strides = array<i32>} : memref<160x64xf32, #tpu.memory_space<vmem>>, vector<1x16xf32>,
        %slice3A_575 = vector.extract_strided_slice %get3A_157 {offsets = [6], sizes = [1], strides = [1]} : vector<16xf32> to vector<1xf32>
        %squeeze3A_576 = vector.extract %slice3A_575[0] : f32 from vector<1xf32>
        %mul3A_577 = arith.constant 16 : i32
        %mul3A_578 = arith.muli %scan3A_151, %mul3A_577 : i32
        %add3A_579 = arith.constant 6 : i32
        %add3A_580 = arith.addi %mul3A_578, %add3A_579 : i32
        %get3A_581 = arith.index_cast %add3A_580 : i32 to index
        %get3A_582 = arith.constant 0 : index
        %get3A_583 = tpu.vector_load %arg9[%get3A_581, %get3A_582] {strides = array<i32>} : memref<160x128xf32, #tpu.memory_space<vmem>>, vector<1x16xf32>,
        %get3A_584 = vector.shape_cast %get3A_583 : vector<1x16xf32> to vector<16xf32>
        %get3A_585 = arith.index_cast %add3A_580 : i32 to index
        %get3A_586 = arith.constant 64 : index
        %get3A_587 = tpu.vector_load %arg9[%get3A_585, %get3A_586] {strides = array<i32>} : memref<160x128xf32, #tpu.memory_space<vmem>>, vector<1x16xf32>,
        %get3A_588 = vector.shape_cast %get3A_587 : vector<1x16xf32> to vector<16xf32>
        %mul3A_589 = vector.broadcast %squeeze3A_576 : f32 to vector<16xf32>
        %mul3A_590 = arith.mulf %mul3A_589, %get3A_588 : vector<16xf32>
        %add3A_591 = arith.addf %get3A_584, %mul3A_590 : vector<16xf32>
        %swap3A_592 = arith.index_cast %add3A_580 : i32 to index
        %swap3A_593 = arith.constant 0 : index
        %swap3A_594 = tpu.vector_load %arg11[%swap3A_592, %swap3A_593] {strides = array<i32>} : memref<160x64xf32, #tpu.memory_space<vmem>>, vector<1x16xf32>,
        %swap3A_595 = vector.shape_cast %swap3A_594 : vector<1x16xf32> to vector<16xf32>
        %swap3A_596 = vector.shape_cast %add3A_591 : vector<16xf32> to vector<1x16xf32>
        tpu.vector_store %arg11[%swap3A_592, %swap3A_593], %swap3A_596 {strides = array<i32>} : memref<160x64xf32, #tpu.memory_space<vmem>>, vector<1x16xf32>,
        %get3A_597 = arith.index_cast %add3A_580 : i32 to index
        %get3A_598 = arith.constant 16 : index
        %get3A_599 = tpu.vector_load %arg9[%get3A_597, %get3A_598] {strides = array<i32>} : memref<160x128xf32, #tpu.memory_space<vmem>>, vector<1x16xf32>,
        %get3A_600 = vector.shape_cast %get3A_599 : vector<1x16xf32> to vector<16xf32>
        %get3A_601 = arith.index_cast %add3A_580 : i32 to index
        %get3A_602 = arith.constant 80 : index
        %get3A_603 = tpu.vector_load %arg9[%get3A_601, %get3A_602] {strides = array<i32>} : memref<160x128xf32, #tpu.memory_space<vmem>>, vector<1x16xf32>,
        %get3A_604 = vector.shape_cast %get3A_603 : vector<1x16xf32> to vector<16xf32>
        %mul3A_605 = vector.broadcast %squeeze3A_576 : f32 to vector<16xf32>
        %mul3A_606 = arith.mulf %mul3A_605, %get3A_604 : vector<16xf32>
        %add3A_607 = arith.addf %get3A_600, %mul3A_606 : vector<16xf32>
        %swap3A_608 = arith.index_cast %add3A_580 : i32 to index
        %swap3A_609 = arith.constant 16 : index
        %swap3A_610 = tpu.vector_load %arg11[%swap3A_608, %swap3A_609] {strides = array<i32>} : memref<160x64xf32, #tpu.memory_space<vmem>>, vector<1x16xf32>,
        %swap3A_611 = vector.shape_cast %swap3A_610 : vector<1x16xf32> to vector<16xf32>
        %swap3A_612 = vector.shape_cast %add3A_607 : vector<16xf32> to vector<1x16xf32>
        tpu.vector_store %arg11[%swap3A_608, %swap3A_609], %swap3A_612 {strides = array<i32>} : memref<160x64xf32, #tpu.memory_space<vmem>>, vector<1x16xf32>,
        %get3A_613 = arith.index_cast %add3A_580 : i32 to index
        %get3A_614 = arith.constant 32 : index
        %get3A_615 = tpu.vector_load %arg9[%get3A_613, %get3A_614] {strides = array<i32>} : memref<160x128xf32, #tpu.memory_space<vmem>>, vector<1x16xf32>,
        %get3A_616 = vector.shape_cast %get3A_615 : vector<1x16xf32> to vector<16xf32>
        %get3A_617 = arith.index_cast %add3A_580 : i32 to index
        %get3A_618 = arith.constant 96 : index
        %get3A_619 = tpu.vector_load %arg9[%get3A_617, %get3A_618] {strides = array<i32>} : memref<160x128xf32, #tpu.memory_space<vmem>>, vector<1x16xf32>,
        %get3A_620 = vector.shape_cast %get3A_619 : vector<1x16xf32> to vector<16xf32>
        %mul3A_621 = vector.broadcast %squeeze3A_576 : f32 to vector<16xf32>
        %mul3A_622 = arith.mulf %mul3A_621, %get3A_620 : vector<16xf32>
        %add3A_623 = arith.addf %get3A_616, %mul3A_622 : vector<16xf32>
        %swap3A_624 = arith.index_cast %add3A_580 : i32 to index
        %swap3A_625 = arith.constant 32 : index
        %swap3A_626 = tpu.vector_load %arg11[%swap3A_624, %swap3A_625] {strides = array<i32>} : memref<160x64xf32, #tpu.memory_space<vmem>>, vector<1x16xf32>,
        %swap3A_627 = vector.shape_cast %swap3A_626 : vector<1x16xf32> to vector<16xf32>
        %swap3A_628 = vector.shape_cast %add3A_623 : vector<16xf32> to vector<1x16xf32>
        tpu.vector_store %arg11[%swap3A_624, %swap3A_625], %swap3A_628 {strides = array<i32>} : memref<160x64xf32, #tpu.memory_space<vmem>>, vector<1x16xf32>,
        %get3A_629 = arith.index_cast %add3A_580 : i32 to index
        %get3A_630 = arith.constant 48 : index
        %get3A_631 = tpu.vector_load %arg9[%get3A_629, %get3A_630] {strides = array<i32>} : memref<160x128xf32, #tpu.memory_space<vmem>>, vector<1x16xf32>,
        %get3A_632 = vector.shape_cast %get3A_631 : vector<1x16xf32> to vector<16xf32>
        %get3A_633 = arith.index_cast %add3A_580 : i32 to index
        %get3A_634 = arith.constant 112 : index
        %get3A_635 = tpu.vector_load %arg9[%get3A_633, %get3A_634] {strides = array<i32>} : memref<160x128xf32, #tpu.memory_space<vmem>>, vector<1x16xf32>,
        %get3A_636 = vector.shape_cast %get3A_635 : vector<1x16xf32> to vector<16xf32>
        %mul3A_637 = vector.broadcast %squeeze3A_576 : f32 to vector<16xf32>
        %mul3A_638 = arith.mulf %mul3A_637, %get3A_636 : vector<16xf32>
        %add3A_639 = arith.addf %get3A_632, %mul3A_638 : vector<16xf32>
        %swap3A_640 = arith.index_cast %add3A_580 : i32 to index
        %swap3A_641 = arith.constant 48 : index
        %swap3A_642 = tpu.vector_load %arg11[%swap3A_640, %swap3A_641] {strides = array<i32>} : memref<160x64xf32, #tpu.memory_space<vmem>>, vector<1x16xf32>,
        %swap3A_643 = vector.shape_cast %swap3A_642 : vector<1x16xf32> to vector<16xf32>
        %swap3A_644 = vector.shape_cast %add3A_639 : vector<16xf32> to vector<1x16xf32>
        tpu.vector_store %arg11[%swap3A_640, %swap3A_641], %swap3A_644 {strides = array<i32>} : memref<160x64xf32, #tpu.memory_space<vmem>>, vector<1x16xf32>,
        %slice3A_645 = vector.extract_strided_slice %get3A_157 {offsets = [7], sizes = [1], strides = [1]} : vector<16xf32> to vector<1xf32>
        %squeeze3A_646 = vector.extract %slice3A_645[0] : f32 from vector<1xf32>
        %mul3A_647 = arith.constant 16 : i32
        %mul3A_648 = arith.muli %scan3A_151, %mul3A_647 : i32
        %add3A_649 = arith.constant 7 : i32
        %add3A_650 = arith.addi %mul3A_648, %add3A_649 : i32
        %get3A_651 = arith.index_cast %add3A_650 : i32 to index
        %get3A_652 = arith.constant 0 : index
        %get3A_653 = tpu.vector_load %arg9[%get3A_651, %get3A_652] {strides = array<i32>} : memref<160x128xf32, #tpu.memory_space<vmem>>, vector<1x16xf32>,
        %get3A_654 = vector.shape_cast %get3A_653 : vector<1x16xf32> to vector<16xf32>
        %get3A_655 = arith.index_cast %add3A_650 : i32 to index
        %get3A_656 = arith.constant 64 : index
        %get3A_657 = tpu.vector_load %arg9[%get3A_655, %get3A_656] {strides = array<i32>} : memref<160x128xf32, #tpu.memory_space<vmem>>, vector<1x16xf32>,
        %get3A_658 = vector.shape_cast %get3A_657 : vector<1x16xf32> to vector<16xf32>
        %mul3A_659 = vector.broadcast %squeeze3A_646 : f32 to vector<16xf32>
        %mul3A_660 = arith.mulf %mul3A_659, %get3A_658 : vector<16xf32>
        %add3A_661 = arith.addf %get3A_654, %mul3A_660 : vector<16xf32>
        %swap3A_662 = arith.index_cast %add3A_650 : i32 to index
        %swap3A_663 = arith.constant 0 : index
        %swap3A_664 = tpu.vector_load %arg11[%swap3A_662, %swap3A_663] {strides = array<i32>} : memref<160x64xf32, #tpu.memory_space<vmem>>, vector<1x16xf32>,
        %swap3A_665 = vector.shape_cast %swap3A_664 : vector<1x16xf32> to vector<16xf32>
        %swap3A_666 = vector.shape_cast %add3A_661 : vector<16xf32> to vector<1x16xf32>
        tpu.vector_store %arg11[%swap3A_662, %swap3A_663], %swap3A_666 {strides = array<i32>} : memref<160x64xf32, #tpu.memory_space<vmem>>, vector<1x16xf32>,
        %get3A_667 = arith.index_cast %add3A_650 : i32 to index
        %get3A_668 = arith.constant 16 : index
        %get3A_669 = tpu.vector_load %arg9[%get3A_667, %get3A_668] {strides = array<i32>} : memref<160x128xf32, #tpu.memory_space<vmem>>, vector<1x16xf32>,
        %get3A_670 = vector.shape_cast %get3A_669 : vector<1x16xf32> to vector<16xf32>
        %get3A_671 = arith.index_cast %add3A_650 : i32 to index
        %get3A_672 = arith.constant 80 : index
        %get3A_673 = tpu.vector_load %arg9[%get3A_671, %get3A_672] {strides = array<i32>} : memref<160x128xf32, #tpu.memory_space<vmem>>, vector<1x16xf32>,
        %get3A_674 = vector.shape_cast %get3A_673 : vector<1x16xf32> to vector<16xf32>
        %mul3A_675 = vector.broadcast %squeeze3A_646 : f32 to vector<16xf32>
        %mul3A_676 = arith.mulf %mul3A_675, %get3A_674 : vector<16xf32>
        %add3A_677 = arith.addf %get3A_670, %mul3A_676 : vector<16xf32>
        %swap3A_678 = arith.index_cast %add3A_650 : i32 to index
        %swap3A_679 = arith.constant 16 : index
        %swap3A_680 = tpu.vector_load %arg11[%swap3A_678, %swap3A_679] {strides = array<i32>} : memref<160x64xf32, #tpu.memory_space<vmem>>, vector<1x16xf32>,
        %swap3A_681 = vector.shape_cast %swap3A_680 : vector<1x16xf32> to vector<16xf32>
        %swap3A_682 = vector.shape_cast %add3A_677 : vector<16xf32> to vector<1x16xf32>
        tpu.vector_store %arg11[%swap3A_678, %swap3A_679], %swap3A_682 {strides = array<i32>} : memref<160x64xf32, #tpu.memory_space<vmem>>, vector<1x16xf32>,
        %get3A_683 = arith.index_cast %add3A_650 : i32 to index
        %get3A_684 = arith.constant 32 : index
        %get3A_685 = tpu.vector_load %arg9[%get3A_683, %get3A_684] {strides = array<i32>} : memref<160x128xf32, #tpu.memory_space<vmem>>, vector<1x16xf32>,
        %get3A_686 = vector.shape_cast %get3A_685 : vector<1x16xf32> to vector<16xf32>
        %get3A_687 = arith.index_cast %add3A_650 : i32 to index
        %get3A_688 = arith.constant 96 : index
        %get3A_689 = tpu.vector_load %arg9[%get3A_687, %get3A_688] {strides = array<i32>} : memref<160x128xf32, #tpu.memory_space<vmem>>, vector<1x16xf32>,
        %get3A_690 = vector.shape_cast %get3A_689 : vector<1x16xf32> to vector<16xf32>
        %mul3A_691 = vector.broadcast %squeeze3A_646 : f32 to vector<16xf32>
        %mul3A_692 = arith.mulf %mul3A_691, %get3A_690 : vector<16xf32>
        %add3A_693 = arith.addf %get3A_686, %mul3A_692 : vector<16xf32>
        %swap3A_694 = arith.index_cast %add3A_650 : i32 to index
        %swap3A_695 = arith.constant 32 : index
        %swap3A_696 = tpu.vector_load %arg11[%swap3A_694, %swap3A_695] {strides = array<i32>} : memref<160x64xf32, #tpu.memory_space<vmem>>, vector<1x16xf32>,
        %swap3A_697 = vector.shape_cast %swap3A_696 : vector<1x16xf32> to vector<16xf32>
        %swap3A_698 = vector.shape_cast %add3A_693 : vector<16xf32> to vector<1x16xf32>
        tpu.vector_store %arg11[%swap3A_694, %swap3A_695], %swap3A_698 {strides = array<i32>} : memref<160x64xf32, #tpu.memory_space<vmem>>, vector<1x16xf32>,
        %get3A_699 = arith.index_cast %add3A_650 : i32 to index
        %get3A_700 = arith.constant 48 : index
        %get3A_701 = tpu.vector_load %arg9[%get3A_699, %get3A_700] {strides = array<i32>} : memref<160x128xf32, #tpu.memory_space<vmem>>, vector<1x16xf32>,
        %get3A_702 = vector.shape_cast %get3A_701 : vector<1x16xf32> to vector<16xf32>
        %get3A_703 = arith.index_cast %add3A_650 : i32 to index
        %get3A_704 = arith.constant 112 : index
        %get3A_705 = tpu.vector_load %arg9[%get3A_703, %get3A_704] {strides = array<i32>} : memref<160x128xf32, #tpu.memory_space<vmem>>, vector<1x16xf32>,
        %get3A_706 = vector.shape_cast %get3A_705 : vector<1x16xf32> to vector<16xf32>
        %mul3A_707 = vector.broadcast %squeeze3A_646 : f32 to vector<16xf32>
        %mul3A_708 = arith.mulf %mul3A_707, %get3A_706 : vector<16xf32>
        %add3A_709 = arith.addf %get3A_702, %mul3A_708 : vector<16xf32>
        %swap3A_710 = arith.index_cast %add3A_650 : i32 to index
        %swap3A_711 = arith.constant 48 : index
        %swap3A_712 = tpu.vector_load %arg11[%swap3A_710, %swap3A_711] {strides = array<i32>} : memref<160x64xf32, #tpu.memory_space<vmem>>, vector<1x16xf32>,
        %swap3A_713 = vector.shape_cast %swap3A_712 : vector<1x16xf32> to vector<16xf32>
        %swap3A_714 = vector.shape_cast %add3A_709 : vector<16xf32> to vector<1x16xf32>
        tpu.vector_store %arg11[%swap3A_710, %swap3A_711], %swap3A_714 {strides = array<i32>} : memref<160x64xf32, #tpu.memory_space<vmem>>, vector<1x16xf32>,
        %slice3A_715 = vector.extract_strided_slice %get3A_157 {offsets = [8], sizes = [1], strides = [1]} : vector<16xf32> to vector<1xf32>
        %squeeze3A_716 = vector.extract %slice3A_715[0] : f32 from vector<1xf32>
        %mul3A_717 = arith.constant 16 : i32
        %mul3A_718 = arith.muli %scan3A_151, %mul3A_717 : i32
        %add3A_719 = arith.constant 8 : i32
        %add3A_720 = arith.addi %mul3A_718, %add3A_719 : i32
        %get3A_721 = arith.index_cast %add3A_720 : i32 to index
        %get3A_722 = arith.constant 0 : index
        %get3A_723 = tpu.vector_load %arg9[%get3A_721, %get3A_722] {strides = array<i32>} : memref<160x128xf32, #tpu.memory_space<vmem>>, vector<1x16xf32>,
        %get3A_724 = vector.shape_cast %get3A_723 : vector<1x16xf32> to vector<16xf32>
        %get3A_725 = arith.index_cast %add3A_720 : i32 to index
        %get3A_726 = arith.constant 64 : index
        %get3A_727 = tpu.vector_load %arg9[%get3A_725, %get3A_726] {strides = array<i32>} : memref<160x128xf32, #tpu.memory_space<vmem>>, vector<1x16xf32>,
        %get3A_728 = vector.shape_cast %get3A_727 : vector<1x16xf32> to vector<16xf32>
        %mul3A_729 = vector.broadcast %squeeze3A_716 : f32 to vector<16xf32>
        %mul3A_730 = arith.mulf %mul3A_729, %get3A_728 : vector<16xf32>
        %add3A_731 = arith.addf %get3A_724, %mul3A_730 : vector<16xf32>
        %swap3A_732 = arith.index_cast %add3A_720 : i32 to index
        %swap3A_733 = arith.constant 0 : index
        %swap3A_734 = tpu.vector_load %arg11[%swap3A_732, %swap3A_733] {strides = array<i32>} : memref<160x64xf32, #tpu.memory_space<vmem>>, vector<1x16xf32>,
        %swap3A_735 = vector.shape_cast %swap3A_734 : vector<1x16xf32> to vector<16xf32>
        %swap3A_736 = vector.shape_cast %add3A_731 : vector<16xf32> to vector<1x16xf32>
        tpu.vector_store %arg11[%swap3A_732, %swap3A_733], %swap3A_736 {strides = array<i32>} : memref<160x64xf32, #tpu.memory_space<vmem>>, vector<1x16xf32>,
        %get3A_737 = arith.index_cast %add3A_720 : i32 to index
        %get3A_738 = arith.constant 16 : index
        %get3A_739 = tpu.vector_load %arg9[%get3A_737, %get3A_738] {strides = array<i32>} : memref<160x128xf32, #tpu.memory_space<vmem>>, vector<1x16xf32>,
        %get3A_740 = vector.shape_cast %get3A_739 : vector<1x16xf32> to vector<16xf32>
        %get3A_741 = arith.index_cast %add3A_720 : i32 to index
        %get3A_742 = arith.constant 80 : index
        %get3A_743 = tpu.vector_load %arg9[%get3A_741, %get3A_742] {strides = array<i32>} : memref<160x128xf32, #tpu.memory_space<vmem>>, vector<1x16xf32>,
        %get3A_744 = vector.shape_cast %get3A_743 : vector<1x16xf32> to vector<16xf32>
        %mul3A_745 = vector.broadcast %squeeze3A_716 : f32 to vector<16xf32>
        %mul3A_746 = arith.mulf %mul3A_745, %get3A_744 : vector<16xf32>
        %add3A_747 = arith.addf %get3A_740, %mul3A_746 : vector<16xf32>
        %swap3A_748 = arith.index_cast %add3A_720 : i32 to index
        %swap3A_749 = arith.constant 16 : index
        %swap3A_750 = tpu.vector_load %arg11[%swap3A_748, %swap3A_749] {strides = array<i32>} : memref<160x64xf32, #tpu.memory_space<vmem>>, vector<1x16xf32>,
        %swap3A_751 = vector.shape_cast %swap3A_750 : vector<1x16xf32> to vector<16xf32>
        %swap3A_752 = vector.shape_cast %add3A_747 : vector<16xf32> to vector<1x16xf32>
        tpu.vector_store %arg11[%swap3A_748, %swap3A_749], %swap3A_752 {strides = array<i32>} : memref<160x64xf32, #tpu.memory_space<vmem>>, vector<1x16xf32>,
        %get3A_753 = arith.index_cast %add3A_720 : i32 to index
        %get3A_754 = arith.constant 32 : index
        %get3A_755 = tpu.vector_load %arg9[%get3A_753, %get3A_754] {strides = array<i32>} : memref<160x128xf32, #tpu.memory_space<vmem>>, vector<1x16xf32>,
        %get3A_756 = vector.shape_cast %get3A_755 : vector<1x16xf32> to vector<16xf32>
        %get3A_757 = arith.index_cast %add3A_720 : i32 to index
        %get3A_758 = arith.constant 96 : index
        %get3A_759 = tpu.vector_load %arg9[%get3A_757, %get3A_758] {strides = array<i32>} : memref<160x128xf32, #tpu.memory_space<vmem>>, vector<1x16xf32>,
        %get3A_760 = vector.shape_cast %get3A_759 : vector<1x16xf32> to vector<16xf32>
        %mul3A_761 = vector.broadcast %squeeze3A_716 : f32 to vector<16xf32>
        %mul3A_762 = arith.mulf %mul3A_761, %get3A_760 : vector<16xf32>
        %add3A_763 = arith.addf %get3A_756, %mul3A_762 : vector<16xf32>
        %swap3A_764 = arith.index_cast %add3A_720 : i32 to index
        %swap3A_765 = arith.constant 32 : index
        %swap3A_766 = tpu.vector_load %arg11[%swap3A_764, %swap3A_765] {strides = array<i32>} : memref<160x64xf32, #tpu.memory_space<vmem>>, vector<1x16xf32>,
        %swap3A_767 = vector.shape_cast %swap3A_766 : vector<1x16xf32> to vector<16xf32>
        %swap3A_768 = vector.shape_cast %add3A_763 : vector<16xf32> to vector<1x16xf32>
        tpu.vector_store %arg11[%swap3A_764, %swap3A_765], %swap3A_768 {strides = array<i32>} : memref<160x64xf32, #tpu.memory_space<vmem>>, vector<1x16xf32>,
        %get3A_769 = arith.index_cast %add3A_720 : i32 to index
        %get3A_770 = arith.constant 48 : index
        %get3A_771 = tpu.vector_load %arg9[%get3A_769, %get3A_770] {strides = array<i32>} : memref<160x128xf32, #tpu.memory_space<vmem>>, vector<1x16xf32>,
        %get3A_772 = vector.shape_cast %get3A_771 : vector<1x16xf32> to vector<16xf32>
        %get3A_773 = arith.index_cast %add3A_720 : i32 to index
        %get3A_774 = arith.constant 112 : index
        %get3A_775 = tpu.vector_load %arg9[%get3A_773, %get3A_774] {strides = array<i32>} : memref<160x128xf32, #tpu.memory_space<vmem>>, vector<1x16xf32>,
        %get3A_776 = vector.shape_cast %get3A_775 : vector<1x16xf32> to vector<16xf32>
        %mul3A_777 = vector.broadcast %squeeze3A_716 : f32 to vector<16xf32>
        %mul3A_778 = arith.mulf %mul3A_777, %get3A_776 : vector<16xf32>
        %add3A_779 = arith.addf %get3A_772, %mul3A_778 : vector<16xf32>
        %swap3A_780 = arith.index_cast %add3A_720 : i32 to index
        %swap3A_781 = arith.constant 48 : index
        %swap3A_782 = tpu.vector_load %arg11[%swap3A_780, %swap3A_781] {strides = array<i32>} : memref<160x64xf32, #tpu.memory_space<vmem>>, vector<1x16xf32>,
        %swap3A_783 = vector.shape_cast %swap3A_782 : vector<1x16xf32> to vector<16xf32>
        %swap3A_784 = vector.shape_cast %add3A_779 : vector<16xf32> to vector<1x16xf32>
        tpu.vector_store %arg11[%swap3A_780, %swap3A_781], %swap3A_784 {strides = array<i32>} : memref<160x64xf32, #tpu.memory_space<vmem>>, vector<1x16xf32>,
        %slice3A_785 = vector.extract_strided_slice %get3A_157 {offsets = [9], sizes = [1], strides = [1]} : vector<16xf32> to vector<1xf32>
        %squeeze3A_786 = vector.extract %slice3A_785[0] : f32 from vector<1xf32>
        %mul3A_787 = arith.constant 16 : i32
        %mul3A_788 = arith.muli %scan3A_151, %mul3A_787 : i32
        %add3A_789 = arith.constant 9 : i32
        %add3A_790 = arith.addi %mul3A_788, %add3A_789 : i32
        %get3A_791 = arith.index_cast %add3A_790 : i32 to index
        %get3A_792 = arith.constant 0 : index
        %get3A_793 = tpu.vector_load %arg9[%get3A_791, %get3A_792] {strides = array<i32>} : memref<160x128xf32, #tpu.memory_space<vmem>>, vector<1x16xf32>,
        %get3A_794 = vector.shape_cast %get3A_793 : vector<1x16xf32> to vector<16xf32>
        %get3A_795 = arith.index_cast %add3A_790 : i32 to index
        %get3A_796 = arith.constant 64 : index
        %get3A_797 = tpu.vector_load %arg9[%get3A_795, %get3A_796] {strides = array<i32>} : memref<160x128xf32, #tpu.memory_space<vmem>>, vector<1x16xf32>,
        %get3A_798 = vector.shape_cast %get3A_797 : vector<1x16xf32> to vector<16xf32>
        %mul3A_799 = vector.broadcast %squeeze3A_786 : f32 to vector<16xf32>
        %mul3A_800 = arith.mulf %mul3A_799, %get3A_798 : vector<16xf32>
        %add3A_801 = arith.addf %get3A_794, %mul3A_800 : vector<16xf32>
        %swap3A_802 = arith.index_cast %add3A_790 : i32 to index
        %swap3A_803 = arith.constant 0 : index
        %swap3A_804 = tpu.vector_load %arg11[%swap3A_802, %swap3A_803] {strides = array<i32>} : memref<160x64xf32, #tpu.memory_space<vmem>>, vector<1x16xf32>,
        %swap3A_805 = vector.shape_cast %swap3A_804 : vector<1x16xf32> to vector<16xf32>
        %swap3A_806 = vector.shape_cast %add3A_801 : vector<16xf32> to vector<1x16xf32>
        tpu.vector_store %arg11[%swap3A_802, %swap3A_803], %swap3A_806 {strides = array<i32>} : memref<160x64xf32, #tpu.memory_space<vmem>>, vector<1x16xf32>,
        %get3A_807 = arith.index_cast %add3A_790 : i32 to index
        %get3A_808 = arith.constant 16 : index
        %get3A_809 = tpu.vector_load %arg9[%get3A_807, %get3A_808] {strides = array<i32>} : memref<160x128xf32, #tpu.memory_space<vmem>>, vector<1x16xf32>,
        %get3A_810 = vector.shape_cast %get3A_809 : vector<1x16xf32> to vector<16xf32>
        %get3A_811 = arith.index_cast %add3A_790 : i32 to index
        %get3A_812 = arith.constant 80 : index
        %get3A_813 = tpu.vector_load %arg9[%get3A_811, %get3A_812] {strides = array<i32>} : memref<160x128xf32, #tpu.memory_space<vmem>>, vector<1x16xf32>,
        %get3A_814 = vector.shape_cast %get3A_813 : vector<1x16xf32> to vector<16xf32>
        %mul3A_815 = vector.broadcast %squeeze3A_786 : f32 to vector<16xf32>
        %mul3A_816 = arith.mulf %mul3A_815, %get3A_814 : vector<16xf32>
        %add3A_817 = arith.addf %get3A_810, %mul3A_816 : vector<16xf32>
        %swap3A_818 = arith.index_cast %add3A_790 : i32 to index
        %swap3A_819 = arith.constant 16 : index
        %swap3A_820 = tpu.vector_load %arg11[%swap3A_818, %swap3A_819] {strides = array<i32>} : memref<160x64xf32, #tpu.memory_space<vmem>>, vector<1x16xf32>,
        %swap3A_821 = vector.shape_cast %swap3A_820 : vector<1x16xf32> to vector<16xf32>
        %swap3A_822 = vector.shape_cast %add3A_817 : vector<16xf32> to vector<1x16xf32>
        tpu.vector_store %arg11[%swap3A_818, %swap3A_819], %swap3A_822 {strides = array<i32>} : memref<160x64xf32, #tpu.memory_space<vmem>>, vector<1x16xf32>,
        %get3A_823 = arith.index_cast %add3A_790 : i32 to index
        %get3A_824 = arith.constant 32 : index
        %get3A_825 = tpu.vector_load %arg9[%get3A_823, %get3A_824] {strides = array<i32>} : memref<160x128xf32, #tpu.memory_space<vmem>>, vector<1x16xf32>,
        %get3A_826 = vector.shape_cast %get3A_825 : vector<1x16xf32> to vector<16xf32>
        %get3A_827 = arith.index_cast %add3A_790 : i32 to index
        %get3A_828 = arith.constant 96 : index
        %get3A_829 = tpu.vector_load %arg9[%get3A_827, %get3A_828] {strides = array<i32>} : memref<160x128xf32, #tpu.memory_space<vmem>>, vector<1x16xf32>,
        %get3A_830 = vector.shape_cast %get3A_829 : vector<1x16xf32> to vector<16xf32>
        %mul3A_831 = vector.broadcast %squeeze3A_786 : f32 to vector<16xf32>
        %mul3A_832 = arith.mulf %mul3A_831, %get3A_830 : vector<16xf32>
        %add3A_833 = arith.addf %get3A_826, %mul3A_832 : vector<16xf32>
        %swap3A_834 = arith.index_cast %add3A_790 : i32 to index
        %swap3A_835 = arith.constant 32 : index
        %swap3A_836 = tpu.vector_load %arg11[%swap3A_834, %swap3A_835] {strides = array<i32>} : memref<160x64xf32, #tpu.memory_space<vmem>>, vector<1x16xf32>,
        %swap3A_837 = vector.shape_cast %swap3A_836 : vector<1x16xf32> to vector<16xf32>
        %swap3A_838 = vector.shape_cast %add3A_833 : vector<16xf32> to vector<1x16xf32>
        tpu.vector_store %arg11[%swap3A_834, %swap3A_835], %swap3A_838 {strides = array<i32>} : memref<160x64xf32, #tpu.memory_space<vmem>>, vector<1x16xf32>,
        %get3A_839 = arith.index_cast %add3A_790 : i32 to index
        %get3A_840 = arith.constant 48 : index
        %get3A_841 = tpu.vector_load %arg9[%get3A_839, %get3A_840] {strides = array<i32>} : memref<160x128xf32, #tpu.memory_space<vmem>>, vector<1x16xf32>,
        %get3A_842 = vector.shape_cast %get3A_841 : vector<1x16xf32> to vector<16xf32>
        %get3A_843 = arith.index_cast %add3A_790 : i32 to index
        %get3A_844 = arith.constant 112 : index
        %get3A_845 = tpu.vector_load %arg9[%get3A_843, %get3A_844] {strides = array<i32>} : memref<160x128xf32, #tpu.memory_space<vmem>>, vector<1x16xf32>,
        %get3A_846 = vector.shape_cast %get3A_845 : vector<1x16xf32> to vector<16xf32>
        %mul3A_847 = vector.broadcast %squeeze3A_786 : f32 to vector<16xf32>
        %mul3A_848 = arith.mulf %mul3A_847, %get3A_846 : vector<16xf32>
        %add3A_849 = arith.addf %get3A_842, %mul3A_848 : vector<16xf32>
        %swap3A_850 = arith.index_cast %add3A_790 : i32 to index
        %swap3A_851 = arith.constant 48 : index
        %swap3A_852 = tpu.vector_load %arg11[%swap3A_850, %swap3A_851] {strides = array<i32>} : memref<160x64xf32, #tpu.memory_space<vmem>>, vector<1x16xf32>,
        %swap3A_853 = vector.shape_cast %swap3A_852 : vector<1x16xf32> to vector<16xf32>
        %swap3A_854 = vector.shape_cast %add3A_849 : vector<16xf32> to vector<1x16xf32>
        tpu.vector_store %arg11[%swap3A_850, %swap3A_851], %swap3A_854 {strides = array<i32>} : memref<160x64xf32, #tpu.memory_space<vmem>>, vector<1x16xf32>,
        %slice3A_855 = vector.extract_strided_slice %get3A_157 {offsets = [10], sizes = [1], strides = [1]} : vector<16xf32> to vector<1xf32>
        %squeeze3A_856 = vector.extract %slice3A_855[0] : f32 from vector<1xf32>
        %mul3A_857 = arith.constant 16 : i32
        %mul3A_858 = arith.muli %scan3A_151, %mul3A_857 : i32
        %add3A_859 = arith.constant 10 : i32
        %add3A_860 = arith.addi %mul3A_858, %add3A_859 : i32
        %get3A_861 = arith.index_cast %add3A_860 : i32 to index
        %get3A_862 = arith.constant 0 : index
        %get3A_863 = tpu.vector_load %arg9[%get3A_861, %get3A_862] {strides = array<i32>} : memref<160x128xf32, #tpu.memory_space<vmem>>, vector<1x16xf32>,
        %get3A_864 = vector.shape_cast %get3A_863 : vector<1x16xf32> to vector<16xf32>
        %get3A_865 = arith.index_cast %add3A_860 : i32 to index
        %get3A_866 = arith.constant 64 : index
        %get3A_867 = tpu.vector_load %arg9[%get3A_865, %get3A_866] {strides = array<i32>} : memref<160x128xf32, #tpu.memory_space<vmem>>, vector<1x16xf32>,
        %get3A_868 = vector.shape_cast %get3A_867 : vector<1x16xf32> to vector<16xf32>
        %mul3A_869 = vector.broadcast %squeeze3A_856 : f32 to vector<16xf32>
        %mul3A_870 = arith.mulf %mul3A_869, %get3A_868 : vector<16xf32>
        %add3A_871 = arith.addf %get3A_864, %mul3A_870 : vector<16xf32>
        %swap3A_872 = arith.index_cast %add3A_860 : i32 to index
        %swap3A_873 = arith.constant 0 : index
        %swap3A_874 = tpu.vector_load %arg11[%swap3A_872, %swap3A_873] {strides = array<i32>} : memref<160x64xf32, #tpu.memory_space<vmem>>, vector<1x16xf32>,
        %swap3A_875 = vector.shape_cast %swap3A_874 : vector<1x16xf32> to vector<16xf32>
        %swap3A_876 = vector.shape_cast %add3A_871 : vector<16xf32> to vector<1x16xf32>
        tpu.vector_store %arg11[%swap3A_872, %swap3A_873], %swap3A_876 {strides = array<i32>} : memref<160x64xf32, #tpu.memory_space<vmem>>, vector<1x16xf32>,
        %get3A_877 = arith.index_cast %add3A_860 : i32 to index
        %get3A_878 = arith.constant 16 : index
        %get3A_879 = tpu.vector_load %arg9[%get3A_877, %get3A_878] {strides = array<i32>} : memref<160x128xf32, #tpu.memory_space<vmem>>, vector<1x16xf32>,
        %get3A_880 = vector.shape_cast %get3A_879 : vector<1x16xf32> to vector<16xf32>
        %get3A_881 = arith.index_cast %add3A_860 : i32 to index
        %get3A_882 = arith.constant 80 : index
        %get3A_883 = tpu.vector_load %arg9[%get3A_881, %get3A_882] {strides = array<i32>} : memref<160x128xf32, #tpu.memory_space<vmem>>, vector<1x16xf32>,
        %get3A_884 = vector.shape_cast %get3A_883 : vector<1x16xf32> to vector<16xf32>
        %mul3A_885 = vector.broadcast %squeeze3A_856 : f32 to vector<16xf32>
        %mul3A_886 = arith.mulf %mul3A_885, %get3A_884 : vector<16xf32>
        %add3A_887 = arith.addf %get3A_880, %mul3A_886 : vector<16xf32>
        %swap3A_888 = arith.index_cast %add3A_860 : i32 to index
        %swap3A_889 = arith.constant 16 : index
        %swap3A_890 = tpu.vector_load %arg11[%swap3A_888, %swap3A_889] {strides = array<i32>} : memref<160x64xf32, #tpu.memory_space<vmem>>, vector<1x16xf32>,
        %swap3A_891 = vector.shape_cast %swap3A_890 : vector<1x16xf32> to vector<16xf32>
        %swap3A_892 = vector.shape_cast %add3A_887 : vector<16xf32> to vector<1x16xf32>
        tpu.vector_store %arg11[%swap3A_888, %swap3A_889], %swap3A_892 {strides = array<i32>} : memref<160x64xf32, #tpu.memory_space<vmem>>, vector<1x16xf32>,
        %get3A_893 = arith.index_cast %add3A_860 : i32 to index
        %get3A_894 = arith.constant 32 : index
        %get3A_895 = tpu.vector_load %arg9[%get3A_893, %get3A_894] {strides = array<i32>} : memref<160x128xf32, #tpu.memory_space<vmem>>, vector<1x16xf32>,
        %get3A_896 = vector.shape_cast %get3A_895 : vector<1x16xf32> to vector<16xf32>
        %get3A_897 = arith.index_cast %add3A_860 : i32 to index
        %get3A_898 = arith.constant 96 : index
        %get3A_899 = tpu.vector_load %arg9[%get3A_897, %get3A_898] {strides = array<i32>} : memref<160x128xf32, #tpu.memory_space<vmem>>, vector<1x16xf32>,
        %get3A_900 = vector.shape_cast %get3A_899 : vector<1x16xf32> to vector<16xf32>
        %mul3A_901 = vector.broadcast %squeeze3A_856 : f32 to vector<16xf32>
        %mul3A_902 = arith.mulf %mul3A_901, %get3A_900 : vector<16xf32>
        %add3A_903 = arith.addf %get3A_896, %mul3A_902 : vector<16xf32>
        %swap3A_904 = arith.index_cast %add3A_860 : i32 to index
        %swap3A_905 = arith.constant 32 : index
        %swap3A_906 = tpu.vector_load %arg11[%swap3A_904, %swap3A_905] {strides = array<i32>} : memref<160x64xf32, #tpu.memory_space<vmem>>, vector<1x16xf32>,
        %swap3A_907 = vector.shape_cast %swap3A_906 : vector<1x16xf32> to vector<16xf32>
        %swap3A_908 = vector.shape_cast %add3A_903 : vector<16xf32> to vector<1x16xf32>
        tpu.vector_store %arg11[%swap3A_904, %swap3A_905], %swap3A_908 {strides = array<i32>} : memref<160x64xf32, #tpu.memory_space<vmem>>, vector<1x16xf32>,
        %get3A_909 = arith.index_cast %add3A_860 : i32 to index
        %get3A_910 = arith.constant 48 : index
        %get3A_911 = tpu.vector_load %arg9[%get3A_909, %get3A_910] {strides = array<i32>} : memref<160x128xf32, #tpu.memory_space<vmem>>, vector<1x16xf32>,
        %get3A_912 = vector.shape_cast %get3A_911 : vector<1x16xf32> to vector<16xf32>
        %get3A_913 = arith.index_cast %add3A_860 : i32 to index
        %get3A_914 = arith.constant 112 : index
        %get3A_915 = tpu.vector_load %arg9[%get3A_913, %get3A_914] {strides = array<i32>} : memref<160x128xf32, #tpu.memory_space<vmem>>, vector<1x16xf32>,
        %get3A_916 = vector.shape_cast %get3A_915 : vector<1x16xf32> to vector<16xf32>
        %mul3A_917 = vector.broadcast %squeeze3A_856 : f32 to vector<16xf32>
        %mul3A_918 = arith.mulf %mul3A_917, %get3A_916 : vector<16xf32>
        %add3A_919 = arith.addf %get3A_912, %mul3A_918 : vector<16xf32>
        %swap3A_920 = arith.index_cast %add3A_860 : i32 to index
        %swap3A_921 = arith.constant 48 : index
        %swap3A_922 = tpu.vector_load %arg11[%swap3A_920, %swap3A_921] {strides = array<i32>} : memref<160x64xf32, #tpu.memory_space<vmem>>, vector<1x16xf32>,
        %swap3A_923 = vector.shape_cast %swap3A_922 : vector<1x16xf32> to vector<16xf32>
        %swap3A_924 = vector.shape_cast %add3A_919 : vector<16xf32> to vector<1x16xf32>
        tpu.vector_store %arg11[%swap3A_920, %swap3A_921], %swap3A_924 {strides = array<i32>} : memref<160x64xf32, #tpu.memory_space<vmem>>, vector<1x16xf32>,
        %slice3A_925 = vector.extract_strided_slice %get3A_157 {offsets = [11], sizes = [1], strides = [1]} : vector<16xf32> to vector<1xf32>
        %squeeze3A_926 = vector.extract %slice3A_925[0] : f32 from vector<1xf32>
        %mul3A_927 = arith.constant 16 : i32
        %mul3A_928 = arith.muli %scan3A_151, %mul3A_927 : i32
        %add3A_929 = arith.constant 11 : i32
        %add3A_930 = arith.addi %mul3A_928, %add3A_929 : i32
        %get3A_931 = arith.index_cast %add3A_930 : i32 to index
        %get3A_932 = arith.constant 0 : index
        %get3A_933 = tpu.vector_load %arg9[%get3A_931, %get3A_932] {strides = array<i32>} : memref<160x128xf32, #tpu.memory_space<vmem>>, vector<1x16xf32>,
        %get3A_934 = vector.shape_cast %get3A_933 : vector<1x16xf32> to vector<16xf32>
        %get3A_935 = arith.index_cast %add3A_930 : i32 to index
        %get3A_936 = arith.constant 64 : index
        %get3A_937 = tpu.vector_load %arg9[%get3A_935, %get3A_936] {strides = array<i32>} : memref<160x128xf32, #tpu.memory_space<vmem>>, vector<1x16xf32>,
        %get3A_938 = vector.shape_cast %get3A_937 : vector<1x16xf32> to vector<16xf32>
        %mul3A_939 = vector.broadcast %squeeze3A_926 : f32 to vector<16xf32>
        %mul3A_940 = arith.mulf %mul3A_939, %get3A_938 : vector<16xf32>
        %add3A_941 = arith.addf %get3A_934, %mul3A_940 : vector<16xf32>
        %swap3A_942 = arith.index_cast %add3A_930 : i32 to index
        %swap3A_943 = arith.constant 0 : index
        %swap3A_944 = tpu.vector_load %arg11[%swap3A_942, %swap3A_943] {strides = array<i32>} : memref<160x64xf32, #tpu.memory_space<vmem>>, vector<1x16xf32>,
        %swap3A_945 = vector.shape_cast %swap3A_944 : vector<1x16xf32> to vector<16xf32>
        %swap3A_946 = vector.shape_cast %add3A_941 : vector<16xf32> to vector<1x16xf32>
        tpu.vector_store %arg11[%swap3A_942, %swap3A_943], %swap3A_946 {strides = array<i32>} : memref<160x64xf32, #tpu.memory_space<vmem>>, vector<1x16xf32>,
        %get3A_947 = arith.index_cast %add3A_930 : i32 to index
        %get3A_948 = arith.constant 16 : index
        %get3A_949 = tpu.vector_load %arg9[%get3A_947, %get3A_948] {strides = array<i32>} : memref<160x128xf32, #tpu.memory_space<vmem>>, vector<1x16xf32>,
        %get3A_950 = vector.shape_cast %get3A_949 : vector<1x16xf32> to vector<16xf32>
        %get3A_951 = arith.index_cast %add3A_930 : i32 to index
        %get3A_952 = arith.constant 80 : index
        %get3A_953 = tpu.vector_load %arg9[%get3A_951, %get3A_952] {strides = array<i32>} : memref<160x128xf32, #tpu.memory_space<vmem>>, vector<1x16xf32>,
        %get3A_954 = vector.shape_cast %get3A_953 : vector<1x16xf32> to vector<16xf32>
        %mul3A_955 = vector.broadcast %squeeze3A_926 : f32 to vector<16xf32>
        %mul3A_956 = arith.mulf %mul3A_955, %get3A_954 : vector<16xf32>
        %add3A_957 = arith.addf %get3A_950, %mul3A_956 : vector<16xf32>
        %swap3A_958 = arith.index_cast %add3A_930 : i32 to index
        %swap3A_959 = arith.constant 16 : index
        %swap3A_960 = tpu.vector_load %arg11[%swap3A_958, %swap3A_959] {strides = array<i32>} : memref<160x64xf32, #tpu.memory_space<vmem>>, vector<1x16xf32>,
        %swap3A_961 = vector.shape_cast %swap3A_960 : vector<1x16xf32> to vector<16xf32>
        %swap3A_962 = vector.shape_cast %add3A_957 : vector<16xf32> to vector<1x16xf32>
        tpu.vector_store %arg11[%swap3A_958, %swap3A_959], %swap3A_962 {strides = array<i32>} : memref<160x64xf32, #tpu.memory_space<vmem>>, vector<1x16xf32>,
        %get3A_963 = arith.index_cast %add3A_930 : i32 to index
        %get3A_964 = arith.constant 32 : index
        %get3A_965 = tpu.vector_load %arg9[%get3A_963, %get3A_964] {strides = array<i32>} : memref<160x128xf32, #tpu.memory_space<vmem>>, vector<1x16xf32>,
        %get3A_966 = vector.shape_cast %get3A_965 : vector<1x16xf32> to vector<16xf32>
        %get3A_967 = arith.index_cast %add3A_930 : i32 to index
        %get3A_968 = arith.constant 96 : index
        %get3A_969 = tpu.vector_load %arg9[%get3A_967, %get3A_968] {strides = array<i32>} : memref<160x128xf32, #tpu.memory_space<vmem>>, vector<1x16xf32>,
        %get3A_970 = vector.shape_cast %get3A_969 : vector<1x16xf32> to vector<16xf32>
        %mul3A_971 = vector.broadcast %squeeze3A_926 : f32 to vector<16xf32>
        %mul3A_972 = arith.mulf %mul3A_971, %get3A_970 : vector<16xf32>
        %add3A_973 = arith.addf %get3A_966, %mul3A_972 : vector<16xf32>
        %swap3A_974 = arith.index_cast %add3A_930 : i32 to index
        %swap3A_975 = arith.constant 32 : index
        %swap3A_976 = tpu.vector_load %arg11[%swap3A_974, %swap3A_975] {strides = array<i32>} : memref<160x64xf32, #tpu.memory_space<vmem>>, vector<1x16xf32>,
        %swap3A_977 = vector.shape_cast %swap3A_976 : vector<1x16xf32> to vector<16xf32>
        %swap3A_978 = vector.shape_cast %add3A_973 : vector<16xf32> to vector<1x16xf32>
        tpu.vector_store %arg11[%swap3A_974, %swap3A_975], %swap3A_978 {strides = array<i32>} : memref<160x64xf32, #tpu.memory_space<vmem>>, vector<1x16xf32>,
        %get3A_979 = arith.index_cast %add3A_930 : i32 to index
        %get3A_980 = arith.constant 48 : index
        %get3A_981 = tpu.vector_load %arg9[%get3A_979, %get3A_980] {strides = array<i32>} : memref<160x128xf32, #tpu.memory_space<vmem>>, vector<1x16xf32>,
        %get3A_982 = vector.shape_cast %get3A_981 : vector<1x16xf32> to vector<16xf32>
        %get3A_983 = arith.index_cast %add3A_930 : i32 to index
        %get3A_984 = arith.constant 112 : index
        %get3A_985 = tpu.vector_load %arg9[%get3A_983, %get3A_984] {strides = array<i32>} : memref<160x128xf32, #tpu.memory_space<vmem>>, vector<1x16xf32>,
        %get3A_986 = vector.shape_cast %get3A_985 : vector<1x16xf32> to vector<16xf32>
        %mul3A_987 = vector.broadcast %squeeze3A_926 : f32 to vector<16xf32>
        %mul3A_988 = arith.mulf %mul3A_987, %get3A_986 : vector<16xf32>
        %add3A_989 = arith.addf %get3A_982, %mul3A_988 : vector<16xf32>
        %swap3A_990 = arith.index_cast %add3A_930 : i32 to index
        %swap3A_991 = arith.constant 48 : index
        %swap3A_992 = tpu.vector_load %arg11[%swap3A_990, %swap3A_991] {strides = array<i32>} : memref<160x64xf32, #tpu.memory_space<vmem>>, vector<1x16xf32>,
        %swap3A_993 = vector.shape_cast %swap3A_992 : vector<1x16xf32> to vector<16xf32>
        %swap3A_994 = vector.shape_cast %add3A_989 : vector<16xf32> to vector<1x16xf32>
        tpu.vector_store %arg11[%swap3A_990, %swap3A_991], %swap3A_994 {strides = array<i32>} : memref<160x64xf32, #tpu.memory_space<vmem>>, vector<1x16xf32>,
        %slice3A_995 = vector.extract_strided_slice %get3A_157 {offsets = [12], sizes = [1], strides = [1]} : vector<16xf32> to vector<1xf32>
        %squeeze3A_996 = vector.extract %slice3A_995[0] : f32 from vector<1xf32>
        %mul3A_997 = arith.constant 16 : i32
        %mul3A_998 = arith.muli %scan3A_151, %mul3A_997 : i32
        %add3A_999 = arith.constant 12 : i32
        %add3A_1000 = arith.addi %mul3A_998, %add3A_999 : i32
        %get3A_1001 = arith.index_cast %add3A_1000 : i32 to index
        %get3A_1002 = arith.constant 0 : index
        %get3A_1003 = tpu.vector_load %arg9[%get3A_1001, %get3A_1002] {strides = array<i32>} : memref<160x128xf32, #tpu.memory_space<vmem>>, vector<1x16xf32>,
        %get3A_1004 = vector.shape_cast %get3A_1003 : vector<1x16xf32> to vector<16xf32>
        %get3A_1005 = arith.index_cast %add3A_1000 : i32 to index
        %get3A_1006 = arith.constant 64 : index
        %get3A_1007 = tpu.vector_load %arg9[%get3A_1005, %get3A_1006] {strides = array<i32>} : memref<160x128xf32, #tpu.memory_space<vmem>>, vector<1x16xf32>,
        %get3A_1008 = vector.shape_cast %get3A_1007 : vector<1x16xf32> to vector<16xf32>
        %mul3A_1009 = vector.broadcast %squeeze3A_996 : f32 to vector<16xf32>
        %mul3A_1010 = arith.mulf %mul3A_1009, %get3A_1008 : vector<16xf32>
        %add3A_1011 = arith.addf %get3A_1004, %mul3A_1010 : vector<16xf32>
        %swap3A_1012 = arith.index_cast %add3A_1000 : i32 to index
        %swap3A_1013 = arith.constant 0 : index
        %swap3A_1014 = tpu.vector_load %arg11[%swap3A_1012, %swap3A_1013] {strides = array<i32>} : memref<160x64xf32, #tpu.memory_space<vmem>>, vector<1x16xf32>,
        %swap3A_1015 = vector.shape_cast %swap3A_1014 : vector<1x16xf32> to vector<16xf32>
        %swap3A_1016 = vector.shape_cast %add3A_1011 : vector<16xf32> to vector<1x16xf32>
        tpu.vector_store %arg11[%swap3A_1012, %swap3A_1013], %swap3A_1016 {strides = array<i32>} : memref<160x64xf32, #tpu.memory_space<vmem>>, vector<1x16xf32>,
        %get3A_1017 = arith.index_cast %add3A_1000 : i32 to index
        %get3A_1018 = arith.constant 16 : index
        %get3A_1019 = tpu.vector_load %arg9[%get3A_1017, %get3A_1018] {strides = array<i32>} : memref<160x128xf32, #tpu.memory_space<vmem>>, vector<1x16xf32>,
        %get3A_1020 = vector.shape_cast %get3A_1019 : vector<1x16xf32> to vector<16xf32>
        %get3A_1021 = arith.index_cast %add3A_1000 : i32 to index
        %get3A_1022 = arith.constant 80 : index
        %get3A_1023 = tpu.vector_load %arg9[%get3A_1021, %get3A_1022] {strides = array<i32>} : memref<160x128xf32, #tpu.memory_space<vmem>>, vector<1x16xf32>,
        %get3A_1024 = vector.shape_cast %get3A_1023 : vector<1x16xf32> to vector<16xf32>
        %mul3A_1025 = vector.broadcast %squeeze3A_996 : f32 to vector<16xf32>
        %mul3A_1026 = arith.mulf %mul3A_1025, %get3A_1024 : vector<16xf32>
        %add3A_1027 = arith.addf %get3A_1020, %mul3A_1026 : vector<16xf32>
        %swap3A_1028 = arith.index_cast %add3A_1000 : i32 to index
        %swap3A_1029 = arith.constant 16 : index
        %swap3A_1030 = tpu.vector_load %arg11[%swap3A_1028, %swap3A_1029] {strides = array<i32>} : memref<160x64xf32, #tpu.memory_space<vmem>>, vector<1x16xf32>,
        %swap3A_1031 = vector.shape_cast %swap3A_1030 : vector<1x16xf32> to vector<16xf32>
        %swap3A_1032 = vector.shape_cast %add3A_1027 : vector<16xf32> to vector<1x16xf32>
        tpu.vector_store %arg11[%swap3A_1028, %swap3A_1029], %swap3A_1032 {strides = array<i32>} : memref<160x64xf32, #tpu.memory_space<vmem>>, vector<1x16xf32>,
        %get3A_1033 = arith.index_cast %add3A_1000 : i32 to index
        %get3A_1034 = arith.constant 32 : index
        %get3A_1035 = tpu.vector_load %arg9[%get3A_1033, %get3A_1034] {strides = array<i32>} : memref<160x128xf32, #tpu.memory_space<vmem>>, vector<1x16xf32>,
        %get3A_1036 = vector.shape_cast %get3A_1035 : vector<1x16xf32> to vector<16xf32>
        %get3A_1037 = arith.index_cast %add3A_1000 : i32 to index
        %get3A_1038 = arith.constant 96 : index
        %get3A_1039 = tpu.vector_load %arg9[%get3A_1037, %get3A_1038] {strides = array<i32>} : memref<160x128xf32, #tpu.memory_space<vmem>>, vector<1x16xf32>,
        %get3A_1040 = vector.shape_cast %get3A_1039 : vector<1x16xf32> to vector<16xf32>
        %mul3A_1041 = vector.broadcast %squeeze3A_996 : f32 to vector<16xf32>
        %mul3A_1042 = arith.mulf %mul3A_1041, %get3A_1040 : vector<16xf32>
        %add3A_1043 = arith.addf %get3A_1036, %mul3A_1042 : vector<16xf32>
        %swap3A_1044 = arith.index_cast %add3A_1000 : i32 to index
        %swap3A_1045 = arith.constant 32 : index
        %swap3A_1046 = tpu.vector_load %arg11[%swap3A_1044, %swap3A_1045] {strides = array<i32>} : memref<160x64xf32, #tpu.memory_space<vmem>>, vector<1x16xf32>,
        %swap3A_1047 = vector.shape_cast %swap3A_1046 : vector<1x16xf32> to vector<16xf32>
        %swap3A_1048 = vector.shape_cast %add3A_1043 : vector<16xf32> to vector<1x16xf32>
        tpu.vector_store %arg11[%swap3A_1044, %swap3A_1045], %swap3A_1048 {strides = array<i32>} : memref<160x64xf32, #tpu.memory_space<vmem>>, vector<1x16xf32>,
        %get3A_1049 = arith.index_cast %add3A_1000 : i32 to index
        %get3A_1050 = arith.constant 48 : index
        %get3A_1051 = tpu.vector_load %arg9[%get3A_1049, %get3A_1050] {strides = array<i32>} : memref<160x128xf32, #tpu.memory_space<vmem>>, vector<1x16xf32>,
        %get3A_1052 = vector.shape_cast %get3A_1051 : vector<1x16xf32> to vector<16xf32>
        %get3A_1053 = arith.index_cast %add3A_1000 : i32 to index
        %get3A_1054 = arith.constant 112 : index
        %get3A_1055 = tpu.vector_load %arg9[%get3A_1053, %get3A_1054] {strides = array<i32>} : memref<160x128xf32, #tpu.memory_space<vmem>>, vector<1x16xf32>,
        %get3A_1056 = vector.shape_cast %get3A_1055 : vector<1x16xf32> to vector<16xf32>
        %mul3A_1057 = vector.broadcast %squeeze3A_996 : f32 to vector<16xf32>
        %mul3A_1058 = arith.mulf %mul3A_1057, %get3A_1056 : vector<16xf32>
        %add3A_1059 = arith.addf %get3A_1052, %mul3A_1058 : vector<16xf32>
        %swap3A_1060 = arith.index_cast %add3A_1000 : i32 to index
        %swap3A_1061 = arith.constant 48 : index
        %swap3A_1062 = tpu.vector_load %arg11[%swap3A_1060, %swap3A_1061] {strides = array<i32>} : memref<160x64xf32, #tpu.memory_space<vmem>>, vector<1x16xf32>,
        %swap3A_1063 = vector.shape_cast %swap3A_1062 : vector<1x16xf32> to vector<16xf32>
        %swap3A_1064 = vector.shape_cast %add3A_1059 : vector<16xf32> to vector<1x16xf32>
        tpu.vector_store %arg11[%swap3A_1060, %swap3A_1061], %swap3A_1064 {strides = array<i32>} : memref<160x64xf32, #tpu.memory_space<vmem>>, vector<1x16xf32>,
        %slice3A_1065 = vector.extract_strided_slice %get3A_157 {offsets = [13], sizes = [1], strides = [1]} : vector<16xf32> to vector<1xf32>
        %squeeze3A_1066 = vector.extract %slice3A_1065[0] : f32 from vector<1xf32>
        %mul3A_1067 = arith.constant 16 : i32
        %mul3A_1068 = arith.muli %scan3A_151, %mul3A_1067 : i32
        %add3A_1069 = arith.constant 13 : i32
        %add3A_1070 = arith.addi %mul3A_1068, %add3A_1069 : i32
        %get3A_1071 = arith.index_cast %add3A_1070 : i32 to index
        %get3A_1072 = arith.constant 0 : index
        %get3A_1073 = tpu.vector_load %arg9[%get3A_1071, %get3A_1072] {strides = array<i32>} : memref<160x128xf32, #tpu.memory_space<vmem>>, vector<1x16xf32>,
        %get3A_1074 = vector.shape_cast %get3A_1073 : vector<1x16xf32> to vector<16xf32>
        %get3A_1075 = arith.index_cast %add3A_1070 : i32 to index
        %get3A_1076 = arith.constant 64 : index
        %get3A_1077 = tpu.vector_load %arg9[%get3A_1075, %get3A_1076] {strides = array<i32>} : memref<160x128xf32, #tpu.memory_space<vmem>>, vector<1x16xf32>,
        %get3A_1078 = vector.shape_cast %get3A_1077 : vector<1x16xf32> to vector<16xf32>
        %mul3A_1079 = vector.broadcast %squeeze3A_1066 : f32 to vector<16xf32>
        %mul3A_1080 = arith.mulf %mul3A_1079, %get3A_1078 : vector<16xf32>
        %add3A_1081 = arith.addf %get3A_1074, %mul3A_1080 : vector<16xf32>
        %swap3A_1082 = arith.index_cast %add3A_1070 : i32 to index
        %swap3A_1083 = arith.constant 0 : index
        %swap3A_1084 = tpu.vector_load %arg11[%swap3A_1082, %swap3A_1083] {strides = array<i32>} : memref<160x64xf32, #tpu.memory_space<vmem>>, vector<1x16xf32>,
        %swap3A_1085 = vector.shape_cast %swap3A_1084 : vector<1x16xf32> to vector<16xf32>
        %swap3A_1086 = vector.shape_cast %add3A_1081 : vector<16xf32> to vector<1x16xf32>
        tpu.vector_store %arg11[%swap3A_1082, %swap3A_1083], %swap3A_1086 {strides = array<i32>} : memref<160x64xf32, #tpu.memory_space<vmem>>, vector<1x16xf32>,
        %get3A_1087 = arith.index_cast %add3A_1070 : i32 to index
        %get3A_1088 = arith.constant 16 : index
        %get3A_1089 = tpu.vector_load %arg9[%get3A_1087, %get3A_1088] {strides = array<i32>} : memref<160x128xf32, #tpu.memory_space<vmem>>, vector<1x16xf32>,
        %get3A_1090 = vector.shape_cast %get3A_1089 : vector<1x16xf32> to vector<16xf32>
        %get3A_1091 = arith.index_cast %add3A_1070 : i32 to index
        %get3A_1092 = arith.constant 80 : index
        %get3A_1093 = tpu.vector_load %arg9[%get3A_1091, %get3A_1092] {strides = array<i32>} : memref<160x128xf32, #tpu.memory_space<vmem>>, vector<1x16xf32>,
        %get3A_1094 = vector.shape_cast %get3A_1093 : vector<1x16xf32> to vector<16xf32>
        %mul3A_1095 = vector.broadcast %squeeze3A_1066 : f32 to vector<16xf32>
        %mul3A_1096 = arith.mulf %mul3A_1095, %get3A_1094 : vector<16xf32>
        %add3A_1097 = arith.addf %get3A_1090, %mul3A_1096 : vector<16xf32>
        %swap3A_1098 = arith.index_cast %add3A_1070 : i32 to index
        %swap3A_1099 = arith.constant 16 : index
        %swap3A_1100 = tpu.vector_load %arg11[%swap3A_1098, %swap3A_1099] {strides = array<i32>} : memref<160x64xf32, #tpu.memory_space<vmem>>, vector<1x16xf32>,
        %swap3A_1101 = vector.shape_cast %swap3A_1100 : vector<1x16xf32> to vector<16xf32>
        %swap3A_1102 = vector.shape_cast %add3A_1097 : vector<16xf32> to vector<1x16xf32>
        tpu.vector_store %arg11[%swap3A_1098, %swap3A_1099], %swap3A_1102 {strides = array<i32>} : memref<160x64xf32, #tpu.memory_space<vmem>>, vector<1x16xf32>,
        %get3A_1103 = arith.index_cast %add3A_1070 : i32 to index
        %get3A_1104 = arith.constant 32 : index
        %get3A_1105 = tpu.vector_load %arg9[%get3A_1103, %get3A_1104] {strides = array<i32>} : memref<160x128xf32, #tpu.memory_space<vmem>>, vector<1x16xf32>,
        %get3A_1106 = vector.shape_cast %get3A_1105 : vector<1x16xf32> to vector<16xf32>
        %get3A_1107 = arith.index_cast %add3A_1070 : i32 to index
        %get3A_1108 = arith.constant 96 : index
        %get3A_1109 = tpu.vector_load %arg9[%get3A_1107, %get3A_1108] {strides = array<i32>} : memref<160x128xf32, #tpu.memory_space<vmem>>, vector<1x16xf32>,
        %get3A_1110 = vector.shape_cast %get3A_1109 : vector<1x16xf32> to vector<16xf32>
        %mul3A_1111 = vector.broadcast %squeeze3A_1066 : f32 to vector<16xf32>
        %mul3A_1112 = arith.mulf %mul3A_1111, %get3A_1110 : vector<16xf32>
        %add3A_1113 = arith.addf %get3A_1106, %mul3A_1112 : vector<16xf32>
        %swap3A_1114 = arith.index_cast %add3A_1070 : i32 to index
        %swap3A_1115 = arith.constant 32 : index
        %swap3A_1116 = tpu.vector_load %arg11[%swap3A_1114, %swap3A_1115] {strides = array<i32>} : memref<160x64xf32, #tpu.memory_space<vmem>>, vector<1x16xf32>,
        %swap3A_1117 = vector.shape_cast %swap3A_1116 : vector<1x16xf32> to vector<16xf32>
        %swap3A_1118 = vector.shape_cast %add3A_1113 : vector<16xf32> to vector<1x16xf32>
        tpu.vector_store %arg11[%swap3A_1114, %swap3A_1115], %swap3A_1118 {strides = array<i32>} : memref<160x64xf32, #tpu.memory_space<vmem>>, vector<1x16xf32>,
        %get3A_1119 = arith.index_cast %add3A_1070 : i32 to index
        %get3A_1120 = arith.constant 48 : index
        %get3A_1121 = tpu.vector_load %arg9[%get3A_1119, %get3A_1120] {strides = array<i32>} : memref<160x128xf32, #tpu.memory_space<vmem>>, vector<1x16xf32>,
        %get3A_1122 = vector.shape_cast %get3A_1121 : vector<1x16xf32> to vector<16xf32>
        %get3A_1123 = arith.index_cast %add3A_1070 : i32 to index
        %get3A_1124 = arith.constant 112 : index
        %get3A_1125 = tpu.vector_load %arg9[%get3A_1123, %get3A_1124] {strides = array<i32>} : memref<160x128xf32, #tpu.memory_space<vmem>>, vector<1x16xf32>,
        %get3A_1126 = vector.shape_cast %get3A_1125 : vector<1x16xf32> to vector<16xf32>
        %mul3A_1127 = vector.broadcast %squeeze3A_1066 : f32 to vector<16xf32>
        %mul3A_1128 = arith.mulf %mul3A_1127, %get3A_1126 : vector<16xf32>
        %add3A_1129 = arith.addf %get3A_1122, %mul3A_1128 : vector<16xf32>
        %swap3A_1130 = arith.index_cast %add3A_1070 : i32 to index
        %swap3A_1131 = arith.constant 48 : index
        %swap3A_1132 = tpu.vector_load %arg11[%swap3A_1130, %swap3A_1131] {strides = array<i32>} : memref<160x64xf32, #tpu.memory_space<vmem>>, vector<1x16xf32>,
        %swap3A_1133 = vector.shape_cast %swap3A_1132 : vector<1x16xf32> to vector<16xf32>
        %swap3A_1134 = vector.shape_cast %add3A_1129 : vector<16xf32> to vector<1x16xf32>
        tpu.vector_store %arg11[%swap3A_1130, %swap3A_1131], %swap3A_1134 {strides = array<i32>} : memref<160x64xf32, #tpu.memory_space<vmem>>, vector<1x16xf32>,
        %slice3A_1135 = vector.extract_strided_slice %get3A_157 {offsets = [14], sizes = [1], strides = [1]} : vector<16xf32> to vector<1xf32>
        %squeeze3A_1136 = vector.extract %slice3A_1135[0] : f32 from vector<1xf32>
        %mul3A_1137 = arith.constant 16 : i32
        %mul3A_1138 = arith.muli %scan3A_151, %mul3A_1137 : i32
        %add3A_1139 = arith.constant 14 : i32
        %add3A_1140 = arith.addi %mul3A_1138, %add3A_1139 : i32
        %get3A_1141 = arith.index_cast %add3A_1140 : i32 to index
        %get3A_1142 = arith.constant 0 : index
        %get3A_1143 = tpu.vector_load %arg9[%get3A_1141, %get3A_1142] {strides = array<i32>} : memref<160x128xf32, #tpu.memory_space<vmem>>, vector<1x16xf32>,
        %get3A_1144 = vector.shape_cast %get3A_1143 : vector<1x16xf32> to vector<16xf32>
        %get3A_1145 = arith.index_cast %add3A_1140 : i32 to index
        %get3A_1146 = arith.constant 64 : index
        %get3A_1147 = tpu.vector_load %arg9[%get3A_1145, %get3A_1146] {strides = array<i32>} : memref<160x128xf32, #tpu.memory_space<vmem>>, vector<1x16xf32>,
        %get3A_1148 = vector.shape_cast %get3A_1147 : vector<1x16xf32> to vector<16xf32>
        %mul3A_1149 = vector.broadcast %squeeze3A_1136 : f32 to vector<16xf32>
        %mul3A_1150 = arith.mulf %mul3A_1149, %get3A_1148 : vector<16xf32>
        %add3A_1151 = arith.addf %get3A_1144, %mul3A_1150 : vector<16xf32>
        %swap3A_1152 = arith.index_cast %add3A_1140 : i32 to index
        %swap3A_1153 = arith.constant 0 : index
        %swap3A_1154 = tpu.vector_load %arg11[%swap3A_1152, %swap3A_1153] {strides = array<i32>} : memref<160x64xf32, #tpu.memory_space<vmem>>, vector<1x16xf32>,
        %swap3A_1155 = vector.shape_cast %swap3A_1154 : vector<1x16xf32> to vector<16xf32>
        %swap3A_1156 = vector.shape_cast %add3A_1151 : vector<16xf32> to vector<1x16xf32>
        tpu.vector_store %arg11[%swap3A_1152, %swap3A_1153], %swap3A_1156 {strides = array<i32>} : memref<160x64xf32, #tpu.memory_space<vmem>>, vector<1x16xf32>,
        %get3A_1157 = arith.index_cast %add3A_1140 : i32 to index
        %get3A_1158 = arith.constant 16 : index
        %get3A_1159 = tpu.vector_load %arg9[%get3A_1157, %get3A_1158] {strides = array<i32>} : memref<160x128xf32, #tpu.memory_space<vmem>>, vector<1x16xf32>,
        %get3A_1160 = vector.shape_cast %get3A_1159 : vector<1x16xf32> to vector<16xf32>
        %get3A_1161 = arith.index_cast %add3A_1140 : i32 to index
        %get3A_1162 = arith.constant 80 : index
        %get3A_1163 = tpu.vector_load %arg9[%get3A_1161, %get3A_1162] {strides = array<i32>} : memref<160x128xf32, #tpu.memory_space<vmem>>, vector<1x16xf32>,
        %get3A_1164 = vector.shape_cast %get3A_1163 : vector<1x16xf32> to vector<16xf32>
        %mul3A_1165 = vector.broadcast %squeeze3A_1136 : f32 to vector<16xf32>
        %mul3A_1166 = arith.mulf %mul3A_1165, %get3A_1164 : vector<16xf32>
        %add3A_1167 = arith.addf %get3A_1160, %mul3A_1166 : vector<16xf32>
        %swap3A_1168 = arith.index_cast %add3A_1140 : i32 to index
        %swap3A_1169 = arith.constant 16 : index
        %swap3A_1170 = tpu.vector_load %arg11[%swap3A_1168, %swap3A_1169] {strides = array<i32>} : memref<160x64xf32, #tpu.memory_space<vmem>>, vector<1x16xf32>,
        %swap3A_1171 = vector.shape_cast %swap3A_1170 : vector<1x16xf32> to vector<16xf32>
        %swap3A_1172 = vector.shape_cast %add3A_1167 : vector<16xf32> to vector<1x16xf32>
        tpu.vector_store %arg11[%swap3A_1168, %swap3A_1169], %swap3A_1172 {strides = array<i32>} : memref<160x64xf32, #tpu.memory_space<vmem>>, vector<1x16xf32>,
        %get3A_1173 = arith.index_cast %add3A_1140 : i32 to index
        %get3A_1174 = arith.constant 32 : index
        %get3A_1175 = tpu.vector_load %arg9[%get3A_1173, %get3A_1174] {strides = array<i32>} : memref<160x128xf32, #tpu.memory_space<vmem>>, vector<1x16xf32>,
        %get3A_1176 = vector.shape_cast %get3A_1175 : vector<1x16xf32> to vector<16xf32>
        %get3A_1177 = arith.index_cast %add3A_1140 : i32 to index
        %get3A_1178 = arith.constant 96 : index
        %get3A_1179 = tpu.vector_load %arg9[%get3A_1177, %get3A_1178] {strides = array<i32>} : memref<160x128xf32, #tpu.memory_space<vmem>>, vector<1x16xf32>,
        %get3A_1180 = vector.shape_cast %get3A_1179 : vector<1x16xf32> to vector<16xf32>
        %mul3A_1181 = vector.broadcast %squeeze3A_1136 : f32 to vector<16xf32>
        %mul3A_1182 = arith.mulf %mul3A_1181, %get3A_1180 : vector<16xf32>
        %add3A_1183 = arith.addf %get3A_1176, %mul3A_1182 : vector<16xf32>
        %swap3A_1184 = arith.index_cast %add3A_1140 : i32 to index
        %swap3A_1185 = arith.constant 32 : index
        %swap3A_1186 = tpu.vector_load %arg11[%swap3A_1184, %swap3A_1185] {strides = array<i32>} : memref<160x64xf32, #tpu.memory_space<vmem>>, vector<1x16xf32>,
        %swap3A_1187 = vector.shape_cast %swap3A_1186 : vector<1x16xf32> to vector<16xf32>
        %swap3A_1188 = vector.shape_cast %add3A_1183 : vector<16xf32> to vector<1x16xf32>
        tpu.vector_store %arg11[%swap3A_1184, %swap3A_1185], %swap3A_1188 {strides = array<i32>} : memref<160x64xf32, #tpu.memory_space<vmem>>, vector<1x16xf32>,
        %get3A_1189 = arith.index_cast %add3A_1140 : i32 to index
        %get3A_1190 = arith.constant 48 : index
        %get3A_1191 = tpu.vector_load %arg9[%get3A_1189, %get3A_1190] {strides = array<i32>} : memref<160x128xf32, #tpu.memory_space<vmem>>, vector<1x16xf32>,
        %get3A_1192 = vector.shape_cast %get3A_1191 : vector<1x16xf32> to vector<16xf32>
        %get3A_1193 = arith.index_cast %add3A_1140 : i32 to index
        %get3A_1194 = arith.constant 112 : index
        %get3A_1195 = tpu.vector_load %arg9[%get3A_1193, %get3A_1194] {strides = array<i32>} : memref<160x128xf32, #tpu.memory_space<vmem>>, vector<1x16xf32>,
        %get3A_1196 = vector.shape_cast %get3A_1195 : vector<1x16xf32> to vector<16xf32>
        %mul3A_1197 = vector.broadcast %squeeze3A_1136 : f32 to vector<16xf32>
        %mul3A_1198 = arith.mulf %mul3A_1197, %get3A_1196 : vector<16xf32>
        %add3A_1199 = arith.addf %get3A_1192, %mul3A_1198 : vector<16xf32>
        %swap3A_1200 = arith.index_cast %add3A_1140 : i32 to index
        %swap3A_1201 = arith.constant 48 : index
        %swap3A_1202 = tpu.vector_load %arg11[%swap3A_1200, %swap3A_1201] {strides = array<i32>} : memref<160x64xf32, #tpu.memory_space<vmem>>, vector<1x16xf32>,
        %swap3A_1203 = vector.shape_cast %swap3A_1202 : vector<1x16xf32> to vector<16xf32>
        %swap3A_1204 = vector.shape_cast %add3A_1199 : vector<16xf32> to vector<1x16xf32>
        tpu.vector_store %arg11[%swap3A_1200, %swap3A_1201], %swap3A_1204 {strides = array<i32>} : memref<160x64xf32, #tpu.memory_space<vmem>>, vector<1x16xf32>,
        %slice3A_1205 = vector.extract_strided_slice %get3A_157 {offsets = [15], sizes = [1], strides = [1]} : vector<16xf32> to vector<1xf32>
        %squeeze3A_1206 = vector.extract %slice3A_1205[0] : f32 from vector<1xf32>
        %mul3A_1207 = arith.constant 16 : i32
        %mul3A_1208 = arith.muli %scan3A_151, %mul3A_1207 : i32
        %add3A_1209 = arith.constant 15 : i32
        %add3A_1210 = arith.addi %mul3A_1208, %add3A_1209 : i32
        %get3A_1211 = arith.index_cast %add3A_1210 : i32 to index
        %get3A_1212 = arith.constant 0 : index
        %get3A_1213 = tpu.vector_load %arg9[%get3A_1211, %get3A_1212] {strides = array<i32>} : memref<160x128xf32, #tpu.memory_space<vmem>>, vector<1x16xf32>,
        %get3A_1214 = vector.shape_cast %get3A_1213 : vector<1x16xf32> to vector<16xf32>
        %get3A_1215 = arith.index_cast %add3A_1210 : i32 to index
        %get3A_1216 = arith.constant 64 : index
        %get3A_1217 = tpu.vector_load %arg9[%get3A_1215, %get3A_1216] {strides = array<i32>} : memref<160x128xf32, #tpu.memory_space<vmem>>, vector<1x16xf32>,
        %get3A_1218 = vector.shape_cast %get3A_1217 : vector<1x16xf32> to vector<16xf32>
        %mul3A_1219 = vector.broadcast %squeeze3A_1206 : f32 to vector<16xf32>
        %mul3A_1220 = arith.mulf %mul3A_1219, %get3A_1218 : vector<16xf32>
        %add3A_1221 = arith.addf %get3A_1214, %mul3A_1220 : vector<16xf32>
        %swap3A_1222 = arith.index_cast %add3A_1210 : i32 to index
        %swap3A_1223 = arith.constant 0 : index
        %swap3A_1224 = tpu.vector_load %arg11[%swap3A_1222, %swap3A_1223] {strides = array<i32>} : memref<160x64xf32, #tpu.memory_space<vmem>>, vector<1x16xf32>,
        %swap3A_1225 = vector.shape_cast %swap3A_1224 : vector<1x16xf32> to vector<16xf32>
        %swap3A_1226 = vector.shape_cast %add3A_1221 : vector<16xf32> to vector<1x16xf32>
        tpu.vector_store %arg11[%swap3A_1222, %swap3A_1223], %swap3A_1226 {strides = array<i32>} : memref<160x64xf32, #tpu.memory_space<vmem>>, vector<1x16xf32>,
        %get3A_1227 = arith.index_cast %add3A_1210 : i32 to index
        %get3A_1228 = arith.constant 16 : index
        %get3A_1229 = tpu.vector_load %arg9[%get3A_1227, %get3A_1228] {strides = array<i32>} : memref<160x128xf32, #tpu.memory_space<vmem>>, vector<1x16xf32>,
        %get3A_1230 = vector.shape_cast %get3A_1229 : vector<1x16xf32> to vector<16xf32>
        %get3A_1231 = arith.index_cast %add3A_1210 : i32 to index
        %get3A_1232 = arith.constant 80 : index
        %get3A_1233 = tpu.vector_load %arg9[%get3A_1231, %get3A_1232] {strides = array<i32>} : memref<160x128xf32, #tpu.memory_space<vmem>>, vector<1x16xf32>,
        %get3A_1234 = vector.shape_cast %get3A_1233 : vector<1x16xf32> to vector<16xf32>
        %mul3A_1235 = vector.broadcast %squeeze3A_1206 : f32 to vector<16xf32>
        %mul3A_1236 = arith.mulf %mul3A_1235, %get3A_1234 : vector<16xf32>
        %add3A_1237 = arith.addf %get3A_1230, %mul3A_1236 : vector<16xf32>
        %swap3A_1238 = arith.index_cast %add3A_1210 : i32 to index
        %swap3A_1239 = arith.constant 16 : index
        %swap3A_1240 = tpu.vector_load %arg11[%swap3A_1238, %swap3A_1239] {strides = array<i32>} : memref<160x64xf32, #tpu.memory_space<vmem>>, vector<1x16xf32>,
        %swap3A_1241 = vector.shape_cast %swap3A_1240 : vector<1x16xf32> to vector<16xf32>
        %swap3A_1242 = vector.shape_cast %add3A_1237 : vector<16xf32> to vector<1x16xf32>
        tpu.vector_store %arg11[%swap3A_1238, %swap3A_1239], %swap3A_1242 {strides = array<i32>} : memref<160x64xf32, #tpu.memory_space<vmem>>, vector<1x16xf32>,
        %get3A_1243 = arith.index_cast %add3A_1210 : i32 to index
        %get3A_1244 = arith.constant 32 : index
        %get3A_1245 = tpu.vector_load %arg9[%get3A_1243, %get3A_1244] {strides = array<i32>} : memref<160x128xf32, #tpu.memory_space<vmem>>, vector<1x16xf32>,
        %get3A_1246 = vector.shape_cast %get3A_1245 : vector<1x16xf32> to vector<16xf32>
        %get3A_1247 = arith.index_cast %add3A_1210 : i32 to index
        %get3A_1248 = arith.constant 96 : index
        %get3A_1249 = tpu.vector_load %arg9[%get3A_1247, %get3A_1248] {strides = array<i32>} : memref<160x128xf32, #tpu.memory_space<vmem>>, vector<1x16xf32>,
        %get3A_1250 = vector.shape_cast %get3A_1249 : vector<1x16xf32> to vector<16xf32>
        %mul3A_1251 = vector.broadcast %squeeze3A_1206 : f32 to vector<16xf32>
        %mul3A_1252 = arith.mulf %mul3A_1251, %get3A_1250 : vector<16xf32>
        %add3A_1253 = arith.addf %get3A_1246, %mul3A_1252 : vector<16xf32>
        %swap3A_1254 = arith.index_cast %add3A_1210 : i32 to index
        %swap3A_1255 = arith.constant 32 : index
        %swap3A_1256 = tpu.vector_load %arg11[%swap3A_1254, %swap3A_1255] {strides = array<i32>} : memref<160x64xf32, #tpu.memory_space<vmem>>, vector<1x16xf32>,
        %swap3A_1257 = vector.shape_cast %swap3A_1256 : vector<1x16xf32> to vector<16xf32>
        %swap3A_1258 = vector.shape_cast %add3A_1253 : vector<16xf32> to vector<1x16xf32>
        tpu.vector_store %arg11[%swap3A_1254, %swap3A_1255], %swap3A_1258 {strides = array<i32>} : memref<160x64xf32, #tpu.memory_space<vmem>>, vector<1x16xf32>,
        %get3A_1259 = arith.index_cast %add3A_1210 : i32 to index
        %get3A_1260 = arith.constant 48 : index
        %get3A_1261 = tpu.vector_load %arg9[%get3A_1259, %get3A_1260] {strides = array<i32>} : memref<160x128xf32, #tpu.memory_space<vmem>>, vector<1x16xf32>,
        %get3A_1262 = vector.shape_cast %get3A_1261 : vector<1x16xf32> to vector<16xf32>
        %get3A_1263 = arith.index_cast %add3A_1210 : i32 to index
        %get3A_1264 = arith.constant 112 : index
        %get3A_1265 = tpu.vector_load %arg9[%get3A_1263, %get3A_1264] {strides = array<i32>} : memref<160x128xf32, #tpu.memory_space<vmem>>, vector<1x16xf32>,
        %get3A_1266 = vector.shape_cast %get3A_1265 : vector<1x16xf32> to vector<16xf32>
        %mul3A_1267 = vector.broadcast %squeeze3A_1206 : f32 to vector<16xf32>
        %mul3A_1268 = arith.mulf %mul3A_1267, %get3A_1266 : vector<16xf32>
        %add3A_1269 = arith.addf %get3A_1262, %mul3A_1268 : vector<16xf32>
        %swap3A_1270 = arith.index_cast %add3A_1210 : i32 to index
        %swap3A_1271 = arith.constant 48 : index
        %swap3A_1272 = tpu.vector_load %arg11[%swap3A_1270, %swap3A_1271] {strides = array<i32>} : memref<160x64xf32, #tpu.memory_space<vmem>>, vector<1x16xf32>,
        %swap3A_1273 = vector.shape_cast %swap3A_1272 : vector<1x16xf32> to vector<16xf32>
        %swap3A_1274 = vector.shape_cast %add3A_1269 : vector<16xf32> to vector<1x16xf32>
        tpu.vector_store %arg11[%swap3A_1270, %swap3A_1271], %swap3A_1274 {strides = array<i32>} : memref<160x64xf32, #tpu.memory_space<vmem>>, vector<1x16xf32>,
        %scan3A_1275 = arith.constant 0 : i32
        scf.yield %scan3A_1275 : i32
      }
      %scan3A_141 = arith.constant 10 : i32
      %mul3A_142 = arith.constant 160 : i32
      %mul3A_143 = arith.muli %add3A_96, %mul3A_142 : i32
      %add3A_144 = arith.addi %mul3A_2, %mul3A_143 : i32
      %multiple_of3A_145 = tpu.assume_multiple %add3A_144, 8 : i32
      %dma_start3A_146 = arith.constant 0 : i32
      %dma_start3A_147 = tpu.memref_slice %arg5[%multiple_of3A_145, %dma_start3A_146] : memref<409600x64xf32, #tpu.memory_space<hbm>> -> memref<160x64xf32, #tpu.memory_space<hbm>>
      %dma_start3A_148 = arith.constant 0 : i32
      %dma_start3A_149 = tpu.memref_slice %arg5[%multiple_of3A_145, %dma_start3A_148] : memref<409600x64xf32, #tpu.memory_space<hbm>> -> memref<160x64xf32, #tpu.memory_space<hbm>>
      tpu.enqueue_dma source(%arg11 : memref<160x64xf32, #tpu.memory_space<vmem>>) target(%dma_start3A_149 : memref<160x64xf32, #tpu.memory_space<hbm>>) target_semaphore(%arg15 : memref<!tpu.dma_semaphore, #tpu.memory_space<semaphore_mem>>)
      %scan3A_150 = arith.constant 0 : i32
      scf.yield %scan3A_150 : i32
    }
    %scan3A_24 = arith.constant 40 : i32
    %add3A_25 = arith.constant 12480 : i32
    %add3A_26 = arith.addi %mul3A_2, %add3A_25 : i32
    %multiple_of3A_27 = tpu.assume_multiple %add3A_26, 8 : i32
    %dma_wait3A = arith.constant 0 : i32
    %dma_wait3A_28 = tpu.memref_slice %arg5[%multiple_of3A_27, %dma_wait3A] : memref<409600x64xf32, #tpu.memory_space<hbm>> -> memref<160x64xf32, #tpu.memory_space<hbm>>
    %dma_wait3A_29 = arith.constant 0 : i32
    %dma_wait3A_30 = tpu.memref_slice %arg5[%multiple_of3A_27, %dma_wait3A_29] : memref<409600x64xf32, #tpu.memory_space<hbm>> -> memref<160x64xf32, #tpu.memory_space<hbm>>
    tpu.wait_dma2 semaphore(%arg14 : memref<!tpu.dma_semaphore, #tpu.memory_space<semaphore_mem>>) src(%arg10 : memref<160x64xf32, #tpu.memory_space<vmem>>) dst(%dma_wait3A_30 : memref<160x64xf32, #tpu.memory_space<hbm>>)
    %add3A_31 = arith.constant 12640 : i32
    %add3A_32 = arith.addi %mul3A_2, %add3A_31 : i32
    %multiple_of3A_33 = tpu.assume_multiple %add3A_32, 8 : i32
    %dma_wait3A_34 = arith.constant 0 : i32
    %dma_wait3A_35 = tpu.memref_slice %arg5[%multiple_of3A_33, %dma_wait3A_34] : memref<409600x64xf32, #tpu.memory_space<hbm>> -> memref<160x64xf32, #tpu.memory_space<hbm>>
    %dma_wait3A_36 = arith.constant 0 : i32
    %dma_wait3A_37 = tpu.memref_slice %arg5[%multiple_of3A_33, %dma_wait3A_36] : memref<409600x64xf32, #tpu.memory_space<hbm>> -> memref<160x64xf32, #tpu.memory_space<hbm>>
    tpu.wait_dma2 semaphore(%arg15 : memref<!tpu.dma_semaphore, #tpu.memory_space<semaphore_mem>>) src(%arg11 : memref<160x64xf32, #tpu.memory_space<vmem>>) dst(%dma_wait3A_37 : memref<160x64xf32, #tpu.memory_space<hbm>>)
    return
  }
}

</mosaic_0001>

<sc_bundles>
// kernel: _emb_lookup.3.cloned.1.call-start
scs
__scs_entry_jumppad:
0x0: {  	(pc) =	sbr.rel $0x88, $3  }
0x1: {  	(tag) =	ssettag $0x0;
	lr =	simm.s32 $0x1  }
0x2: {  	[smem:$0x3F9E] =	sst lr;
	_ =	strace $0xD0000000  }
0x3: {  	_ = 	snop  }
0x4: {  	_ = 	snop  }
0x5: {  	_ = 	snop  }
0x6: {  	_ = 	snop  }
0x7: {  	_ = 	snop  }
__scs_overlays_trampoline_lowered:
0x8: {  	[smem:$0x3FAD] =	sst s0  }
0x9: {  	[smem:$0x3FAE] =	sst s1  }
0xa: {  	[smem:$0x3FAF] =	sst s2  }
0xb: {  	[smem:$0x3FB0] =	sst s3  }
0xc: {  	[smem:$0x3FB1] =	sst s4  }
0xd: {  	[smem:$0x3FB2] =	sst s5  }
0xe: {  	[smem:$0x3FB3] =	sst s6  }
0xf: {  	[smem:$0x3FB4] =	sst s7  }
0x10: {  	[smem:$0x3FB5] =	sst s8  }
0x11: {  	[smem:$0x3FB6] =	sst s9;
	s0 =	simm.s32 @!p0 $0x0  }
0x12: {  	s1 =	sld [smem:$0x3F9C];
	s0 =	simm.s32 @p0 $0x1  }
0x13: {  	[smem:$0x3FB7] =	sst s0;
	s0 =	simm.s32 @!p1 $0x0  }
0x14: {  	s2 =	sld [smem:$0x3F9B];
	s0 =	simm.s32 @p1 $0x1  }
0x15: {  	[smem:$0x3FB8] =	sst s0;
	s0 =	simm.s32 @!p2 $0x0  }
0x16: {  	s3 =	sld [smem:$0x3FDB];
	s0 =	simm.s32 @p2 $0x1  }
0x17: {  	s4 =	simm.s32 $0x1BF5;
	[smem:$0x3FBA] =	sst s0  }
0x18: {  	s0 =	sld [smem:$0x3F9D];
	_ =	swait.ge [sflag:s4], $0x0  }
0x19: {  	s7 =	sld [smem:$0x3F9E]  }
0x1a: {  	s8 =	sadd.s32 $0xFFFFE003, lr  }
0x1b: {  	s9 =	sadd.s32 $0xFFFFFEF7, lr;
	s5 =	simm.s32 $0xFFFFFFFF;
	p2 =	slt.u32 s8, $0xFFFFF086  }
0x1c: {  	p1 =	slt.u32 s9, $0xF7A;
	s5 =	simm.s32 @!p2 $0x0  }
0x1d: {  	s5 =	simm.s32 @p1 $0x1;
	p0 =	seq.s32 s7, s2  }
0x1e: {  	s7 =	smul.u32 @!p0 $0xF7A, s2;
	p2 =	seq.s32 @!p0 s5, $0x0  }
0x1f: {  	s9 =	smul.u32 $0xF7A, s1;
	s8 =	simm.s32 @!p0 $0x1BF5;
	p2 =	por !p2, p0  }
0x20: {  	[sflag:s8] =	ssyncset.s32 @!p0 $0xFFFFF086;
	s6 =	sadd.s32 @!p0 s3, s7;
	s7 =	simm.s32 @!p0 $0x108  }
0x21: {  	s3 =	sadd.s32 s3, s9;
	s6 =	sadd.s32 @!p0 $0x88, s6;
	s7 =	simm.s32 @p2 $0x1082  }
0x22: {  	[simem:s7], [sflag:s8] =	dma.local @!p0 [hbm:s6], $0xF7A  }
0x23: {  	s9 =	sor.u32 $0xD0000000, s2;
	s6 =	simm.s32 $0x108;
	_ =	swait.ge @!p0 [sflag:s8], $0x0  }
0x24: {  	s3 =	sadd.s32 $0x88, s3;
	s6 =	simm.s32 @!p1 $0x1082;
	[sflag:s4] =	ssyncset.s32 $0xFFFFF086  }
0x25: {  	[simem:s6], [sflag:s4] =	dma.local [hbm:s3], $0xF7A  }
0x26: {  	[smem:$0x3F9E] =	sst s1;
	(tag) =	ssettag s2;
	_ =	strace s9  }
0x27: {  	s1 =	sld [smem:$0x3FAE]  }
0x28: {  	s2 =	sld [smem:$0x3FAF]  }
0x29: {  	s4 =	sld [smem:$0x3FB1]  }
0x2a: {  	p0 =	seq.s32 s5, $0x0;
	s5 =	sld [smem:$0x3FB2]  }
0x2b: {  	s6 =	sld [smem:$0x3FB3]  }
0x2c: {  	s7 =	sld [smem:$0x3FB4]  }
0x2d: {  	s3 =	simm.s32 $0x108;
	s8 =	sld [smem:$0x3FB5]  }
0x2e: {  	s3 =	simm.s32 @!p0 $0x1082;
	s9 =	sld [smem:$0x3FB6]  }
0x2f: {  	lr =	sadd.s32 s0, s3;
	s0 =	sld [smem:$0x3FAD]  }
0x30: {  	s3 =	sld [smem:$0x3FB0]  }
0x31: {  	[smem:$0x3FB9] =	sst s10  }
0x32: {  	s10 =	sld [smem:$0x3FB7];
	_ =	sdelay $0x3  }
0x33: {  	p0 =	seq.s32 s10, $0x1;
	s10 =	sld [smem:$0x3FB9];
	_ =	sdelay $0x3  }
0x34: {  	[smem:$0x3FB9] =	sst s10  }
0x35: {  	s10 =	sld [smem:$0x3FB8];
	_ =	sdelay $0x3  }
0x36: {  	p1 =	seq.s32 s10, $0x1;
	s10 =	sld [smem:$0x3FB9];
	_ =	sdelay $0x3  }
0x37: {  	[smem:$0x3FB9] =	sst s10  }
0x38: {  	s10 =	sld [smem:$0x3FBA]  }
0x39: {  	_ = 	snop;
	(pc) =	sbr.ind lr, $3  }
0x3a: {  	_ = 	snop  }
0x3b: {  	_ = 	snop  }
0x3c: {  	p2 =	seq.s32 s10, $0x1;
	s10 =	sld [smem:$0x3FB9]  }
0x3d: {  	_ =	shalt  }
0x3e: {  	_ =	shalt  }
0x3f: {  	_ =	shalt  }
0x40: {  	_ =	shalt  }
0x41: {  	_ =	shalt  }
0x42: {  	_ =	shalt  }
0x43: {  	_ =	shalt  }
0x44: {  	_ =	shalt  }
0x45: {  	_ =	shalt  }
0x46: {  	_ =	shalt  }
0x47: {  	_ =	shalt  }
0x48: {  	_ =	shalt  }
0x49: {  	_ =	shalt  }
0x4a: {  	_ =	shalt  }
0x4b: {  	_ =	shalt  }
0x4c: {  	_ =	shalt  }
0x4d: {  	_ =	shalt  }
0x4e: {  	_ =	shalt  }
0x4f: {  	_ =	shalt  }
0x50: {  	_ =	shalt  }
0x51: {  	_ =	shalt  }
0x52: {  	_ =	shalt  }
0x53: {  	_ =	shalt  }
0x54: {  	_ =	shalt  }
0x55: {  	_ =	shalt  }
0x56: {  	_ =	shalt  }
0x57: {  	_ =	shalt  }
0x58: {  	_ =	shalt  }
0x59: {  	_ =	shalt  }
0x5a: {  	_ =	shalt  }
0x5b: {  	_ =	shalt  }
0x5c: {  	_ =	shalt  }
0x5d: {  	_ =	shalt  }
0x5e: {  	_ =	shalt  }
0x5f: {  	_ =	shalt  }
0x60: {  	_ =	shalt  }
0x61: {  	_ =	shalt  }
0x62: {  	_ =	shalt  }
0x63: {  	_ =	shalt  }
0x64: {  	_ =	shalt  }
0x65: {  	_ =	shalt  }
0x66: {  	_ =	shalt  }
0x67: {  	_ =	shalt  }
0x68: {  	_ =	shalt  }
0x69: {  	_ =	shalt  }
0x6a: {  	_ =	shalt  }
0x6b: {  	_ =	shalt  }
0x6c: {  	_ =	shalt  }
0x6d: {  	_ =	shalt  }
0x6e: {  	_ =	shalt  }
0x6f: {  	_ =	shalt  }
0x70: {  	_ =	shalt  }
0x71: {  	_ =	shalt  }
0x72: {  	_ =	shalt  }
0x73: {  	_ =	shalt  }
0x74: {  	_ =	shalt  }
0x75: {  	_ =	shalt  }
0x76: {  	_ =	shalt  }
0x77: {  	_ =	shalt  }
0x78: {  	_ =	shalt  }
0x79: {  	_ =	shalt  }
0x7a: {  	_ =	shalt  }
0x7b: {  	_ =	shalt  }
0x7c: {  	_ =	shalt  }
0x7d: {  	_ =	shalt  }
0x7e: {  	_ =	shalt  }
0x7f: {  	_ =	shalt  }
0x80: {  	_ =	shalt  }
0x81: {  	_ =	shalt  }
0x82: {  	_ =	shalt  }
0x83: {  	_ =	shalt  }
0x84: {  	_ =	shalt  }
0x85: {  	_ =	shalt  }
0x86: {  	_ =	shalt  }
0x87: {  	_ =	shalt  }
.Lfunc_end0:
.L_simem_size_0:
called_computation_lowered:
.L_overlay_start_0:
0x88: {  	s2 =	sld [smem:$0x3FD9]  }
0x89: {  	s3 =	sld [smem:$0x3FFE];
	_ =	sdelay $0x1  }
0x8a: {  	s1 =	srdreg.scid  }
0x8b: {  	s0 =	sand.u32 $0x1, s1  }
0x8c: {  	s17 =	sshll.u32 s0, $0xA;
	s2 =	sadd.s32 s3, s2  }
0x8d: {  	s2 =	sadd.s32 s2, s17  }
0x8e: {  	[smem:$0x3FC5] =	sst s2  }
0x8f: {  	_ = 	snop  }
0x90: {  	s2 =	sld [smem:$0x3FC9]  }
0x91: {  	s18 =	sld [smem:$0x3FC8]  }
0x92: {  	s4 =	sld [smem:$0x3FC7];
	(tm) =	ssettm $0x1  }
0x93: {  	s5 =	sld [smem:$0x3FFB];
	_ =	sdelay $0x3  }
0x94: {  	_ =	strace s5  }
0x95: {  	s5 =	sld [smem:$0x3FFC];
	_ =	sdelay $0x3  }
0x96: {  	_ =	strace s5  }
0x97: {  	s5 =	sld [smem:$0x3FFD];
	_ =	sdelay $0x3  }
0x98: {  	_ =	strace s5  }
0x99: {  	_ =	strace $0x8FFFFFFF  }
0x9a: {  	s19 =	sld [smem:$0x3FDB];
	_ =	sdelay $0x1  }
0x9b: {  	s6 =	simm.s32 $_scs_section_size  }
0x9c: {  	s7 =	simm.s32 $_size__tile_overlayer_lowered;
	s8 =	simm.s32 $_tile_overlayer_lowered  }
0x9d: {  	s22 =	simm.s32 $0x1BFF;
	s21 =	sshll.u32 s8, $0x1;
	s5 =	sadd.s32 s6, s19  }
0x9e: {  	s9 =	simm.s32 $0x0;
	s20 =	sshll.u32 s7, $0x1;
	s7 =	sadd.s32 s21, s5  }
0x9f: {  	[timem:s9], [sflag:s22] =	dma.local [hbm:s7], s20  }
0xa0: {  	_ =	swait.ge [sflag:s22], s20  }
0xa1: {  	s6 =	ssub.s32 $0x0, s20;
	[sflag:s22] =	ssyncset.done $0x0  }
0xa2: {  	[sflag:s22] =	ssyncadd.s32 s6;
	_ =	sdelay $0x1  }
0xa3: {  	s23 =	simm.s32 $0x1B8B  }
0xa4: {  	_ =	swait.ge [sflag:s23], $0x1  }
0xa5: {  	[sflag:s23] =	ssyncset.done $0x0  }
0xa6: {  	s25 =	simm.s32 $0x1B8E;
	s24 =	sld [smem:$0x3FFE];
	[sflag:s23] =	ssyncadd.s32 $0xFFFFFFFF  }
0xa7: {  	s26 =	simm.s32 $execute0_lowered;
	[smem:$0x3FD2] =	sst s25  }
0xa8: {  	s7 =	sshll.u32 s26, $0x1;
	_ =	strace $0x80000046;
	[dreg:$0x1] =	wrdreg $0xFFFFFFFF  }
0xa9: {  	s28 =	simm.s32 $_size_execute0_lowered;
	s5 =	sadd.s32 s5, s7;
	[dreg:$0x0] =	wrdreg $0x0  }
0xaa: {  	s7 =	sshll.u32 s28, $0x1;
	[dreg:$0x2] =	wrdreg s5  }
0xab: {  	[dreg:$0x3] =	wrdreg s7  }
0xac: {  	[dreg:$0x4] =	wrdreg $0xC0  }
0xad: {  	_ =	task [dreg:s9], $0x5FFFF  }
0xae: {  	[dreg:$0x1] =	wrdreg $0xFFFFFFFF  }
0xaf: {  	[dreg:$0x0] =	wrdreg $0x60  }
0xb0: {  	[dreg:$0x2] =	wrdreg s2  }
0xb1: {  	[dreg:$0x3] =	wrdreg s18  }
0xb2: {  	[dreg:$0x4] =	wrdreg s4  }
0xb3: {  	[dreg:$0x5] =	wrdreg s24  }
0xb4: {  	[dreg:$0x6] =	wrdreg $0x9  }
0xb5: {  	_ =	task.clear_ibuf [dreg:s9], $0x7FFFF;
	_ =	strace $0x90000046  }
0xb6: {  	s29 =	simm.s32 $0x9;
	_ =	strace $0x80000048  }
0xb7: {  	_ =	swait.ge [sflag:s29], $0x1  }
0xb8: {  	[sflag:s29] =	ssyncadd.s32 $0xFFFFFFFF  }
0xb9: {  	_ =	strace $0x90000048  }
0xba: {  	_ =	sfence  }
0xbb: {  	s30 =	sld [smem:$0x0];
	_ =	sdelay $0x2  }
0xbc: {  	s31 =	sshll.u32 s1, $0xD;
	s1 =	sshrl.u32 s1, $0x2  }
0xbd: {  	s3 =	sand.u32 $0x4000, s31;
	s1 =	sadd.s32 s1, s30  }
0xbe: {  	s0 =	sor.u32 s3, s0;
	s1 =	sshll.u32 s1, $0x11  }
0xbf: {  	s0 =	sor.u32 s1, s0  }
0xc0: {  	s0 =	sadd.s32 $0x8F2B, s0  }
0xc1: {  	[sflag:s0] =	ssyncadd.remote.s32 $0x1  }
0xc2: {  	_ =	sfence.sel $0xFFFF  }
0xc3: {  	[dreg:$0x0] =	wrdreg $0xFFFFFFFF;
	(pc) =	sbr.abs _section_cstart, $3  }
0xc4: {  	[dreg:$0x1] =	wrdreg $0xFFFFFFFF  }
0xc5: {  	_ =	task.clear_ibuf [dreg:s9], $0x2FFFF;
	_ =	strace $0x9FFFFFFF  }
0xc6: {  	(tm) =	ssettm $0x7FFFFFFF  }
0xc7: {  	_ =	shalt  }
tec
execute0_lowered:
.L_overlay_start_1:
0x0: {  	(tag) =	ssettag $0x1  }
0x1: {  	s1 =	rddreg [dreg:$0x0]  }
0x2: {  	s7 =	rddreg [dreg:$0x1]  }
0x3: {  	s2 =	rddreg [dreg:$0x2]  }
0x4: {  	s3 =	srdreg.scid;
	s0 =	stileid.u32  }
0x5: {  	s5 =	rddreg [dreg:$0x3];
	s10 =	simm.s32 $0x80;
	s11 =	simm.s32 $0x6400  }
0x6: {  	s12 =	simm.s32 $0x20;
	s13 =	simm.s32 $0xA400;
	s14 =	simm.s32 $0xB400  }
0x7: {  	s15 =	simm.s32 $0xF400;
	s16 =	simm.s32 $0x1;
	s17 =	simm.s32 $0x10400  }
0x8: {  	s18 =	simm.s32 $0x2;
	s19 =	simm.s32 $0x15400;
	s20 =	simm.s32 $0x3  }
0x9: {  	s21 =	simm.s32 $0x4;
	s6 =	sand.u32 $0x1, s3;
	s4 =	sshll.u32 s0, $0x1  }
0xa: {  	s22 =	simm.s32 $0x0;
	s4 =	sor.u32 s6, s4;
	s6 =	ssub.s32 $0x2, s6  }
0xb: {  	s3 =	simm.s32 $0x0;
	s4 =	smul.u32 $0x3200, s4;
	s8 =	sshrl.u32 s6, $0x1  }
0xc: {  	s5 =	sadd.s32 $0x400, s5;
	[smem:$0x7FF] =	sst s3;
	s8 =	ssub.s32 s6, s8  }
0xd: {  	_ =	strace $0x80000047;
	s9 =	sshrl.u32 s4, $0x3;
	s8 =	smax.u32 s8, $0x1  }
0xe: {  	s6 =	sadd.s32 s1, s9;
	s7 =	sadd.s32 s7, s9;
	s9 =	simm.s32 $0x5  }
.LBB2_1:
0xf: {  	[tilespmem:s3], [sflag:$0x5] =	stream.linear.gather [hbm4b:s6+s3], $0x3200, $0x38;
	[tilespmem:$0x1A400] =	vst v63  }
0x10: {  	_ =	swait.ge [sflag:s9], $0x3200  }
0x11: {  	[sflag:s9] =	ssyncset.done $0x0  }
0x12: {  	s23 =	simm.s32 $0x3200;
	[sflag:s9] =	ssyncadd.s32 $0xFFFFCE00  }
0x13: {  	[tilespmem:s23], [sflag:$0x5] =	stream.linear.gather [hbm4b:s7+s3], $0x3200, $0x38;
	[tilespmem:$0x1A400] =	vst v63  }
0x14: {  	_ =	swait.ge [sflag:s9], $0x3200  }
0x15: {  	[sflag:s9] =	ssyncset.done $0x0  }
0x16: {  	[sflag:s9] =	ssyncadd.s32 $0xFFFFCE00  }
0x17: {  	[tilespmem:s11], [sflag:$0x1] =	stream.indirect.gather [hbm4b:s2+s10], $0x80, s3, s10, $0xb8;
	[tilespmem:$0x1A400] =	vst v63  }
0x18: {  	s24 =	simm.s32 $0x32A0;
	s25 =	simm.s32 $0x0  }
0x19: {  	[tilespmem:s13], [sflag:$0x1] =	stream.indirect.gather [hbm4b:s2+s12], $0x80, s10, s12, $0xb8;
	[tilespmem:$0x1A400] =	vst v63  }
.LBB2_2:
0x1a: {  	s28 =	smul.u32 $0x140, s25;
	_ =	sdelay $0x1  }
0x1b: {  	s26 =	sadd.s32 $0xA0, s28  }
0x1c: {  	[tilespmem:s14], [sflag:$0x2] =	stream.indirect.gather [hbm4b:s2+s10], $0x80, s26, s10, $0xb8;
	[tilespmem:$0x1A400] =	vst v63  }
0x1d: {  	s1 =	sadd.s32 $0x120, s28  }
0x1e: {  	[tilespmem:s15], [sflag:$0x2] =	stream.indirect.gather [hbm4b:s2+s12], $0x80, s1, s12, $0xb8;
	[tilespmem:$0x1A400] =	vst v63  }
0x1f: {  	_ =	swait.ge [sflag:s16], $0x4000  }
0x20: {  	[sflag:s16] =	ssyncset.done $0x0  }
0x21: {  	[sflag:s16] =	ssyncadd.s32 $0xFFFFC000  }
0x22: {  	_ =	swait.ge [sflag:s16], $0x1000  }
0x23: {  	p0 =	seq.s32 s25, $0x0;
	[sflag:s16] =	ssyncset.done $0x0  }
0x24: {  	s1 =	simm.s32 @!p0 $0x3;
	[sflag:s16] =	ssyncadd.s32 $0xFFFFF000  }
0x25: {  	_ =	swait.ge @!p0 [sflag:s1], $0x5000  }
0x26: {  	[sflag:s1] =	ssyncset.done @!p0 $0x0  }
0x27: {  	s29 =	simm.s32 $0x0;
	[sflag:s1] =	ssyncadd.s32 @!p0 $0xFFFFB000  }
0x28: {  	v0 =	vld [tilespmem:s29+$0x68B0];
	_ =	sdelay $0x4  }
0x29: {  	[tilespmem:$0x1FE90] =	vst v0;
	v0 =	vld [tilespmem:s29+$0x6900];
	_ =	sdelay $0x4  }
0x2a: {  	[tilespmem:$0x1FEA0] =	vst v0;
	v0 =	vld [tilespmem:s29+$0x6910];
	_ =	sdelay $0x4  }
0x2b: {  	[tilespmem:$0x1FEB0] =	vst v0;
	v0 =	vld [tilespmem:s29+$0x6920];
	_ =	sdelay $0x4  }
0x2c: {  	[tilespmem:$0x1FEC0] =	vst v0;
	v0 =	vld [tilespmem:s29+$0x6930];
	_ =	sdelay $0x4  }
0x2d: {  	[tilespmem:$0x1FED0] =	vst v0;
	v0 =	vld [tilespmem:s29+$0x6980];
	_ =	sdelay $0x4  }
0x2e: {  	[tilespmem:$0x1FEE0] =	vst v0;
	v0 =	vld [tilespmem:s29+$0x6990];
	_ =	sdelay $0x4  }
0x2f: {  	[tilespmem:$0x1FEF0] =	vst v0;
	v0 =	vld [tilespmem:s29+$0x69A0];
	_ =	sdelay $0x4  }
0x30: {  	[tilespmem:$0x1FF00] =	vst v0;
	v0 =	vld [tilespmem:s29+$0x69B0];
	_ =	sdelay $0x4  }
0x31: {  	[tilespmem:$0x1FF10] =	vst v0;
	v0 =	vld [tilespmem:s29+$0x6A00];
	_ =	sdelay $0x4  }
0x32: {  	[tilespmem:$0x1FF20] =	vst v0;
	v0 =	vld [tilespmem:s29+$0x6A10]  }
0x33: {  	v61 =	vld [tilespmem:s29+$0x6400]  }
0x34: {  	v62 =	vld [tilespmem:s29+$0x6410]  }
0x35: {  	v59 =	vld [tilespmem:s29+$0x6420]  }
0x36: {  	v60 =	vld [tilespmem:s29+$0x6430]  }
0x37: {  	[tilespmem:$0x1FF30] =	vst v0;
	v0 =	vld [tilespmem:s29+$0x6A20]  }
0x38: {  	v58 =	vld [tilespmem:s29+$0x6480]  }
0x39: {  	v57 =	vld [tilespmem:s29+$0x6490]  }
0x3a: {  	v56 =	vld [tilespmem:s29+$0x64A0]  }
0x3b: {  	v55 =	vld [tilespmem:s29+$0x64B0]  }
0x3c: {  	[tilespmem:$0x1FF40] =	vst v0;
	v0 =	vld [tilespmem:s29+$0x6A30]  }
0x3d: {  	v54 =	vld [tilespmem:s29+$0x6500]  }
0x3e: {  	v53 =	vld [tilespmem:s29+$0x6510]  }
0x3f: {  	v52 =	vld [tilespmem:s29+$0x6520]  }
0x40: {  	v51 =	vld [tilespmem:s29+$0x6530]  }
0x41: {  	[tilespmem:$0x1FF50] =	vst v0;
	v0 =	vld [tilespmem:s29+$0x6A80]  }
0x42: {  	v50 =	vld [tilespmem:s29+$0x6580]  }
0x43: {  	v49 =	vld [tilespmem:s29+$0x6590]  }
0x44: {  	v48 =	vld [tilespmem:s29+$0x65A0]  }
0x45: {  	v47 =	vld [tilespmem:s29+$0x65B0]  }
0x46: {  	[tilespmem:$0x1FF60] =	vst v0;
	v0 =	vld [tilespmem:s29+$0x6A90]  }
0x47: {  	v46 =	vld [tilespmem:s29+$0x6600]  }
0x48: {  	v45 =	vld [tilespmem:s29+$0x6610]  }
0x49: {  	v44 =	vld [tilespmem:s29+$0x6620]  }
0x4a: {  	v43 =	vld [tilespmem:s29+$0x6630]  }
0x4b: {  	[tilespmem:$0x1FF70] =	vst v0;
	v0 =	vld [tilespmem:s29+$0x6AA0]  }
0x4c: {  	v42 =	vld [tilespmem:s29+$0x6680]  }
0x4d: {  	v41 =	vld [tilespmem:s29+$0x6690]  }
0x4e: {  	v40 =	vld [tilespmem:s29+$0x66A0]  }
0x4f: {  	v39 =	vld [tilespmem:s29+$0x66B0]  }
0x50: {  	[tilespmem:$0x1FF80] =	vst v0;
	v0 =	vld [tilespmem:s29+$0x6AB0]  }
0x51: {  	v38 =	vld [tilespmem:s29+$0x6700]  }
0x52: {  	v37 =	vld [tilespmem:s29+$0x6710]  }
0x53: {  	v36 =	vld [tilespmem:s29+$0x6720]  }
0x54: {  	v35 =	vld [tilespmem:s29+$0x6730]  }
0x55: {  	[tilespmem:$0x1FF90] =	vst v0;
	v0 =	vld [tilespmem:s29+$0x6B00]  }
0x56: {  	v34 =	vld [tilespmem:s29+$0x6780]  }
0x57: {  	v33 =	vld [tilespmem:s29+$0x6790]  }
0x58: {  	v32 =	vld [tilespmem:s29+$0x67A0]  }
0x59: {  	v31 =	vld [tilespmem:s29+$0x67B0]  }
0x5a: {  	[tilespmem:$0x1FFA0] =	vst v0;
	v0 =	vld [tilespmem:s29+$0x6B10]  }
0x5b: {  	v30 =	vld [tilespmem:s29+$0x6800]  }
0x5c: {  	v29 =	vld [tilespmem:s29+$0x6810]  }
0x5d: {  	v28 =	vld [tilespmem:s29+$0x6820]  }
0x5e: {  	v27 =	vld [tilespmem:s29+$0x6830]  }
0x5f: {  	[tilespmem:$0x1FFB0] =	vst v0;
	v0 =	vld [tilespmem:s29+$0x6B20]  }
0x60: {  	v26 =	vld [tilespmem:s29+$0x6880]  }
0x61: {  	v25 =	vld [tilespmem:s29+$0x6890]  }
0x62: {  	v24 =	vld [tilespmem:s29+$0x68A0]  }
0x63: {  	v11 =	vld [tilespmem:s29+$0x6440]  }
0x64: {  	[tilespmem:$0x1FFC0] =	vst v0;
	v0 =	vld [tilespmem:s29+$0x6B30]  }
0x65: {  	v10 =	vld [tilespmem:s29+$0x6450]  }
0x66: {  	v8 =	vld [tilespmem:s29+$0x6460]  }
0x67: {  	v9 =	vld [tilespmem:s29+$0x6470]  }
0x68: {  	v7 =	vld [tilespmem:s29+$0x64C0]  }
0x69: {  	[tilespmem:$0x1FFD0] =	vst v0;
	v0 =	vld [tilespmem:s29+$0x6B80]  }
0x6a: {  	v6 =	vld [tilespmem:s29+$0x64D0]  }
0x6b: {  	v4 =	vld [tilespmem:s29+$0x64E0]  }
0x6c: {  	v5 =	vld [tilespmem:s29+$0x64F0]  }
0x6d: {  	v3 =	vld [tilespmem:s29+$0x6540]  }
0x6e: {  	[tilespmem:$0x1FFE0] =	vst v0;
	v0 =	vld [tilespmem:s29+$0x6B90]  }
0x6f: {  	v2 =	vld [tilespmem:s29+$0x6550]  }
0x70: {  	v1 =	vld [tilespmem:s29+$0x6560]  }
0x71: {  	v63 =	vld [tilespmem:s29+$0x65C0]  }
0x72: {  	v16 =	vld [tilespmem:s23+$0x0]  }
0x73: {  	s30 =	simm.s32 $0x2000;
	s31 =	smov.u32 s23;
	[tilespmem:$0x1FFF0] =	vst v0;
	v0 =	vld [tilespmem:s29+$0x6570]  }
.LBB2_3:
0x74: {  	v12 =	vld [tilespmem:s29+$0x65D0]  }
0x75: {  	v13 =	vld [tilespmem:s29+$0x65E0]  }
0x76: {  	v14 =	vld [tilespmem:s29+$0x65F0]  }
0x77: {  	v15 =	vld [tilespmem:s29+$0x6640];
	v17 =	vbroadcast v16, $0x0  }
0x78: {  	v19 =	vld [tilespmem:s29+$0x6650];
	v18 =	vbroadcast v16, $0x1;
	v20 =	vbroadcast v16, $0x2  }
0x79: {  	v22 =	vld [tilespmem:s29+$0x6660];
	v11 =	vmul.f32 v11, v17;
	v10 =	vmul.f32 v10, v17  }
0x7a: {  	v23 =	vld [tilespmem:s29+$0x6670];
	v8 =	vmul.f32 v8, v17;
	v9 =	vmul.f32 v9, v17  }
0x7b: {  	v17 =	vld [tilespmem:s29+$0x66C0];
	v7 =	vmul.f32 v7, v18;
	v6 =	vmul.f32 v6, v18  }
0x7c: {  	v4 =	vmul.f32 v4, v18;
	v5 =	vmul.f32 v5, v18;
	v18 =	vld [tilespmem:s29+$0x6770]  }
0x7d: {  	v0 =	vmul.f32 v0, v20;
	v11 =	vadd.f32 v11, v61;
	v61 =	vld [tilespmem:s29+$0x66D0]  }
0x7e: {  	v2 =	vmul.f32 v2, v20;
	v9 =	vadd.f32 v9, v60;
	v60 =	vld [tilespmem:s29+$0x66E0]  }
0x7f: {  	v3 =	vmul.f32 v3, v20;
	v0 =	vadd.f32 v0, v51;
	v51 =	vld [tilespmem:s29+$0x67D0]  }
0x80: {  	v2 =	vadd.f32 v2, v53;
	v53 =	vld [tilespmem:s29+$0x67E0]  }
0x81: {  	v3 =	vadd.f32 v3, v54;
	v54 =	vld [tilespmem:s29+$0x6840]  }
0x82: {  	v10 =	vadd.f32 v10, v62;
	v4 =	vadd.f32 v4, v56;
	v56 =	vld [tilespmem:s29+$0x6860]  }
0x83: {  	v8 =	vadd.f32 v8, v59;
	v6 =	vadd.f32 v6, v57;
	v57 =	vld [tilespmem:s29+$0x6870];
	[tilespmem:s29+$0x10400] =	vst v11  }
0x84: {  	v11 =	vld [tilespmem:s29+$0x66F0];
	[tilespmem:s29+$0x10410] =	vst v10  }
0x85: {  	v21 =	vbroadcast v16, $0x3;
	v10 =	vld [tilespmem:s29+$0x6740];
	[tilespmem:s29+$0x10420] =	vst v8  }
0x86: {  	v7 =	vadd.f32 v7, v58;
	v8 =	vld [tilespmem:s29+$0x6750];
	[tilespmem:s29+$0x10430] =	vst v9  }
0x87: {  	v5 =	vadd.f32 v5, v55;
	v62 =	vmul.f32 v14, v21;
	v9 =	vld [tilespmem:s29+$0x6760];
	[tilespmem:s29+$0x10490] =	vst v6;
	v6 =	vmul.f32 v13, v21  }
0x88: {  	v1 =	vmul.f32 v1, v20;
	[tilespmem:s29+$0x10480] =	vst v7;
	v7 =	vmul.f32 v63, v21;
	v63 =	vld [tilespmem:s29+$0x67C0]  }
0x89: {  	v12 =	vmul.f32 v12, v21;
	[tilespmem:s29+$0x104B0] =	vst v5;
	v5 =	vadd.f32 v6, v48;
	v6 =	vadd.f32 v62, v47;
	v62 =	vld [tilespmem:s29+$0x68F0]  }
0x8a: {  	v1 =	vadd.f32 v1, v52;
	v52 =	vbroadcast v16, $0x5;
	v47 =	vld [tilespmem:s29+$0x6B40]  }
0x8b: {  	[tilespmem:s29+$0x104A0] =	vst v4;
	v4 =	vadd.f32 v7, v50;
	v7 =	vadd.f32 v12, v49;
	v50 =	vbroadcast v16, $0x4;
	v49 =	vld [tilespmem:$0x1FF50]  }
0x8c: {  	v58 =	vbroadcast v16, $0x6;
	v55 =	vmul.f32 v61, v52;
	v61 =	vld [tilespmem:s29+$0x68D0]  }
0x8d: {  	[tilespmem:s29+$0x10500] =	vst v3;
	v3 =	vmul.f32 v15, v50;
	v15 =	vmul.f32 v19, v50;
	v19 =	vld [tilespmem:s29+$0x67F0]  }
0x8e: {  	[tilespmem:s29+$0x105B0] =	vst v6;
	v6 =	vmul.f32 v10, v58;
	v10 =	vld [tilespmem:s29+$0x68E0]  }
0x8f: {  	[tilespmem:s29+$0x10590] =	vst v7;
	v7 =	vadd.f32 v55, v41;
	v41 =	vld [tilespmem:s29+$0x6A50]  }
0x90: {  	[tilespmem:s29+$0x10510] =	vst v2;
	v2 =	vmul.f32 v22, v50;
	v12 =	vmul.f32 v23, v50;
	v55 =	vld [tilespmem:s29+$0x6BA0]  }
0x91: {  	[tilespmem:s29+$0x10520] =	vst v1;
	v1 =	vadd.f32 v3, v46;
	v3 =	vadd.f32 v15, v45;
	v15 =	vmul.f32 v17, v52;
	v17 =	vld [tilespmem:s29+$0x6850]  }
0x92: {  	[tilespmem:s29+$0x10530] =	vst v0;
	v0 =	vadd.f32 v2, v44;
	v2 =	vadd.f32 v12, v43;
	v43 =	vld [tilespmem:s29+$0x6AC0]  }
0x93: {  	v44 =	vld [tilespmem:s29+$0x6AD0]  }
0x94: {  	v45 =	vld [tilespmem:$0x1FED0]  }
0x95: {  	v59 =	vbroadcast v16, $0x7;
	v8 =	vmul.f32 v8, v58;
	v46 =	vld [tilespmem:s29+$0x6AE0]  }
0x96: {  	[tilespmem:s29+$0x10580] =	vst v4;
	v11 =	vmul.f32 v11, v52;
	v4 =	vadd.f32 v15, v42;
	v15 =	vmul.f32 v60, v52;
	v60 =	vld [tilespmem:s29+$0x68C0]  }
0x97: {  	[tilespmem:s29+$0x10610] =	vst v3;
	v3 =	vadd.f32 v6, v38;
	v6 =	vadd.f32 v8, v37;
	v8 =	vmul.f32 v63, v59;
	v63 =	vld [tilespmem:s29+$0x6940]  }
0x98: {  	[tilespmem:s29+$0x10600] =	vst v1;
	v1 =	vmul.f32 v9, v58;
	v9 =	vmul.f32 v18, v58;
	v18 =	vld [tilespmem:s29+$0x6950]  }
0x99: {  	[tilespmem:s29+$0x105A0] =	vst v5;
	v37 =	vld [tilespmem:s29+$0x69C0]  }
0x9a: {  	v11 =	vadd.f32 v11, v39;
	[tilespmem:s29+$0x10690] =	vst v7;
	v38 =	vld [tilespmem:s29+$0x69E0];
	v5 =	vadd.f32 v15, v40  }
0x9b: {  	[tilespmem:s29+$0x10620] =	vst v0;
	v0 =	vadd.f32 v1, v36;
	v1 =	vadd.f32 v9, v35;
	v9 =	vmul.f32 v51, v59;
	v35 =	vld [tilespmem:s29+$0x6960]  }
0x9c: {  	[tilespmem:s29+$0x10630] =	vst v2;
	v15 =	vbroadcast v16, $0x8;
	v2 =	vadd.f32 v8, v34;
	v8 =	vmul.f32 v53, v59;
	v36 =	vld [tilespmem:s29+$0x6970]  }
0x9d: {  	v19 =	vmul.f32 v19, v59;
	[tilespmem:s29+$0x10680] =	vst v4;
	v51 =	vld [tilespmem:s29+$0x6BC0];
	v4 =	vadd.f32 v9, v33  }
0x9e: {  	[tilespmem:s29+$0x106B0] =	vst v11;
	v53 =	vld [tilespmem:s29+$0x6BE0];
	v9 =	vmul.f32 v54, v15;
	v17 =	vmul.f32 v17, v15;
	v7 =	vadd.f32 v8, v32  }
0x9f: {  	[tilespmem:s29+$0x10700] =	vst v3;
	v8 =	vadd.f32 v19, v31;
	v19 =	vmul.f32 v56, v15;
	v13 =	vmul.f32 v57, v15;
	v15 =	vld [tilespmem:s29+$0x69D0]  }
0xa0: {  	[tilespmem:s29+$0x10780] =	vst v2;
	v2 =	vld [tilespmem:$0x1FE90]  }
0xa1: {  	[tilespmem:s29+$0x10710] =	vst v6;
	v3 =	vadd.f32 v13, v27;
	v27 =	vld [tilespmem:s29+$0x69F0]  }
0xa2: {  	[tilespmem:s29+$0x106A0] =	vst v5;
	v5 =	vadd.f32 v9, v30;
	v30 =	vld [tilespmem:s29+$0x6A40]  }
0xa3: {  	v9 =	vadd.f32 v17, v29;
	v17 =	vbroadcast v16, $0x9;
	[tilespmem:s29+$0x10790] =	vst v4;
	v4 =	vld [tilespmem:$0x1FEA0]  }
0xa4: {  	[tilespmem:s29+$0x107A0] =	vst v7;
	v7 =	vld [tilespmem:$0x1FEB0]  }
0xa5: {  	[tilespmem:s29+$0x107B0] =	vst v8;
	v8 =	vld [tilespmem:$0x1FEC0];
	v6 =	vmul.f32 v60, v17;
	v29 =	vmul.f32 v61, v17  }
0xa6: {  	[tilespmem:s29+$0x10720] =	vst v0;
	v0 =	vmul.f32 v10, v17;
	v10 =	vmul.f32 v62, v17;
	v17 =	vld [tilespmem:s29+$0x6A60]  }
0xa7: {  	v11 =	vadd.f32 v19, v28;
	[tilespmem:s29+$0x10800] =	vst v5;
	v5 =	vld [tilespmem:$0x1FEE0]  }
0xa8: {  	[tilespmem:s29+$0x10810] =	vst v9;
	v9 =	vld [tilespmem:$0x1FF00]  }
0xa9: {  	v19 =	vbroadcast v16, $0xA;
	[tilespmem:s29+$0x10820] =	vst v11;
	v11 =	vld [tilespmem:$0x1FF10]  }
0xaa: {  	v40 =	vbroadcast v16, $0xB;
	[tilespmem:s29+$0x10830] =	vst v3;
	v3 =	vld [tilespmem:$0x1FF20]  }
0xab: {  	v14 =	vmul.f32 v63, v19;
	v42 =	vmul.f32 v35, v19;
	v62 =	vld [tilespmem:$0x1FFC0]  }
0xac: {  	v63 =	vld [tilespmem:$0x1FFD0];
	v2 =	vadd.f32 v10, v2;
	v10 =	vmul.f32 v18, v19;
	v19 =	vmul.f32 v36, v19  }
0xad: {  	[tilespmem:s29+$0x10730] =	vst v1;
	v28 =	vbroadcast v16, $0xC;
	v1 =	vadd.f32 v6, v26;
	v0 =	vadd.f32 v0, v24;
	v18 =	vld [tilespmem:s29+$0x6A70]  }
0xae: {  	v24 =	vld [tilespmem:s29+$0x6B60];
	v4 =	vadd.f32 v14, v4;
	v14 =	vadd.f32 v19, v45;
	v19 =	vmul.f32 v38, v40  }
0xaf: {  	v6 =	vadd.f32 v29, v25;
	v25 =	vld [tilespmem:s29+$0x6B70]  }
0xb0: {  	[tilespmem:s29+$0x10880] =	vst v1;
	v1 =	vld [tilespmem:$0x1FF40];
	v9 =	vadd.f32 v19, v9;
	v19 =	vmul.f32 v30, v28  }
0xb1: {  	[tilespmem:s29+$0x108B0] =	vst v2;
	v2 =	vld [tilespmem:$0x1FF60]  }
0xb2: {  	v7 =	vadd.f32 v10, v7;
	v10 =	vmul.f32 v37, v40;
	v3 =	vadd.f32 v19, v3;
	v19 =	vld [tilespmem:$0x1FF30]  }
0xb3: {  	v8 =	vadd.f32 v42, v8;
	v13 =	vmul.f32 v27, v40;
	[tilespmem:s29+$0x10900] =	vst v4;
	v4 =	vld [tilespmem:$0x1FF80]  }
0xb4: {  	[tilespmem:s29+$0x10890] =	vst v6;
	v48 =	vmul.f32 v17, v28;
	v5 =	vadd.f32 v10, v5;
	v10 =	vld [tilespmem:$0x1FEF0];
	v17 =	vmul.f32 v18, v28  }
0xb5: {  	v12 =	vmul.f32 v41, v28;
	[tilespmem:s29+$0x10920] =	vst v8;
	v8 =	vld [tilespmem:$0x1FFB0]  }
0xb6: {  	v11 =	vadd.f32 v13, v11;
	[tilespmem:s29+$0x10910] =	vst v7;
	v7 =	vld [tilespmem:$0x1FFA0];
	v13 =	vadd.f32 v17, v49;
	v17 =	vbroadcast v16, $0xE  }
0xb7: {  	s1 =	sshra.s32 s30, $0x2;
	v15 =	vmul.f32 v15, v40;
	[tilespmem:s29+$0x108A0] =	vst v0;
	v18 =	vld [tilespmem:s29+$0x6B50];
	v12 =	vadd.f32 v12, v19;
	v19 =	vbroadcast v16, $0xD  }
0xb8: {  	v61 =	vld [tilespmem:s1+$0x6400];
	v54 =	vmul.f32 v24, v17  }
0xb9: {  	[tilespmem:s29+$0x10930] =	vst v14;
	v10 =	vadd.f32 v15, v10;
	v15 =	vld [tilespmem:s29+$0x6AF0];
	v0 =	vmul.f32 v46, v19  }
0xba: {  	v14 =	vadd.f32 v54, v62;
	v62 =	vld [tilespmem:s1+$0x6410]  }
0xbb: {  	[tilespmem:s29+$0x10980] =	vst v5;
	v0 =	vadd.f32 v0, v4;
	v4 =	vld [tilespmem:$0x1FF90]  }
0xbc: {  	v59 =	vld [tilespmem:s1+$0x6420];
	[tilespmem:s29+$0x10990] =	vst v10  }
0xbd: {  	v60 =	vld [tilespmem:s1+$0x6430]  }
0xbe: {  	[tilespmem:s29+$0x109A0] =	vst v9;
	v9 =	vld [tilespmem:$0x1FFE0];
	v15 =	vmul.f32 v15, v19  }
0xbf: {  	v6 =	vmul.f32 v43, v19;
	v50 =	vmul.f32 v44, v19;
	v19 =	vld [tilespmem:s29+$0x6BD0]  }
0xc0: {  	v58 =	vld [tilespmem:s1+$0x6480];
	v4 =	vadd.f32 v15, v4;
	v15 =	vmul.f32 v18, v17  }
0xc1: {  	[tilespmem:s29+$0x109B0] =	vst v11;
	v2 =	vadd.f32 v6, v2;
	v6 =	vld [tilespmem:$0x1FF70]  }
0xc2: {  	v57 =	vld [tilespmem:s1+$0x6490];
	[tilespmem:s29+$0x10A00] =	vst v3;
	v8 =	vadd.f32 v15, v8;
	v15 =	vbroadcast v16, $0xF  }
0xc3: {  	v56 =	vld [tilespmem:s1+$0x64A0]  }
0xc4: {  	v18 =	vld [tilespmem:s29+$0x6BF0];
	v5 =	vmul.f32 v51, v15  }
0xc5: {  	v1 =	vadd.f32 v48, v1;
	v16 =	vld [tilespmem:s29+$0x6BB0];
	v10 =	vmul.f32 v53, v15  }
0xc6: {  	[tilespmem:s29+$0x10A10] =	vst v12;
	v5 =	vadd.f32 v5, v9;
	v9 =	vld [tilespmem:$0x1FFF0]  }
0xc7: {  	v10 =	vadd.f32 v10, v55;
	v55 =	vld [tilespmem:s1+$0x64B0];
	[tilespmem:s29+$0x10A20] =	vst v1  }
0xc8: {  	v52 =	vmul.f32 v47, v17;
	v6 =	vadd.f32 v50, v6;
	v54 =	vld [tilespmem:s1+$0x6500];
	[tilespmem:s29+$0x10A30] =	vst v13  }
0xc9: {  	v53 =	vld [tilespmem:s1+$0x6510];
	[tilespmem:s29+$0x10A80] =	vst v2  }
0xca: {  	v7 =	vadd.f32 v52, v7;
	v52 =	vld [tilespmem:s1+$0x6520];
	[tilespmem:s29+$0x10A90] =	vst v6  }
0xcb: {  	v51 =	vld [tilespmem:s1+$0x6530];
	[tilespmem:s29+$0x10AA0] =	vst v0  }
0xcc: {  	v17 =	vmul.f32 v25, v17;
	v50 =	vld [tilespmem:s1+$0x6580];
	[tilespmem:s29+$0x10AB0] =	vst v4  }
0xcd: {  	v49 =	vld [tilespmem:s1+$0x6590];
	[tilespmem:s29+$0x10B00] =	vst v7  }
0xce: {  	v17 =	vadd.f32 v17, v63;
	v19 =	vmul.f32 v19, v15;
	v48 =	vld [tilespmem:s1+$0x65A0];
	[tilespmem:s29+$0x10B10] =	vst v8  }
0xcf: {  	v47 =	vld [tilespmem:s1+$0x65B0];
	[tilespmem:s29+$0x10B20] =	vst v14  }
0xd0: {  	v15 =	vmul.f32 v18, v15;
	v9 =	vadd.f32 v19, v9;
	v46 =	vld [tilespmem:s1+$0x6600];
	[tilespmem:s29+$0x10B30] =	vst v17  }
0xd1: {  	v45 =	vld [tilespmem:s1+$0x6610];
	[tilespmem:s29+$0x10B80] =	vst v5  }
0xd2: {  	v11 =	vadd.f32 v15, v16;
	v44 =	vld [tilespmem:s1+$0x6620];
	[tilespmem:s29+$0x10B90] =	vst v9  }
0xd3: {  	v43 =	vld [tilespmem:s1+$0x6630];
	[tilespmem:s29+$0x10BA0] =	vst v10  }
0xd4: {  	v42 =	vld [tilespmem:s1+$0x6680];
	[tilespmem:s29+$0x10BB0] =	vst v11;
	s29 =	smov.u32 s1  }
0xd5: {  	v0 =	vld [tilespmem:s29+$0x68B0];
	_ =	sdelay $0x4  }
0xd6: {  	[tilespmem:$0x1FE90] =	vst v0;
	v0 =	vld [tilespmem:s29+$0x6900];
	_ =	sdelay $0x4  }
0xd7: {  	[tilespmem:$0x1FEA0] =	vst v0;
	v0 =	vld [tilespmem:s29+$0x6910];
	_ =	sdelay $0x4  }
0xd8: {  	[tilespmem:$0x1FEB0] =	vst v0;
	v0 =	vld [tilespmem:s29+$0x6920];
	_ =	sdelay $0x4  }
0xd9: {  	[tilespmem:$0x1FEC0] =	vst v0;
	v0 =	vld [tilespmem:s29+$0x6930];
	_ =	sdelay $0x4  }
0xda: {  	[tilespmem:$0x1FED0] =	vst v0;
	v0 =	vld [tilespmem:s29+$0x6980];
	_ =	sdelay $0x4  }
0xdb: {  	[tilespmem:$0x1FEE0] =	vst v0;
	v0 =	vld [tilespmem:s29+$0x6990];
	_ =	sdelay $0x4  }
0xdc: {  	[tilespmem:$0x1FEF0] =	vst v0;
	v0 =	vld [tilespmem:s29+$0x69A0];
	_ =	sdelay $0x4  }
0xdd: {  	[tilespmem:$0x1FF00] =	vst v0;
	v0 =	vld [tilespmem:s29+$0x69B0];
	_ =	sdelay $0x4  }
0xde: {  	[tilespmem:$0x1FF10] =	vst v0;
	v0 =	vld [tilespmem:s29+$0x6A00];
	_ =	sdelay $0x4  }
0xdf: {  	[tilespmem:$0x1FF20] =	vst v0;
	v0 =	vld [tilespmem:s29+$0x6A10];
	_ =	sdelay $0x4  }
0xe0: {  	[tilespmem:$0x1FF30] =	vst v0;
	v0 =	vld [tilespmem:s29+$0x6A20];
	_ =	sdelay $0x4  }
0xe1: {  	[tilespmem:$0x1FF40] =	vst v0;
	v0 =	vld [tilespmem:s29+$0x6A30];
	_ =	sdelay $0x4  }
0xe2: {  	[tilespmem:$0x1FF50] =	vst v0;
	v0 =	vld [tilespmem:s29+$0x6A80];
	_ =	sdelay $0x4  }
0xe3: {  	[tilespmem:$0x1FF60] =	vst v0;
	v0 =	vld [tilespmem:s29+$0x6A90];
	_ =	sdelay $0x4  }
0xe4: {  	[tilespmem:$0x1FF70] =	vst v0;
	v0 =	vld [tilespmem:s29+$0x6AA0];
	_ =	sdelay $0x1  }
0xe5: {  	v41 =	vld [tilespmem:s29+$0x6690]  }
0xe6: {  	v40 =	vld [tilespmem:s29+$0x66A0]  }
0xe7: {  	v39 =	vld [tilespmem:s29+$0x66B0]  }
0xe8: {  	[tilespmem:$0x1FF80] =	vst v0;
	v0 =	vld [tilespmem:s29+$0x6AB0]  }
0xe9: {  	v38 =	vld [tilespmem:s29+$0x6700]  }
0xea: {  	v37 =	vld [tilespmem:s29+$0x6710]  }
0xeb: {  	v36 =	vld [tilespmem:s29+$0x6720]  }
0xec: {  	v35 =	vld [tilespmem:s29+$0x6730]  }
0xed: {  	[tilespmem:$0x1FF90] =	vst v0;
	v0 =	vld [tilespmem:s29+$0x6B00]  }
0xee: {  	v34 =	vld [tilespmem:s29+$0x6780]  }
0xef: {  	v33 =	vld [tilespmem:s29+$0x6790]  }
0xf0: {  	v32 =	vld [tilespmem:s29+$0x67A0]  }
0xf1: {  	v31 =	vld [tilespmem:s29+$0x67B0]  }
0xf2: {  	[tilespmem:$0x1FFA0] =	vst v0;
	v0 =	vld [tilespmem:s29+$0x6B10]  }
0xf3: {  	v30 =	vld [tilespmem:s29+$0x6800]  }
0xf4: {  	v29 =	vld [tilespmem:s29+$0x6810]  }
0xf5: {  	v28 =	vld [tilespmem:s29+$0x6820]  }
0xf6: {  	v27 =	vld [tilespmem:s29+$0x6830]  }
0xf7: {  	[tilespmem:$0x1FFB0] =	vst v0;
	v0 =	vld [tilespmem:s29+$0x6B20]  }
0xf8: {  	v26 =	vld [tilespmem:s29+$0x6880]  }
0xf9: {  	v25 =	vld [tilespmem:s29+$0x6890]  }
0xfa: {  	v24 =	vld [tilespmem:s29+$0x68A0]  }
0xfb: {  	v11 =	vld [tilespmem:s29+$0x6440]  }
0xfc: {  	[tilespmem:$0x1FFC0] =	vst v0;
	v0 =	vld [tilespmem:s29+$0x6B30]  }
0xfd: {  	v10 =	vld [tilespmem:s29+$0x6450]  }
0xfe: {  	v8 =	vld [tilespmem:s29+$0x6460]  }
0xff: {  	v9 =	vld [tilespmem:s29+$0x6470]  }
0x100: {  	v7 =	vld [tilespmem:s29+$0x64C0]  }
0x101: {  	[tilespmem:$0x1FFD0] =	vst v0;
	v0 =	vld [tilespmem:s29+$0x6B80]  }
0x102: {  	v6 =	vld [tilespmem:s29+$0x64D0]  }
0x103: {  	v4 =	vld [tilespmem:s29+$0x64E0]  }
0x104: {  	v5 =	vld [tilespmem:s29+$0x64F0]  }
0x105: {  	v3 =	vld [tilespmem:s29+$0x6540]  }
0x106: {  	p1 =	sne.s32 s30, $0x12000;
	[tilespmem:$0x1FFE0] =	vst v0;
	v0 =	vld [tilespmem:s29+$0x6B90]  }
.Ltmp0:
0x107: {  	v2 =	vld [tilespmem:s29+$0x6550];
	(pc) =	sbr.rel @p1 .LBB2_3-.Ltmp0, $4  }
0x108: {  	v1 =	vld [tilespmem:s29+$0x6560]  }
0x109: {  	s31 =	sadd.s32 $0x10, s31;
	v63 =	vld [tilespmem:s29+$0x65C0]  }
0x10a: {  	v16 =	vld [tilespmem:s31+$0x0]  }
0x10b: {  	s30 =	sadd.s32 $0x2000, s30;
	[tilespmem:$0x1FFF0] =	vst v0;
	v0 =	vld [tilespmem:s29+$0x6570]  }
0x10c: {  	_ =	sdelay $0x2  }
0x10d: {  	v17 =	vbroadcast v16, $0x0;
	_ =	sdelay $0x1  }
0x10e: {  	v10 =	vmul.f32 v10, v17;
	_ =	sdelay $0x1  }
0x10f: {  	v10 =	vadd.f32 v10, v62;
	_ =	sdelay $0x1  }
0x110: {  	[tilespmem:s29+$0x10410] =	vst v10;
	v10 =	vbroadcast v16, $0x1;
	_ =	sdelay $0x1  }
0x111: {  	v6 =	vmul.f32 v6, v10;
	_ =	sdelay $0x1  }
0x112: {  	v6 =	vadd.f32 v6, v57;
	_ =	sdelay $0x1  }
0x113: {  	[tilespmem:s29+$0x10490] =	vst v6;
	v6 =	vbroadcast v16, $0x2  }
0x114: {  	v12 =	vld [tilespmem:s29+$0x65D0]  }
0x115: {  	v13 =	vld [tilespmem:s29+$0x65E0];
	v2 =	vmul.f32 v2, v6  }
0x116: {  	v14 =	vld [tilespmem:s29+$0x65F0]  }
0x117: {  	v15 =	vld [tilespmem:s29+$0x6640];
	v1 =	vmul.f32 v1, v6;
	v2 =	vadd.f32 v2, v53  }
0x118: {  	v18 =	vld [tilespmem:s29+$0x6650]  }
0x119: {  	v19 =	vld [tilespmem:s29+$0x6660];
	v0 =	vmul.f32 v0, v6;
	v1 =	vadd.f32 v1, v52;
	[tilespmem:s29+$0x10510] =	vst v2;
	v2 =	vbroadcast v16, $0x3  }
0x11a: {  	v20 =	vld [tilespmem:s29+$0x6670]  }
0x11b: {  	v21 =	vld [tilespmem:s29+$0x66C0];
	v0 =	vadd.f32 v0, v51;
	[tilespmem:s29+$0x10520] =	vst v1;
	v1 =	vmul.f32 v63, v2  }
0x11c: {  	v22 =	vld [tilespmem:s29+$0x66D0];
	v11 =	vmul.f32 v11, v17  }
0x11d: {  	v23 =	vld [tilespmem:s29+$0x66E0];
	v9 =	vmul.f32 v9, v17;
	[tilespmem:s29+$0x10530] =	vst v0;
	v0 =	vmul.f32 v12, v2;
	v1 =	vadd.f32 v1, v50  }
0x11e: {  	v8 =	vmul.f32 v8, v17;
	v17 =	vld [tilespmem:s29+$0x6740];
	v11 =	vadd.f32 v11, v61  }
0x11f: {  	v9 =	vadd.f32 v9, v60;
	v60 =	vld [tilespmem:s29+$0x6850];
	v0 =	vadd.f32 v0, v49;
	[tilespmem:s29+$0x10580] =	vst v1;
	v1 =	vmul.f32 v13, v2  }
0x120: {  	v8 =	vadd.f32 v8, v59;
	v61 =	vld [tilespmem:s29+$0x6860];
	[tilespmem:s29+$0x10400] =	vst v11  }
0x121: {  	v62 =	vld [tilespmem:s29+$0x6870];
	v2 =	vmul.f32 v14, v2;
	[tilespmem:s29+$0x10590] =	vst v0;
	v0 =	vbroadcast v16, $0x4;
	v1 =	vadd.f32 v1, v48  }
0x122: {  	v11 =	vld [tilespmem:s29+$0x66F0];
	[tilespmem:s29+$0x10420] =	vst v8  }
0x123: {  	v8 =	vld [tilespmem:s29+$0x6750];
	v2 =	vadd.f32 v2, v47;
	[tilespmem:s29+$0x105A0] =	vst v1;
	v1 =	vmul.f32 v15, v0  }
0x124: {  	[tilespmem:s29+$0x10430] =	vst v9;
	v9 =	vld [tilespmem:s29+$0x6760]  }
0x125: {  	[tilespmem:s29+$0x105B0] =	vst v2;
	v2 =	vmul.f32 v18, v0;
	v18 =	vld [tilespmem:s29+$0x68E0];
	v1 =	vadd.f32 v1, v46  }
0x126: {  	v7 =	vmul.f32 v7, v10;
	v4 =	vmul.f32 v4, v10;
	v15 =	vld [tilespmem:s29+$0x68D0]  }
0x127: {  	v5 =	vmul.f32 v5, v10;
	v10 =	vld [tilespmem:s29+$0x67C0];
	v2 =	vadd.f32 v2, v45;
	[tilespmem:s29+$0x10600] =	vst v1;
	v1 =	vmul.f32 v19, v0  }
0x128: {  	v57 =	vld [tilespmem:$0x1FEA0];
	v52 =	vbroadcast v16, $0x9  }
0x129: {  	v19 =	vld [tilespmem:s29+$0x68F0];
	[tilespmem:s29+$0x10610] =	vst v2;
	v2 =	vbroadcast v16, $0x5;
	v1 =	vadd.f32 v1, v44  }
0x12a: {  	v48 =	vld [tilespmem:s29+$0x6960];
	v0 =	vmul.f32 v20, v0;
	v18 =	vmul.f32 v18, v52  }
0x12b: {  	v7 =	vadd.f32 v7, v58;
	v46 =	vld [tilespmem:s29+$0x6940];
	v15 =	vmul.f32 v15, v52;
	[tilespmem:s29+$0x10620] =	vst v1;
	v1 =	vmul.f32 v21, v2  }
0x12c: {  	v0 =	vadd.f32 v0, v43;
	v18 =	vadd.f32 v18, v24;
	v24 =	vld [tilespmem:$0x1FEC0]  }
0x12d: {  	[tilespmem:s29+$0x10480] =	vst v7;
	v7 =	vld [tilespmem:s29+$0x6770];
	v15 =	vadd.f32 v15, v25;
	v25 =	vbroadcast v16, $0xA;
	v1 =	vadd.f32 v1, v42  }
0x12e: {  	v47 =	vld [tilespmem:s29+$0x6950];
	[tilespmem:s29+$0x10630] =	vst v0;
	v0 =	vmul.f32 v22, v2;
	v13 =	vmul.f32 v19, v52  }
0x12f: {  	v49 =	vld [tilespmem:s29+$0x6970];
	v59 =	vmul.f32 v48, v25;
	[tilespmem:s29+$0x10680] =	vst v1;
	v1 =	vmul.f32 v23, v2  }
0x130: {  	v63 =	vld [tilespmem:s29+$0x68C0];
	v19 =	vmul.f32 v46, v25;
	v0 =	vadd.f32 v0, v41;
	v2 =	vmul.f32 v11, v2  }
0x131: {  	v11 =	vbroadcast v16, $0x6;
	v21 =	vadd.f32 v59, v24;
	v24 =	vld [tilespmem:$0x1FED0];
	v1 =	vadd.f32 v1, v40  }
0x132: {  	v4 =	vadd.f32 v4, v56;
	v19 =	vadd.f32 v19, v57;
	[tilespmem:s29+$0x10690] =	vst v0;
	v0 =	vld [tilespmem:s29+$0x69C0]  }
0x133: {  	v56 =	vmul.f32 v47, v25;
	v2 =	vadd.f32 v2, v39;
	v7 =	vmul.f32 v7, v11;
	[tilespmem:s29+$0x106A0] =	vst v1;
	v1 =	vld [tilespmem:s29+$0x69D0]  }
0x134: {  	v23 =	vmul.f32 v49, v25;
	v25 =	vld [tilespmem:$0x1FEF0];
	[tilespmem:s29+$0x10900] =	vst v19;
	v17 =	vmul.f32 v17, v11  }
0x135: {  	v19 =	vbroadcast v16, $0xB;
	v9 =	vmul.f32 v9, v11;
	[tilespmem:s29+$0x106B0] =	vst v2;
	v2 =	vld [tilespmem:s29+$0x69E0];
	v7 =	vadd.f32 v7, v35  }
0x136: {  	v8 =	vmul.f32 v8, v11;
	v17 =	vadd.f32 v17, v38;
	v23 =	vadd.f32 v23, v24;
	v24 =	vld [tilespmem:$0x1FEE0]  }
0x137: {  	v9 =	vadd.f32 v9, v36;
	[tilespmem:s29+$0x10730] =	vst v7;
	v7 =	vld [tilespmem:s29+$0x6A60]  }
0x138: {  	v8 =	vadd.f32 v8, v37;
	[tilespmem:s29+$0x10700] =	vst v17;
	v17 =	vld [tilespmem:s29+$0x69F0];
	v1 =	vmul.f32 v1, v19  }
0x139: {  	v14 =	vmul.f32 v63, v52;
	[tilespmem:s29+$0x10720] =	vst v9;
	v9 =	vld [tilespmem:s29+$0x6A50]  }
0x13a: {  	v63 =	vbroadcast v16, $0xC;
	v0 =	vmul.f32 v0, v19;
	[tilespmem:s29+$0x10710] =	vst v8;
	v8 =	vld [tilespmem:s29+$0x6A40];
	v1 =	vadd.f32 v1, v25  }
0x13b: {  	[tilespmem:s29+$0x104A0] =	vst v4;
	v4 =	vld [tilespmem:s29+$0x67D0];
	v50 =	vbroadcast v16, $0x7  }
0x13c: {  	v0 =	vadd.f32 v0, v24;
	[tilespmem:s29+$0x10990] =	vst v1;
	v1 =	vmul.f32 v7, v63;
	v7 =	vld [tilespmem:$0x1FF20]  }
0x13d: {  	v3 =	vmul.f32 v3, v6;
	v6 =	vld [tilespmem:s29+$0x6840];
	v10 =	vmul.f32 v10, v50  }
0x13e: {  	v5 =	vadd.f32 v5, v55;
	v2 =	vmul.f32 v2, v19;
	[tilespmem:s29+$0x10980] =	vst v0;
	v0 =	vmul.f32 v9, v63;
	v9 =	vld [tilespmem:$0x1FF10]  }
0x13f: {  	v10 =	vadd.f32 v10, v34;
	v17 =	vmul.f32 v17, v19;
	v19 =	vld [tilespmem:$0x1FF00];
	v8 =	vmul.f32 v8, v63  }
0x140: {  	[tilespmem:s29+$0x104B0] =	vst v5;
	v5 =	vld [tilespmem:s29+$0x67E0];
	v3 =	vadd.f32 v3, v54;
	v4 =	vmul.f32 v4, v50  }
0x141: {  	[tilespmem:s29+$0x10780] =	vst v10;
	v10 =	vld [tilespmem:s29+$0x6A70];
	v11 =	vbroadcast v16, $0x8;
	v7 =	vadd.f32 v8, v7  }
0x142: {  	v55 =	vld [tilespmem:$0x1FE90];
	[tilespmem:s29+$0x10500] =	vst v3;
	v4 =	vadd.f32 v4, v33  }
0x143: {  	v6 =	vmul.f32 v6, v11;
	v9 =	vadd.f32 v17, v9;
	[tilespmem:s29+$0x10A00] =	vst v7;
	v7 =	vld [tilespmem:$0x1FF50]  }
0x144: {  	v3 =	vld [tilespmem:s29+$0x67F0];
	[tilespmem:s29+$0x10790] =	vst v4;
	v2 =	vadd.f32 v2, v19  }
0x145: {  	v6 =	vadd.f32 v6, v30;
	[tilespmem:s29+$0x109B0] =	vst v9;
	v9 =	vld [tilespmem:$0x1FF40]  }
0x146: {  	v5 =	vmul.f32 v5, v50;
	v4 =	vld [tilespmem:s29+$0x6AC0];
	[tilespmem:s29+$0x109A0] =	vst v2;
	v2 =	vmul.f32 v10, v63  }
0x147: {  	[tilespmem:s29+$0x10800] =	vst v6;
	v6 =	vld [tilespmem:s29+$0x6AF0]  }
0x148: {  	v5 =	vadd.f32 v5, v32;
	v2 =	vadd.f32 v2, v7;
	v7 =	vld [tilespmem:$0x1FF60]  }
0x149: {  	v58 =	vld [tilespmem:s29+$0x6BE0];
	v8 =	vbroadcast v16, $0xD  }
0x14a: {  	[tilespmem:s29+$0x107A0] =	vst v5;
	v5 =	vld [tilespmem:s29+$0x6AD0];
	v1 =	vadd.f32 v1, v9  }
0x14b: {  	v53 =	vld [tilespmem:s29+$0x6B50];
	v3 =	vmul.f32 v3, v50;
	v4 =	vmul.f32 v4, v8  }
0x14c: {  	[tilespmem:s29+$0x10A20] =	vst v1;
	v1 =	vmul.f32 v6, v8;
	v6 =	vld [tilespmem:$0x1FF70]  }
0x14d: {  	v3 =	vadd.f32 v3, v31;
	v31 =	vmul.f32 v60, v11;
	v10 =	vld [tilespmem:$0x1FF30];
	v4 =	vadd.f32 v4, v7  }
0x14e: {  	v54 =	vld [tilespmem:s29+$0x6B70];
	v12 =	vmul.f32 v61, v11;
	v11 =	vmul.f32 v62, v11  }
0x14f: {  	v5 =	vmul.f32 v5, v8;
	[tilespmem:s29+$0x10A80] =	vst v4;
	v4 =	vld [tilespmem:$0x1FF90]  }
0x150: {  	[tilespmem:s29+$0x107B0] =	vst v3;
	v3 =	vld [tilespmem:s29+$0x6AE0];
	v11 =	vadd.f32 v11, v27  }
0x151: {  	[tilespmem:s29+$0x10890] =	vst v15;
	v12 =	vadd.f32 v12, v28;
	v28 =	vld [tilespmem:s29+$0x6B40];
	v5 =	vadd.f32 v5, v6  }
0x152: {  	[tilespmem:s29+$0x10830] =	vst v11;
	v0 =	vadd.f32 v0, v10;
	v6 =	vld [tilespmem:$0x1FF80]  }
0x153: {  	[tilespmem:s29+$0x10A90] =	vst v5;
	v5 =	vld [tilespmem:$0x1FFA0]  }
0x154: {  	v11 =	vld [tilespmem:s29+$0x6B60];
	[tilespmem:s29+$0x10A10] =	vst v0;
	v0 =	vbroadcast v16, $0xE;
	v1 =	vadd.f32 v1, v4  }
0x155: {  	v15 =	vld [tilespmem:s29+$0x6BC0];
	v3 =	vmul.f32 v3, v8;
	[tilespmem:s29+$0x10A30] =	vst v2  }
0x156: {  	v14 =	vadd.f32 v14, v26;
	v2 =	vmul.f32 v28, v0;
	[tilespmem:s29+$0x10AB0] =	vst v1;
	v1 =	vld [tilespmem:$0x1FFC0]  }
0x157: {  	[tilespmem:s29+$0x108A0] =	vst v18;
	v18 =	vld [tilespmem:s29+$0x6BD0];
	v3 =	vadd.f32 v3, v6  }
0x158: {  	[tilespmem:s29+$0x10880] =	vst v14;
	v60 =	vld [tilespmem:$0x1FEB0];
	v2 =	vadd.f32 v2, v5  }
0x159: {  	v13 =	vadd.f32 v13, v55;
	v5 =	vmul.f32 v11, v0;
	[tilespmem:s29+$0x10AA0] =	vst v3;
	v3 =	vld [tilespmem:$0x1FFB0]  }
0x15a: {  	[tilespmem:s29+$0x10B00] =	vst v2;
	v2 =	vld [tilespmem:$0x1FFD0]  }
0x15b: {  	[tilespmem:s29+$0x108B0] =	vst v13;
	v1 =	vadd.f32 v5, v1;
	v5 =	vld [tilespmem:$0x1FFE0]  }
0x15c: {  	[tilespmem:s29+$0x10920] =	vst v21;
	v61 =	vld [tilespmem:s29+$0x6BF0];
	v29 =	vadd.f32 v31, v29;
	v6 =	vbroadcast v16, $0xF;
	v4 =	vmul.f32 v53, v0  }
0x15d: {  	v62 =	vld [tilespmem:s29+$0x6BA0];
	[tilespmem:s29+$0x10930] =	vst v23  }
0x15e: {  	[tilespmem:s29+$0x10810] =	vst v29;
	v24 =	vld [tilespmem:s29+$0x6BB0];
	v0 =	vmul.f32 v54, v0;
	v3 =	vadd.f32 v4, v3;
	v4 =	vmul.f32 v15, v6  }
0x15f: {  	[tilespmem:s29+$0x10820] =	vst v12  }
0x160: {  	v0 =	vadd.f32 v0, v2;
	[tilespmem:s29+$0x10B10] =	vst v3;
	v3 =	vmul.f32 v58, v6;
	v4 =	vadd.f32 v4, v5;
	v5 =	vld [tilespmem:$0x1FFF0]  }
0x161: {  	v20 =	vadd.f32 v56, v60;
	[tilespmem:s29+$0x10B20] =	vst v1;
	v1 =	vmul.f32 v61, v6  }
0x162: {  	[tilespmem:s29+$0x10B30] =	vst v0;
	v0 =	vadd.f32 v3, v62  }
0x163: {  	[tilespmem:s29+$0x10910] =	vst v20;
	v2 =	vmul.f32 v18, v6;
	v1 =	vadd.f32 v1, v24  }
0x164: {  	[tilespmem:s29+$0x10BA0] =	vst v0  }
0x165: {  	s1 =	sadd.s32 s4, s28;
	[tilespmem:s29+$0x10BB0] =	vst v1;
	v2 =	vadd.f32 v2, v5  }
0x166: {  	s1 =	sshll.u32 s1, $0x4;
	[tilespmem:s29+$0x10B80] =	vst v4  }
0x167: {  	p1 =	seq.s32 s25, $0x27;
	s1 =	sadd.s32 s5, s1;
	[tilespmem:s29+$0x10B90] =	vst v2  }
0x168: {  	[hbm4b:s1+s3] =	stream.linear.scatter [tilespmem:s17], [sflag:$0x3], $0x5000, $0x38;
	[tilespmem:$0x1A400] =	vst v63  }
0x169: {  	s30 =	simm.s32 @!p1 $0x6400;
	s29 =	simm.s32 @!p1 $0x80;
	s1 =	sadd.s32 @!p1 $0x140, s28  }
0x16a: {  	[tilespmem:s30], [sflag:$0x1] =	stream.indirect.gather @!p1 [hbm4b:s2+s29], $0x80, s1, s29, $0xb8;
	[tilespmem:$0x1A400] =	vst v63  }
0x16b: {  	s1 =	sadd.s32 @!p1 $0x1C0, s28;
	s28 =	simm.s32 @!p1 $0x20;
	s29 =	simm.s32 @!p1 $0xA400  }
0x16c: {  	[tilespmem:s29], [sflag:$0x1] =	stream.indirect.gather @!p1 [hbm4b:s2+s28], $0x80, s1, s28, $0xb8;
	[tilespmem:$0x1A400] =	vst v63  }
0x16d: {  	_ =	swait.ge [sflag:s18], $0x4000  }
0x16e: {  	[sflag:s18] =	ssyncset.done $0x0  }
0x16f: {  	[sflag:s18] =	ssyncadd.s32 $0xFFFFC000  }
0x170: {  	_ =	swait.ge [sflag:s18], $0x1000  }
0x171: {  	[sflag:s18] =	ssyncset.done $0x0  }
0x172: {  	s1 =	simm.s32 @!p0 $0x4;
	[sflag:s18] =	ssyncadd.s32 $0xFFFFF000  }
0x173: {  	_ =	swait.ge @!p0 [sflag:s1], $0x5000  }
0x174: {  	[sflag:s1] =	ssyncset.done @!p0 $0x0  }
0x175: {  	s28 =	simm.s32 $0x0;
	[sflag:s1] =	ssyncadd.s32 @!p0 $0xFFFFB000  }
0x176: {  	v0 =	vld [tilespmem:s28+$0xB8B0];
	_ =	sdelay $0x4  }
0x177: {  	[tilespmem:$0x1FD20] =	vst v0;
	v0 =	vld [tilespmem:s28+$0xB900];
	_ =	sdelay $0x4  }
0x178: {  	[tilespmem:$0x1FD30] =	vst v0;
	v0 =	vld [tilespmem:s28+$0xB910];
	_ =	sdelay $0x4  }
0x179: {  	[tilespmem:$0x1FD40] =	vst v0;
	v0 =	vld [tilespmem:s28+$0xB920];
	_ =	sdelay $0x4  }
0x17a: {  	[tilespmem:$0x1FD50] =	vst v0;
	v0 =	vld [tilespmem:s28+$0xB930];
	_ =	sdelay $0x4  }
0x17b: {  	[tilespmem:$0x1FD60] =	vst v0;
	v0 =	vld [tilespmem:s28+$0xB980];
	_ =	sdelay $0x4  }
0x17c: {  	[tilespmem:$0x1FD70] =	vst v0;
	v0 =	vld [tilespmem:s28+$0xB990];
	_ =	sdelay $0x4  }
0x17d: {  	[tilespmem:$0x1FD80] =	vst v0;
	v0 =	vld [tilespmem:s28+$0xB9A0];
	_ =	sdelay $0x4  }
0x17e: {  	[tilespmem:$0x1FD90] =	vst v0;
	v0 =	vld [tilespmem:s28+$0xB9B0];
	_ =	sdelay $0x4  }
0x17f: {  	[tilespmem:$0x1FDA0] =	vst v0;
	v0 =	vld [tilespmem:s28+$0xBA00];
	_ =	sdelay $0x4  }
0x180: {  	[tilespmem:$0x1FDB0] =	vst v0;
	v0 =	vld [tilespmem:s28+$0xBA10]  }
0x181: {  	v61 =	vld [tilespmem:s28+$0xB400]  }
0x182: {  	v62 =	vld [tilespmem:s28+$0xB410]  }
0x183: {  	v59 =	vld [tilespmem:s28+$0xB420]  }
0x184: {  	v60 =	vld [tilespmem:s28+$0xB430]  }
0x185: {  	[tilespmem:$0x1FDC0] =	vst v0;
	v0 =	vld [tilespmem:s28+$0xBA20]  }
0x186: {  	v58 =	vld [tilespmem:s28+$0xB480]  }
0x187: {  	v57 =	vld [tilespmem:s28+$0xB490]  }
0x188: {  	v56 =	vld [tilespmem:s28+$0xB4A0]  }
0x189: {  	v55 =	vld [tilespmem:s28+$0xB4B0]  }
0x18a: {  	[tilespmem:$0x1FDD0] =	vst v0;
	v0 =	vld [tilespmem:s28+$0xBA30]  }
0x18b: {  	v54 =	vld [tilespmem:s28+$0xB500]  }
0x18c: {  	v53 =	vld [tilespmem:s28+$0xB510]  }
0x18d: {  	v52 =	vld [tilespmem:s28+$0xB520]  }
0x18e: {  	v51 =	vld [tilespmem:s28+$0xB530]  }
0x18f: {  	[tilespmem:$0x1FDE0] =	vst v0;
	v0 =	vld [tilespmem:s28+$0xBA80]  }
0x190: {  	v50 =	vld [tilespmem:s28+$0xB580]  }
0x191: {  	v49 =	vld [tilespmem:s28+$0xB590]  }
0x192: {  	v48 =	vld [tilespmem:s28+$0xB5A0]  }
0x193: {  	v47 =	vld [tilespmem:s28+$0xB5B0]  }
0x194: {  	[tilespmem:$0x1FDF0] =	vst v0;
	v0 =	vld [tilespmem:s28+$0xBA90]  }
0x195: {  	v46 =	vld [tilespmem:s28+$0xB600]  }
0x196: {  	v45 =	vld [tilespmem:s28+$0xB610]  }
0x197: {  	v44 =	vld [tilespmem:s28+$0xB620]  }
0x198: {  	v43 =	vld [tilespmem:s28+$0xB630]  }
0x199: {  	[tilespmem:$0x1FE00] =	vst v0;
	v0 =	vld [tilespmem:s28+$0xBAA0]  }
0x19a: {  	v42 =	vld [tilespmem:s28+$0xB680]  }
0x19b: {  	v41 =	vld [tilespmem:s28+$0xB690]  }
0x19c: {  	v40 =	vld [tilespmem:s28+$0xB6A0]  }
0x19d: {  	v39 =	vld [tilespmem:s28+$0xB6B0]  }
0x19e: {  	[tilespmem:$0x1FE10] =	vst v0;
	v0 =	vld [tilespmem:s28+$0xBAB0]  }
0x19f: {  	v38 =	vld [tilespmem:s28+$0xB700]  }
0x1a0: {  	v37 =	vld [tilespmem:s28+$0xB710]  }
0x1a1: {  	v36 =	vld [tilespmem:s28+$0xB720]  }
0x1a2: {  	v35 =	vld [tilespmem:s28+$0xB730]  }
0x1a3: {  	[tilespmem:$0x1FE20] =	vst v0;
	v0 =	vld [tilespmem:s28+$0xBB00]  }
0x1a4: {  	v34 =	vld [tilespmem:s28+$0xB780]  }
0x1a5: {  	v33 =	vld [tilespmem:s28+$0xB790]  }
0x1a6: {  	v32 =	vld [tilespmem:s28+$0xB7A0]  }
0x1a7: {  	v31 =	vld [tilespmem:s28+$0xB7B0]  }
0x1a8: {  	[tilespmem:$0x1FE30] =	vst v0;
	v0 =	vld [tilespmem:s28+$0xBB10]  }
0x1a9: {  	v30 =	vld [tilespmem:s28+$0xB800]  }
0x1aa: {  	v29 =	vld [tilespmem:s28+$0xB810]  }
0x1ab: {  	v28 =	vld [tilespmem:s28+$0xB820]  }
0x1ac: {  	v27 =	vld [tilespmem:s28+$0xB830]  }
0x1ad: {  	[tilespmem:$0x1FE40] =	vst v0;
	v0 =	vld [tilespmem:s28+$0xBB20]  }
0x1ae: {  	v26 =	vld [tilespmem:s28+$0xB880]  }
0x1af: {  	v25 =	vld [tilespmem:s28+$0xB890]  }
0x1b0: {  	v24 =	vld [tilespmem:s28+$0xB8A0]  }
0x1b1: {  	v11 =	vld [tilespmem:s28+$0xB440]  }
0x1b2: {  	[tilespmem:$0x1FE50] =	vst v0;
	v0 =	vld [tilespmem:s28+$0xBB30]  }
0x1b3: {  	v10 =	vld [tilespmem:s28+$0xB450]  }
0x1b4: {  	v8 =	vld [tilespmem:s28+$0xB460]  }
0x1b5: {  	v9 =	vld [tilespmem:s28+$0xB470]  }
0x1b6: {  	v7 =	vld [tilespmem:s28+$0xB4C0]  }
0x1b7: {  	[tilespmem:$0x1FE60] =	vst v0;
	v0 =	vld [tilespmem:s28+$0xBB80]  }
0x1b8: {  	v6 =	vld [tilespmem:s28+$0xB4D0]  }
0x1b9: {  	v4 =	vld [tilespmem:s28+$0xB4E0]  }
0x1ba: {  	v5 =	vld [tilespmem:s28+$0xB4F0]  }
0x1bb: {  	v3 =	vld [tilespmem:s28+$0xB540]  }
0x1bc: {  	[tilespmem:$0x1FE70] =	vst v0;
	v0 =	vld [tilespmem:s28+$0xBB90]  }
0x1bd: {  	v2 =	vld [tilespmem:s28+$0xB550]  }
0x1be: {  	v1 =	vld [tilespmem:s28+$0xB560]  }
0x1bf: {  	v63 =	vld [tilespmem:s28+$0xB5C0]  }
0x1c0: {  	v16 =	vld [tilespmem:s24+$0x0]  }
0x1c1: {  	s30 =	smov.u32 s24;
	s29 =	simm.s32 $0x2000;
	[tilespmem:$0x1FE80] =	vst v0;
	v0 =	vld [tilespmem:s28+$0xB570]  }
.LBB2_5:
0x1c2: {  	v12 =	vld [tilespmem:s28+$0xB5D0]  }
0x1c3: {  	v13 =	vld [tilespmem:s28+$0xB5E0]  }
0x1c4: {  	v14 =	vld [tilespmem:s28+$0xB5F0]  }
0x1c5: {  	v15 =	vld [tilespmem:s28+$0xB640];
	v17 =	vbroadcast v16, $0x0  }
0x1c6: {  	v19 =	vld [tilespmem:s28+$0xB650];
	v18 =	vbroadcast v16, $0x1;
	v20 =	vbroadcast v16, $0x2  }
0x1c7: {  	v22 =	vld [tilespmem:s28+$0xB660];
	v11 =	vmul.f32 v11, v17;
	v10 =	vmul.f32 v10, v17  }
0x1c8: {  	v23 =	vld [tilespmem:s28+$0xB670];
	v8 =	vmul.f32 v8, v17;
	v9 =	vmul.f32 v9, v17  }
0x1c9: {  	v17 =	vld [tilespmem:s28+$0xB6C0];
	v7 =	vmul.f32 v7, v18;
	v6 =	vmul.f32 v6, v18  }
0x1ca: {  	v4 =	vmul.f32 v4, v18;
	v5 =	vmul.f32 v5, v18;
	v18 =	vld [tilespmem:s28+$0xB770]  }
0x1cb: {  	v0 =	vmul.f32 v0, v20;
	v11 =	vadd.f32 v11, v61;
	v61 =	vld [tilespmem:s28+$0xB6D0]  }
0x1cc: {  	v2 =	vmul.f32 v2, v20;
	v9 =	vadd.f32 v9, v60;
	v60 =	vld [tilespmem:s28+$0xB6E0]  }
0x1cd: {  	v3 =	vmul.f32 v3, v20;
	v0 =	vadd.f32 v0, v51;
	v51 =	vld [tilespmem:s28+$0xB7D0]  }
0x1ce: {  	v2 =	vadd.f32 v2, v53;
	v53 =	vld [tilespmem:s28+$0xB7E0]  }
0x1cf: {  	v3 =	vadd.f32 v3, v54;
	v54 =	vld [tilespmem:s28+$0xB840]  }
0x1d0: {  	v10 =	vadd.f32 v10, v62;
	v4 =	vadd.f32 v4, v56;
	v56 =	vld [tilespmem:s28+$0xB860]  }
0x1d1: {  	v8 =	vadd.f32 v8, v59;
	v6 =	vadd.f32 v6, v57;
	v57 =	vld [tilespmem:s28+$0xB870];
	[tilespmem:s28+$0x15400] =	vst v11  }
0x1d2: {  	v11 =	vld [tilespmem:s28+$0xB6F0];
	[tilespmem:s28+$0x15410] =	vst v10  }
0x1d3: {  	v21 =	vbroadcast v16, $0x3;
	v10 =	vld [tilespmem:s28+$0xB740];
	[tilespmem:s28+$0x15420] =	vst v8  }
0x1d4: {  	v7 =	vadd.f32 v7, v58;
	v8 =	vld [tilespmem:s28+$0xB750];
	[tilespmem:s28+$0x15430] =	vst v9  }
0x1d5: {  	v5 =	vadd.f32 v5, v55;
	v62 =	vmul.f32 v14, v21;
	v9 =	vld [tilespmem:s28+$0xB760];
	[tilespmem:s28+$0x15490] =	vst v6;
	v6 =	vmul.f32 v13, v21  }
0x1d6: {  	v1 =	vmul.f32 v1, v20;
	[tilespmem:s28+$0x15480] =	vst v7;
	v7 =	vmul.f32 v63, v21;
	v63 =	vld [tilespmem:s28+$0xB7C0]  }
0x1d7: {  	v12 =	vmul.f32 v12, v21;
	[tilespmem:s28+$0x154B0] =	vst v5;
	v5 =	vadd.f32 v6, v48;
	v6 =	vadd.f32 v62, v47;
	v62 =	vld [tilespmem:s28+$0xB8F0]  }
0x1d8: {  	v1 =	vadd.f32 v1, v52;
	v52 =	vbroadcast v16, $0x5;
	v47 =	vld [tilespmem:s28+$0xBB40]  }
0x1d9: {  	[tilespmem:s28+$0x154A0] =	vst v4;
	v4 =	vadd.f32 v7, v50;
	v7 =	vadd.f32 v12, v49;
	v50 =	vbroadcast v16, $0x4;
	v49 =	vld [tilespmem:$0x1FDE0]  }
0x1da: {  	v58 =	vbroadcast v16, $0x6;
	v55 =	vmul.f32 v61, v52;
	v61 =	vld [tilespmem:s28+$0xB8D0]  }
0x1db: {  	[tilespmem:s28+$0x15500] =	vst v3;
	v3 =	vmul.f32 v15, v50;
	v15 =	vmul.f32 v19, v50;
	v19 =	vld [tilespmem:s28+$0xB7F0]  }
0x1dc: {  	[tilespmem:s28+$0x155B0] =	vst v6;
	v6 =	vmul.f32 v10, v58;
	v10 =	vld [tilespmem:s28+$0xB8E0]  }
0x1dd: {  	[tilespmem:s28+$0x15590] =	vst v7;
	v7 =	vadd.f32 v55, v41;
	v41 =	vld [tilespmem:s28+$0xBA50]  }
0x1de: {  	[tilespmem:s28+$0x15510] =	vst v2;
	v2 =	vmul.f32 v22, v50;
	v12 =	vmul.f32 v23, v50;
	v55 =	vld [tilespmem:s28+$0xBBA0]  }
0x1df: {  	[tilespmem:s28+$0x15520] =	vst v1;
	v1 =	vadd.f32 v3, v46;
	v3 =	vadd.f32 v15, v45;
	v15 =	vmul.f32 v17, v52;
	v17 =	vld [tilespmem:s28+$0xB850]  }
0x1e0: {  	[tilespmem:s28+$0x15530] =	vst v0;
	v0 =	vadd.f32 v2, v44;
	v2 =	vadd.f32 v12, v43;
	v43 =	vld [tilespmem:s28+$0xBAC0]  }
0x1e1: {  	v44 =	vld [tilespmem:s28+$0xBAD0]  }
0x1e2: {  	v45 =	vld [tilespmem:$0x1FD60]  }
0x1e3: {  	v59 =	vbroadcast v16, $0x7;
	v8 =	vmul.f32 v8, v58;
	v46 =	vld [tilespmem:s28+$0xBAE0]  }
0x1e4: {  	[tilespmem:s28+$0x15580] =	vst v4;
	v11 =	vmul.f32 v11, v52;
	v4 =	vadd.f32 v15, v42;
	v15 =	vmul.f32 v60, v52;
	v60 =	vld [tilespmem:s28+$0xB8C0]  }
0x1e5: {  	[tilespmem:s28+$0x15610] =	vst v3;
	v3 =	vadd.f32 v6, v38;
	v6 =	vadd.f32 v8, v37;
	v8 =	vmul.f32 v63, v59;
	v63 =	vld [tilespmem:s28+$0xB940]  }
0x1e6: {  	[tilespmem:s28+$0x15600] =	vst v1;
	v1 =	vmul.f32 v9, v58;
	v9 =	vmul.f32 v18, v58;
	v18 =	vld [tilespmem:s28+$0xB950]  }
0x1e7: {  	[tilespmem:s28+$0x155A0] =	vst v5;
	v37 =	vld [tilespmem:s28+$0xB9C0]  }
0x1e8: {  	v11 =	vadd.f32 v11, v39;
	[tilespmem:s28+$0x15690] =	vst v7;
	v38 =	vld [tilespmem:s28+$0xB9E0];
	v5 =	vadd.f32 v15, v40  }
0x1e9: {  	[tilespmem:s28+$0x15620] =	vst v0;
	v0 =	vadd.f32 v1, v36;
	v1 =	vadd.f32 v9, v35;
	v9 =	vmul.f32 v51, v59;
	v35 =	vld [tilespmem:s28+$0xB960]  }
0x1ea: {  	[tilespmem:s28+$0x15630] =	vst v2;
	v15 =	vbroadcast v16, $0x8;
	v2 =	vadd.f32 v8, v34;
	v8 =	vmul.f32 v53, v59;
	v36 =	vld [tilespmem:s28+$0xB970]  }
0x1eb: {  	v19 =	vmul.f32 v19, v59;
	[tilespmem:s28+$0x15680] =	vst v4;
	v51 =	vld [tilespmem:s28+$0xBBC0];
	v4 =	vadd.f32 v9, v33  }
0x1ec: {  	[tilespmem:s28+$0x156B0] =	vst v11;
	v53 =	vld [tilespmem:s28+$0xBBE0];
	v9 =	vmul.f32 v54, v15;
	v17 =	vmul.f32 v17, v15;
	v7 =	vadd.f32 v8, v32  }
0x1ed: {  	[tilespmem:s28+$0x15700] =	vst v3;
	v8 =	vadd.f32 v19, v31;
	v19 =	vmul.f32 v56, v15;
	v13 =	vmul.f32 v57, v15;
	v15 =	vld [tilespmem:s28+$0xB9D0]  }
0x1ee: {  	[tilespmem:s28+$0x15780] =	vst v2;
	v2 =	vld [tilespmem:$0x1FD20]  }
0x1ef: {  	[tilespmem:s28+$0x15710] =	vst v6;
	v3 =	vadd.f32 v13, v27;
	v27 =	vld [tilespmem:s28+$0xB9F0]  }
0x1f0: {  	[tilespmem:s28+$0x156A0] =	vst v5;
	v5 =	vadd.f32 v9, v30;
	v30 =	vld [tilespmem:s28+$0xBA40]  }
0x1f1: {  	v9 =	vadd.f32 v17, v29;
	v17 =	vbroadcast v16, $0x9;
	[tilespmem:s28+$0x15790] =	vst v4;
	v4 =	vld [tilespmem:$0x1FD30]  }
0x1f2: {  	[tilespmem:s28+$0x157A0] =	vst v7;
	v7 =	vld [tilespmem:$0x1FD40]  }
0x1f3: {  	[tilespmem:s28+$0x157B0] =	vst v8;
	v8 =	vld [tilespmem:$0x1FD50];
	v6 =	vmul.f32 v60, v17;
	v29 =	vmul.f32 v61, v17  }
0x1f4: {  	[tilespmem:s28+$0x15720] =	vst v0;
	v0 =	vmul.f32 v10, v17;
	v10 =	vmul.f32 v62, v17;
	v17 =	vld [tilespmem:s28+$0xBA60]  }
0x1f5: {  	v11 =	vadd.f32 v19, v28;
	[tilespmem:s28+$0x15800] =	vst v5;
	v5 =	vld [tilespmem:$0x1FD70]  }
0x1f6: {  	[tilespmem:s28+$0x15810] =	vst v9;
	v9 =	vld [tilespmem:$0x1FD90]  }
0x1f7: {  	v19 =	vbroadcast v16, $0xA;
	[tilespmem:s28+$0x15820] =	vst v11;
	v11 =	vld [tilespmem:$0x1FDA0]  }
0x1f8: {  	v40 =	vbroadcast v16, $0xB;
	[tilespmem:s28+$0x15830] =	vst v3;
	v3 =	vld [tilespmem:$0x1FDB0]  }
0x1f9: {  	v14 =	vmul.f32 v63, v19;
	v42 =	vmul.f32 v35, v19;
	v62 =	vld [tilespmem:$0x1FE50]  }
0x1fa: {  	v63 =	vld [tilespmem:$0x1FE60];
	v2 =	vadd.f32 v10, v2;
	v10 =	vmul.f32 v18, v19;
	v19 =	vmul.f32 v36, v19  }
0x1fb: {  	[tilespmem:s28+$0x15730] =	vst v1;
	v28 =	vbroadcast v16, $0xC;
	v1 =	vadd.f32 v6, v26;
	v0 =	vadd.f32 v0, v24;
	v18 =	vld [tilespmem:s28+$0xBA70]  }
0x1fc: {  	v24 =	vld [tilespmem:s28+$0xBB60];
	v4 =	vadd.f32 v14, v4;
	v14 =	vadd.f32 v19, v45;
	v19 =	vmul.f32 v38, v40  }
0x1fd: {  	v6 =	vadd.f32 v29, v25;
	v25 =	vld [tilespmem:s28+$0xBB70]  }
0x1fe: {  	[tilespmem:s28+$0x15880] =	vst v1;
	v1 =	vld [tilespmem:$0x1FDD0];
	v9 =	vadd.f32 v19, v9;
	v19 =	vmul.f32 v30, v28  }
0x1ff: {  	[tilespmem:s28+$0x158B0] =	vst v2;
	v2 =	vld [tilespmem:$0x1FDF0]  }
0x200: {  	v7 =	vadd.f32 v10, v7;
	v10 =	vmul.f32 v37, v40;
	v3 =	vadd.f32 v19, v3;
	v19 =	vld [tilespmem:$0x1FDC0]  }
0x201: {  	v8 =	vadd.f32 v42, v8;
	v13 =	vmul.f32 v27, v40;
	[tilespmem:s28+$0x15900] =	vst v4;
	v4 =	vld [tilespmem:$0x1FE10]  }
0x202: {  	[tilespmem:s28+$0x15890] =	vst v6;
	v48 =	vmul.f32 v17, v28;
	v5 =	vadd.f32 v10, v5;
	v10 =	vld [tilespmem:$0x1FD80];
	v17 =	vmul.f32 v18, v28  }
0x203: {  	v12 =	vmul.f32 v41, v28;
	[tilespmem:s28+$0x15920] =	vst v8;
	v8 =	vld [tilespmem:$0x1FE40]  }
0x204: {  	v11 =	vadd.f32 v13, v11;
	[tilespmem:s28+$0x15910] =	vst v7;
	v7 =	vld [tilespmem:$0x1FE30];
	v13 =	vadd.f32 v17, v49;
	v17 =	vbroadcast v16, $0xE  }
0x205: {  	s1 =	sshra.s32 s29, $0x2;
	v15 =	vmul.f32 v15, v40;
	[tilespmem:s28+$0x158A0] =	vst v0;
	v18 =	vld [tilespmem:s28+$0xBB50];
	v12 =	vadd.f32 v12, v19;
	v19 =	vbroadcast v16, $0xD  }
0x206: {  	v61 =	vld [tilespmem:s1+$0xB400];
	v54 =	vmul.f32 v24, v17  }
0x207: {  	[tilespmem:s28+$0x15930] =	vst v14;
	v10 =	vadd.f32 v15, v10;
	v15 =	vld [tilespmem:s28+$0xBAF0];
	v0 =	vmul.f32 v46, v19  }
0x208: {  	v14 =	vadd.f32 v54, v62;
	v62 =	vld [tilespmem:s1+$0xB410]  }
0x209: {  	[tilespmem:s28+$0x15980] =	vst v5;
	v0 =	vadd.f32 v0, v4;
	v4 =	vld [tilespmem:$0x1FE20]  }
0x20a: {  	v59 =	vld [tilespmem:s1+$0xB420];
	[tilespmem:s28+$0x15990] =	vst v10  }
0x20b: {  	v60 =	vld [tilespmem:s1+$0xB430]  }
0x20c: {  	[tilespmem:s28+$0x159A0] =	vst v9;
	v9 =	vld [tilespmem:$0x1FE70];
	v15 =	vmul.f32 v15, v19  }
0x20d: {  	v6 =	vmul.f32 v43, v19;
	v50 =	vmul.f32 v44, v19;
	v19 =	vld [tilespmem:s28+$0xBBD0]  }
0x20e: {  	v58 =	vld [tilespmem:s1+$0xB480];
	v4 =	vadd.f32 v15, v4;
	v15 =	vmul.f32 v18, v17  }
0x20f: {  	[tilespmem:s28+$0x159B0] =	vst v11;
	v2 =	vadd.f32 v6, v2;
	v6 =	vld [tilespmem:$0x1FE00]  }
0x210: {  	v57 =	vld [tilespmem:s1+$0xB490];
	[tilespmem:s28+$0x15A00] =	vst v3;
	v8 =	vadd.f32 v15, v8;
	v15 =	vbroadcast v16, $0xF  }
0x211: {  	v56 =	vld [tilespmem:s1+$0xB4A0]  }
0x212: {  	v18 =	vld [tilespmem:s28+$0xBBF0];
	v5 =	vmul.f32 v51, v15  }
0x213: {  	v1 =	vadd.f32 v48, v1;
	v16 =	vld [tilespmem:s28+$0xBBB0];
	v10 =	vmul.f32 v53, v15  }
0x214: {  	[tilespmem:s28+$0x15A10] =	vst v12;
	v5 =	vadd.f32 v5, v9;
	v9 =	vld [tilespmem:$0x1FE80]  }
0x215: {  	v10 =	vadd.f32 v10, v55;
	v55 =	vld [tilespmem:s1+$0xB4B0];
	[tilespmem:s28+$0x15A20] =	vst v1  }
0x216: {  	v52 =	vmul.f32 v47, v17;
	v6 =	vadd.f32 v50, v6;
	v54 =	vld [tilespmem:s1+$0xB500];
	[tilespmem:s28+$0x15A30] =	vst v13  }
0x217: {  	v53 =	vld [tilespmem:s1+$0xB510];
	[tilespmem:s28+$0x15A80] =	vst v2  }
0x218: {  	v7 =	vadd.f32 v52, v7;
	v52 =	vld [tilespmem:s1+$0xB520];
	[tilespmem:s28+$0x15A90] =	vst v6  }
0x219: {  	v51 =	vld [tilespmem:s1+$0xB530];
	[tilespmem:s28+$0x15AA0] =	vst v0  }
0x21a: {  	v17 =	vmul.f32 v25, v17;
	v50 =	vld [tilespmem:s1+$0xB580];
	[tilespmem:s28+$0x15AB0] =	vst v4  }
0x21b: {  	v49 =	vld [tilespmem:s1+$0xB590];
	[tilespmem:s28+$0x15B00] =	vst v7  }
0x21c: {  	v17 =	vadd.f32 v17, v63;
	v19 =	vmul.f32 v19, v15;
	v48 =	vld [tilespmem:s1+$0xB5A0];
	[tilespmem:s28+$0x15B10] =	vst v8  }
0x21d: {  	v47 =	vld [tilespmem:s1+$0xB5B0];
	[tilespmem:s28+$0x15B20] =	vst v14  }
0x21e: {  	v15 =	vmul.f32 v18, v15;
	v9 =	vadd.f32 v19, v9;
	v46 =	vld [tilespmem:s1+$0xB600];
	[tilespmem:s28+$0x15B30] =	vst v17  }
0x21f: {  	v45 =	vld [tilespmem:s1+$0xB610];
	[tilespmem:s28+$0x15B80] =	vst v5  }
0x220: {  	v11 =	vadd.f32 v15, v16;
	v44 =	vld [tilespmem:s1+$0xB620];
	[tilespmem:s28+$0x15B90] =	vst v9  }
0x221: {  	v43 =	vld [tilespmem:s1+$0xB630];
	[tilespmem:s28+$0x15BA0] =	vst v10  }
0x222: {  	v42 =	vld [tilespmem:s1+$0xB680];
	[tilespmem:s28+$0x15BB0] =	vst v11;
	s28 =	smov.u32 s1  }
0x223: {  	v0 =	vld [tilespmem:s28+$0xB8B0];
	_ =	sdelay $0x4  }
0x224: {  	[tilespmem:$0x1FD20] =	vst v0;
	v0 =	vld [tilespmem:s28+$0xB900];
	_ =	sdelay $0x4  }
0x225: {  	[tilespmem:$0x1FD30] =	vst v0;
	v0 =	vld [tilespmem:s28+$0xB910];
	_ =	sdelay $0x4  }
0x226: {  	[tilespmem:$0x1FD40] =	vst v0;
	v0 =	vld [tilespmem:s28+$0xB920];
	_ =	sdelay $0x4  }
0x227: {  	[tilespmem:$0x1FD50] =	vst v0;
	v0 =	vld [tilespmem:s28+$0xB930];
	_ =	sdelay $0x4  }
0x228: {  	[tilespmem:$0x1FD60] =	vst v0;
	v0 =	vld [tilespmem:s28+$0xB980];
	_ =	sdelay $0x4  }
0x229: {  	[tilespmem:$0x1FD70] =	vst v0;
	v0 =	vld [tilespmem:s28+$0xB990];
	_ =	sdelay $0x4  }
0x22a: {  	[tilespmem:$0x1FD80] =	vst v0;
	v0 =	vld [tilespmem:s28+$0xB9A0];
	_ =	sdelay $0x4  }
0x22b: {  	[tilespmem:$0x1FD90] =	vst v0;
	v0 =	vld [tilespmem:s28+$0xB9B0];
	_ =	sdelay $0x4  }
0x22c: {  	[tilespmem:$0x1FDA0] =	vst v0;
	v0 =	vld [tilespmem:s28+$0xBA00];
	_ =	sdelay $0x4  }
0x22d: {  	[tilespmem:$0x1FDB0] =	vst v0;
	v0 =	vld [tilespmem:s28+$0xBA10];
	_ =	sdelay $0x4  }
0x22e: {  	[tilespmem:$0x1FDC0] =	vst v0;
	v0 =	vld [tilespmem:s28+$0xBA20];
	_ =	sdelay $0x4  }
0x22f: {  	[tilespmem:$0x1FDD0] =	vst v0;
	v0 =	vld [tilespmem:s28+$0xBA30];
	_ =	sdelay $0x4  }
0x230: {  	[tilespmem:$0x1FDE0] =	vst v0;
	v0 =	vld [tilespmem:s28+$0xBA80];
	_ =	sdelay $0x4  }
0x231: {  	[tilespmem:$0x1FDF0] =	vst v0;
	v0 =	vld [tilespmem:s28+$0xBA90];
	_ =	sdelay $0x4  }
0x232: {  	[tilespmem:$0x1FE00] =	vst v0;
	v0 =	vld [tilespmem:s28+$0xBAA0];
	_ =	sdelay $0x1  }
0x233: {  	v41 =	vld [tilespmem:s28+$0xB690]  }
0x234: {  	v40 =	vld [tilespmem:s28+$0xB6A0]  }
0x235: {  	v39 =	vld [tilespmem:s28+$0xB6B0]  }
0x236: {  	[tilespmem:$0x1FE10] =	vst v0;
	v0 =	vld [tilespmem:s28+$0xBAB0]  }
0x237: {  	v38 =	vld [tilespmem:s28+$0xB700]  }
0x238: {  	v37 =	vld [tilespmem:s28+$0xB710]  }
0x239: {  	v36 =	vld [tilespmem:s28+$0xB720]  }
0x23a: {  	v35 =	vld [tilespmem:s28+$0xB730]  }
0x23b: {  	[tilespmem:$0x1FE20] =	vst v0;
	v0 =	vld [tilespmem:s28+$0xBB00]  }
0x23c: {  	v34 =	vld [tilespmem:s28+$0xB780]  }
0x23d: {  	v33 =	vld [tilespmem:s28+$0xB790]  }
0x23e: {  	v32 =	vld [tilespmem:s28+$0xB7A0]  }
0x23f: {  	v31 =	vld [tilespmem:s28+$0xB7B0]  }
0x240: {  	[tilespmem:$0x1FE30] =	vst v0;
	v0 =	vld [tilespmem:s28+$0xBB10]  }
0x241: {  	v30 =	vld [tilespmem:s28+$0xB800]  }
0x242: {  	v29 =	vld [tilespmem:s28+$0xB810]  }
0x243: {  	v28 =	vld [tilespmem:s28+$0xB820]  }
0x244: {  	v27 =	vld [tilespmem:s28+$0xB830]  }
0x245: {  	[tilespmem:$0x1FE40] =	vst v0;
	v0 =	vld [tilespmem:s28+$0xBB20]  }
0x246: {  	v26 =	vld [tilespmem:s28+$0xB880]  }
0x247: {  	v25 =	vld [tilespmem:s28+$0xB890]  }
0x248: {  	v24 =	vld [tilespmem:s28+$0xB8A0]  }
0x249: {  	v11 =	vld [tilespmem:s28+$0xB440]  }
0x24a: {  	[tilespmem:$0x1FE50] =	vst v0;
	v0 =	vld [tilespmem:s28+$0xBB30]  }
0x24b: {  	v10 =	vld [tilespmem:s28+$0xB450]  }
0x24c: {  	v8 =	vld [tilespmem:s28+$0xB460]  }
0x24d: {  	v9 =	vld [tilespmem:s28+$0xB470]  }
0x24e: {  	v7 =	vld [tilespmem:s28+$0xB4C0]  }
0x24f: {  	[tilespmem:$0x1FE60] =	vst v0;
	v0 =	vld [tilespmem:s28+$0xBB80]  }
0x250: {  	v6 =	vld [tilespmem:s28+$0xB4D0]  }
0x251: {  	v4 =	vld [tilespmem:s28+$0xB4E0]  }
0x252: {  	v5 =	vld [tilespmem:s28+$0xB4F0]  }
0x253: {  	v3 =	vld [tilespmem:s28+$0xB540]  }
0x254: {  	p0 =	sne.s32 s29, $0x12000;
	[tilespmem:$0x1FE70] =	vst v0;
	v0 =	vld [tilespmem:s28+$0xBB90]  }
.Ltmp1:
0x255: {  	v2 =	vld [tilespmem:s28+$0xB550];
	(pc) =	sbr.rel @p0 .LBB2_5-.Ltmp1, $4  }
0x256: {  	v1 =	vld [tilespmem:s28+$0xB560]  }
0x257: {  	s30 =	sadd.s32 $0x10, s30;
	v63 =	vld [tilespmem:s28+$0xB5C0]  }
0x258: {  	v16 =	vld [tilespmem:s30+$0x0]  }
0x259: {  	s29 =	sadd.s32 $0x2000, s29;
	[tilespmem:$0x1FE80] =	vst v0;
	v0 =	vld [tilespmem:s28+$0xB570]  }
0x25a: {  	v12 =	vld [tilespmem:s28+$0xB5D0]  }
0x25b: {  	v13 =	vld [tilespmem:s28+$0xB5E0]  }
0x25c: {  	v14 =	vld [tilespmem:s28+$0xB5F0]  }
0x25d: {  	v15 =	vld [tilespmem:s28+$0xB640]  }
0x25e: {  	v18 =	vld [tilespmem:s28+$0xB650]  }
0x25f: {  	v19 =	vld [tilespmem:s28+$0xB660];
	v17 =	vbroadcast v16, $0x0  }
0x260: {  	v20 =	vld [tilespmem:s28+$0xB670]  }
0x261: {  	v21 =	vld [tilespmem:s28+$0xB6C0];
	v11 =	vmul.f32 v11, v17  }
0x262: {  	v22 =	vld [tilespmem:s28+$0xB6D0];
	v8 =	vmul.f32 v8, v17  }
0x263: {  	v23 =	vld [tilespmem:s28+$0xB6E0];
	v9 =	vmul.f32 v9, v17;
	v11 =	vadd.f32 v11, v61  }
0x264: {  	v10 =	vmul.f32 v10, v17;
	v17 =	vld [tilespmem:s28+$0xB740];
	v8 =	vadd.f32 v8, v59  }
0x265: {  	v59 =	vbroadcast v16, $0x1;
	v9 =	vadd.f32 v9, v60;
	[tilespmem:s28+$0x15400] =	vst v11;
	v11 =	vld [tilespmem:s28+$0xB6F0]  }
0x266: {  	v10 =	vadd.f32 v10, v62;
	v60 =	vbroadcast v16, $0x2;
	v61 =	vbroadcast v16, $0x3;
	[tilespmem:s28+$0x15420] =	vst v8;
	v8 =	vld [tilespmem:s28+$0xB750]  }
0x267: {  	v7 =	vmul.f32 v7, v59;
	[tilespmem:s28+$0x15430] =	vst v9;
	v9 =	vld [tilespmem:s28+$0xB760];
	v4 =	vmul.f32 v4, v59  }
0x268: {  	[tilespmem:s28+$0x15410] =	vst v10;
	v10 =	vld [tilespmem:s28+$0xB7C0];
	v3 =	vmul.f32 v3, v60;
	v0 =	vmul.f32 v0, v60  }
0x269: {  	v62 =	vmul.f32 v63, v61;
	v63 =	vmul.f32 v12, v61;
	v12 =	vld [tilespmem:s28+$0xB860]  }
0x26a: {  	v2 =	vmul.f32 v2, v60;
	v1 =	vmul.f32 v1, v60;
	v60 =	vld [tilespmem:s28+$0xB960]  }
0x26b: {  	v5 =	vmul.f32 v5, v59;
	v7 =	vadd.f32 v7, v58;
	v0 =	vadd.f32 v0, v51;
	v51 =	vld [tilespmem:s28+$0xB850]  }
0x26c: {  	v4 =	vadd.f32 v4, v56;
	v56 =	vld [tilespmem:s28+$0xB8F0]  }
0x26d: {  	v6 =	vmul.f32 v6, v59;
	v5 =	vadd.f32 v5, v55;
	[tilespmem:s28+$0x15480] =	vst v7;
	v7 =	vld [tilespmem:s28+$0xB770]  }
0x26e: {  	v3 =	vadd.f32 v3, v54;
	[tilespmem:s28+$0x154A0] =	vst v4;
	v4 =	vld [tilespmem:s28+$0xB7D0]  }
0x26f: {  	v6 =	vadd.f32 v6, v57;
	[tilespmem:s28+$0x154B0] =	vst v5;
	v5 =	vld [tilespmem:s28+$0xB7E0]  }
0x270: {  	v1 =	vadd.f32 v1, v52;
	[tilespmem:s28+$0x15500] =	vst v3;
	v3 =	vld [tilespmem:s28+$0xB7F0]  }
0x271: {  	v2 =	vadd.f32 v2, v53;
	[tilespmem:s28+$0x15490] =	vst v6;
	v6 =	vld [tilespmem:s28+$0xB840]  }
0x272: {  	v52 =	vbroadcast v16, $0x4;
	[tilespmem:s28+$0x15520] =	vst v1;
	v1 =	vadd.f32 v62, v50;
	v50 =	vmul.f32 v13, v61;
	v13 =	vld [tilespmem:s28+$0xB870]  }
0x273: {  	[tilespmem:s28+$0x15510] =	vst v2;
	v2 =	vmul.f32 v14, v61;
	v14 =	vld [tilespmem:s28+$0xB8C0]  }
0x274: {  	v57 =	vbroadcast v16, $0x5;
	v53 =	vmul.f32 v15, v52;
	v15 =	vld [tilespmem:s28+$0xB8D0]  }
0x275: {  	v54 =	vmul.f32 v18, v52;
	v18 =	vld [tilespmem:s28+$0xB8E0]  }
0x276: {  	v58 =	vmul.f32 v21, v57;
	v21 =	vld [tilespmem:s28+$0xB950]  }
0x277: {  	v61 =	vmul.f32 v23, v57;
	v23 =	vld [tilespmem:s28+$0xB970]  }
0x278: {  	[tilespmem:s28+$0x15530] =	vst v0;
	v0 =	vadd.f32 v63, v49;
	v63 =	vld [tilespmem:s28+$0xB9C0]  }
0x279: {  	v49 =	vld [tilespmem:s28+$0xBAE0];
	[tilespmem:s28+$0x15580] =	vst v1;
	v1 =	vadd.f32 v50, v48  }
0x27a: {  	v62 =	vbroadcast v16, $0x6;
	[tilespmem:s28+$0x15590] =	vst v0;
	v2 =	vadd.f32 v2, v47;
	v0 =	vmul.f32 v20, v52;
	v20 =	vld [tilespmem:s28+$0xB940]  }
0x27b: {  	v47 =	vld [tilespmem:s28+$0xBAD0];
	[tilespmem:s28+$0x155A0] =	vst v1;
	v1 =	vadd.f32 v53, v46  }
0x27c: {  	v17 =	vmul.f32 v17, v62;
	v50 =	vld [tilespmem:s28+$0xBAF0];
	[tilespmem:s28+$0x155B0] =	vst v2;
	v2 =	vadd.f32 v54, v45  }
0x27d: {  	v55 =	vmul.f32 v19, v52;
	v8 =	vmul.f32 v8, v62;
	v52 =	vld [tilespmem:s28+$0xBB40];
	v0 =	vadd.f32 v0, v43;
	[tilespmem:s28+$0x15600] =	vst v1  }
0x27e: {  	v9 =	vmul.f32 v9, v62;
	v17 =	vadd.f32 v17, v38;
	v38 =	vld [tilespmem:s28+$0xB9E0];
	[tilespmem:s28+$0x15610] =	vst v2  }
0x27f: {  	v8 =	vadd.f32 v8, v37;
	v43 =	vld [tilespmem:s28+$0xBA60];
	[tilespmem:s28+$0x15630] =	vst v0  }
0x280: {  	v59 =	vmul.f32 v22, v57;
	v9 =	vadd.f32 v9, v36;
	v46 =	vld [tilespmem:s28+$0xBAC0];
	[tilespmem:s28+$0x15700] =	vst v17  }
0x281: {  	v53 =	vld [tilespmem:s28+$0xBB50];
	v7 =	vmul.f32 v7, v62;
	v1 =	vadd.f32 v55, v44;
	[tilespmem:s28+$0x15710] =	vst v8  }
0x282: {  	v45 =	vbroadcast v16, $0x8;
	v54 =	vld [tilespmem:s28+$0xBB60];
	v0 =	vadd.f32 v59, v41;
	[tilespmem:s28+$0x15720] =	vst v9  }
0x283: {  	v37 =	vld [tilespmem:$0x1FDB0];
	v2 =	vmul.f32 v11, v57;
	v7 =	vadd.f32 v7, v35;
	[tilespmem:s28+$0x15620] =	vst v1  }
0x284: {  	v62 =	vld [tilespmem:$0x1FD50];
	v6 =	vmul.f32 v6, v45;
	v1 =	vadd.f32 v58, v42;
	[tilespmem:s28+$0x15690] =	vst v0  }
0x285: {  	v41 =	vld [tilespmem:s28+$0xBA40];
	v48 =	vmul.f32 v51, v45;
	v2 =	vadd.f32 v2, v39;
	[tilespmem:s28+$0x15730] =	vst v7  }
0x286: {  	v44 =	vld [tilespmem:s28+$0xBA70];
	v12 =	vmul.f32 v12, v45;
	v6 =	vadd.f32 v6, v30;
	[tilespmem:s28+$0x15680] =	vst v1  }
0x287: {  	v11 =	vmul.f32 v13, v45;
	v51 =	vbroadcast v16, $0x9;
	v55 =	vld [tilespmem:s28+$0xBB70];
	v29 =	vadd.f32 v48, v29;
	[tilespmem:s28+$0x156B0] =	vst v2  }
0x288: {  	v57 =	vld [tilespmem:s28+$0xBBC0];
	v12 =	vadd.f32 v12, v28;
	[tilespmem:s28+$0x15800] =	vst v6  }
0x289: {  	v59 =	vld [tilespmem:$0x1FD30];
	v11 =	vadd.f32 v11, v27;
	v14 =	vmul.f32 v14, v51;
	v15 =	vmul.f32 v15, v51;
	[tilespmem:s28+$0x15810] =	vst v29  }
0x28a: {  	v45 =	vld [tilespmem:$0x1FDF0];
	v13 =	vmul.f32 v56, v51;
	v56 =	vbroadcast v16, $0xA;
	v1 =	vadd.f32 v61, v40;
	[tilespmem:s28+$0x15820] =	vst v12  }
0x28b: {  	v18 =	vmul.f32 v18, v51;
	v58 =	vld [tilespmem:$0x1FD20];
	v14 =	vadd.f32 v14, v26;
	[tilespmem:s28+$0x15830] =	vst v11  }
0x28c: {  	v27 =	vld [tilespmem:$0x1FD60];
	v15 =	vadd.f32 v15, v25;
	v20 =	vmul.f32 v20, v56;
	[tilespmem:s28+$0x156A0] =	vst v1  }
0x28d: {  	v35 =	vld [tilespmem:$0x1FDA0];
	v18 =	vadd.f32 v18, v24;
	v22 =	vmul.f32 v60, v56;
	[tilespmem:s28+$0x15880] =	vst v14  }
0x28e: {  	v39 =	vld [tilespmem:s28+$0xB9F0];
	v40 =	vbroadcast v16, $0x7;
	[tilespmem:s28+$0x15890] =	vst v15;
	v20 =	vadd.f32 v20, v59  }
0x28f: {  	v42 =	vld [tilespmem:s28+$0xBA50];
	v19 =	vmul.f32 v23, v56;
	[tilespmem:s28+$0x158A0] =	vst v18;
	v22 =	vadd.f32 v22, v62  }
0x290: {  	v30 =	vld [tilespmem:$0x1FD70];
	v10 =	vmul.f32 v10, v40;
	v13 =	vadd.f32 v13, v58;
	[tilespmem:s28+$0x15900] =	vst v20  }
0x291: {  	v48 =	vld [tilespmem:$0x1FE10];
	v4 =	vmul.f32 v4, v40;
	v19 =	vadd.f32 v19, v27;
	[tilespmem:s28+$0x15920] =	vst v22  }
0x292: {  	v60 =	vld [tilespmem:$0x1FD40];
	v61 =	vbroadcast v16, $0xB;
	v5 =	vmul.f32 v5, v40;
	v10 =	vadd.f32 v10, v34;
	[tilespmem:s28+$0x158B0] =	vst v13  }
0x293: {  	v24 =	vld [tilespmem:s28+$0xBBF0];
	v29 =	vbroadcast v16, $0xC;
	v3 =	vmul.f32 v3, v40;
	v4 =	vadd.f32 v4, v33;
	[tilespmem:s28+$0x15930] =	vst v19  }
0x294: {  	v21 =	vmul.f32 v21, v56;
	v56 =	vld [tilespmem:$0x1FE50];
	v0 =	vmul.f32 v63, v61;
	v5 =	vadd.f32 v5, v32;
	[tilespmem:s28+$0x15780] =	vst v10  }
0x295: {  	v7 =	vmul.f32 v43, v29;
	v43 =	vld [tilespmem:$0x1FDE0];
	v3 =	vadd.f32 v3, v31;
	[tilespmem:s28+$0x15790] =	vst v4  }
0x296: {  	v1 =	vld [tilespmem:s28+$0xB9D0];
	v2 =	vmul.f32 v38, v61;
	v17 =	vmul.f32 v39, v61;
	v0 =	vadd.f32 v0, v30;
	[tilespmem:s28+$0x157A0] =	vst v5  }
0x297: {  	v18 =	vld [tilespmem:s28+$0xBBD0];
	v38 =	vbroadcast v16, $0xD;
	v34 =	vmul.f32 v41, v29;
	v21 =	vadd.f32 v21, v60;
	[tilespmem:s28+$0x157B0] =	vst v3  }
0x298: {  	v39 =	vmul.f32 v44, v29;
	v32 =	vld [tilespmem:$0x1FD80];
	v8 =	vadd.f32 v17, v35;
	[tilespmem:s28+$0x15980] =	vst v0  }
0x299: {  	v36 =	vmul.f32 v42, v29;
	v33 =	vld [tilespmem:$0x1FD90];
	v42 =	vmul.f32 v46, v38;
	v0 =	vadd.f32 v34, v37;
	[tilespmem:s28+$0x15910] =	vst v21  }
0x29a: {  	v41 =	vld [tilespmem:$0x1FDD0];
	v3 =	vmul.f32 v49, v38;
	[tilespmem:s28+$0x159B0] =	vst v8;
	v4 =	vadd.f32 v39, v43  }
0x29b: {  	v58 =	vld [tilespmem:$0x1FE60];
	v46 =	vbroadcast v16, $0xE;
	v1 =	vmul.f32 v1, v61;
	[tilespmem:s28+$0x15A00] =	vst v0;
	v0 =	vadd.f32 v42, v45  }
0x29c: {  	v40 =	vld [tilespmem:$0x1FDC0];
	v3 =	vadd.f32 v3, v48;
	[tilespmem:s28+$0x15A30] =	vst v4  }
0x29d: {  	v49 =	vmul.f32 v52, v46;
	v52 =	vld [tilespmem:$0x1FE30];
	v1 =	vadd.f32 v1, v32;
	[tilespmem:s28+$0x15A80] =	vst v0  }
0x29e: {  	v44 =	vmul.f32 v47, v38;
	v47 =	vld [tilespmem:$0x1FE00];
	v5 =	vmul.f32 v55, v46;
	v2 =	vadd.f32 v2, v33;
	[tilespmem:s28+$0x15AA0] =	vst v3  }
0x29f: {  	v60 =	vld [tilespmem:$0x1FE70];
	v51 =	vmul.f32 v53, v46;
	v53 =	vmul.f32 v54, v46;
	v7 =	vadd.f32 v7, v41;
	[tilespmem:s28+$0x15990] =	vst v1  }
0x2a0: {  	v54 =	vbroadcast v16, $0xF;
	v3 =	vadd.f32 v5, v58;
	[tilespmem:s28+$0x159A0] =	vst v2;
	v2 =	vmul.f32 v50, v38;
	v50 =	vld [tilespmem:$0x1FE20]  }
0x2a1: {  	v55 =	vld [tilespmem:$0x1FE40];
	v1 =	vadd.f32 v36, v40;
	[tilespmem:s28+$0x15A20] =	vst v7  }
0x2a2: {  	v13 =	vld [tilespmem:s28+$0xBBE0];
	v57 =	vmul.f32 v57, v54;
	v0 =	vadd.f32 v49, v52;
	[tilespmem:s28+$0x15B30] =	vst v3  }
0x2a3: {  	v62 =	vld [tilespmem:$0x1FE80];
	[tilespmem:s28+$0x15A10] =	vst v1;
	v1 =	vadd.f32 v44, v47  }
0x2a4: {  	v63 =	vld [tilespmem:s28+$0xBBA0];
	[tilespmem:s28+$0x15B00] =	vst v0;
	v0 =	vadd.f32 v57, v60  }
0x2a5: {  	v31 =	vld [tilespmem:s28+$0xBBB0];
	[tilespmem:s28+$0x15A90] =	vst v1;
	v2 =	vadd.f32 v2, v50  }
0x2a6: {  	v59 =	vmul.f32 v18, v54;
	v1 =	vadd.f32 v51, v55;
	[tilespmem:s28+$0x15B80] =	vst v0  }
0x2a7: {  	s25 =	sadd.s32 $0x1, s25;
	v61 =	vmul.f32 v13, v54;
	[tilespmem:s28+$0x15AB0] =	vst v2;
	v2 =	vadd.f32 v53, v56  }
0x2a8: {  	p0 =	sne.s32 s25, $0x28;
	v4 =	vmul.f32 v24, v54;
	[tilespmem:s28+$0x15B10] =	vst v1;
	v1 =	vadd.f32 v59, v62  }
.Ltmp2:
0x2a9: {  	[tilespmem:s28+$0x15B20] =	vst v2;
	v2 =	vadd.f32 v61, v63;
	(pc) =	sbr.rel @p0 .LBB2_2-.Ltmp2, $4  }
0x2aa: {  	s1 =	sadd.s32 s4, s26;
	[tilespmem:s28+$0x15B90] =	vst v1;
	v63 =	vadd.f32 v4, v31  }
0x2ab: {  	s1 =	sshll.u32 s1, $0x4;
	[tilespmem:s28+$0x15BA0] =	vst v2  }
0x2ac: {  	s23 =	sadd.s32 $0x140, s23;
	s24 =	sadd.s32 $0x140, s24;
	s1 =	sadd.s32 s5, s1;
	[tilespmem:s28+$0x15BB0] =	vst v63  }
0x2ad: {  	[hbm4b:s1+s3] =	stream.linear.scatter [tilespmem:s19], [sflag:$0x4], $0x5000, $0x38;
	[tilespmem:$0x1A400] =	vst v63  }
0x2ae: {  	s22 =	sadd.s32 $0x1, s22  }
0x2af: {  	_ =	swait.ge [sflag:s20], $0x5000;
	p0 =	sne.s32 s22, s8  }
.Ltmp3:
0x2b0: {  	[sflag:s20] =	ssyncset.done $0x0;
	(pc) =	sbr.rel @p0 .LBB2_1-.Ltmp3, $4  }
0x2b1: {  	[sflag:s20] =	ssyncadd.s32 $0xFFFFB000  }
0x2b2: {  	_ =	swait.ge [sflag:s21], $0x5000  }
0x2b3: {  	[sflag:s21] =	ssyncset.done $0x0  }
0x2b4: {  	[sflag:s21] =	ssyncadd.s32 $0xFFFFB000  }
0x2b5: {  	_ =	sfence.sel $0x180000  }
0x2b6: {  	[bflag:$0x0] =	sbarrier.arrive $0xFFFF  }
0x2b7: {  	_ =	strace $0x90000047  }
0x2b8: {  	[bflag:$0x2] =	sbarrier.arrive $0xFFFF  }
0x2b9: {  	p0 =	sne.s32 s0, $0x0;
	s0 =	rddreg [dreg:$0x4]  }
0x2ba: {  	s0 =	sadd.s32 @!p0 $0x100000, s0  }
0x2bb: {  	[sflag:s0] =	ssyncadd.tile.s32 @!p0 $0x1;
	_ =	shalt  }
.Lfunc_end2:
_tile_overlayer_lowered:
.L_overlay_start_2:
0x2bc: {  	(tag) =	ssettag $0x2  }
0x2bd: {  	s0 =	rddreg [dreg:$0x0];
	s2 =	stileid.u32  }
0x2be: {  	s1 =	rddreg [dreg:$0x1];
	p0 =	sne.s32 s2, $0x0  }
0x2bf: {  	s3 =	rddreg [dreg:$0x2];
	[bflag:$0x3] =	sbarrier.arrive $0xFFFF;
	s2 =	simm.s32 @!p0 $0x1C05  }
0x2c0: {  	[timem:s3], [sflag:s2] =	dma.local @!p0 [hbm:s0], s1  }
0x2c1: {  	s0 =	simm.s32 @!p0 $0x5  }
0x2c2: {  	_ =	swait.ge @!p0 [sflag:s0], s1  }
0x2c3: {  	s1 =	ssub.s32 @!p0 $0x0, s1;
	[sflag:s0] =	ssyncset.done @!p0 $0x0  }
0x2c4: {  	[sflag:s0] =	ssyncadd.s32 @!p0 s1  }
0x2c5: {  	[bflag:$0x3] =	sbarrier.arrive $0xFFFF  }
0x2c6: {  	_ =	shalt  }

</sc_bundles>
